<compile_context>
chip_gen: v7x
topology: tpu7x:2x2x1
jax: 0.10.2.dev20260603
libtpu: 0.0.44.dev20260713+nightly
codegen_flags: <defaults>
</compile_context>

<pallas_src>
import functools

import jax
import jax.numpy as jnp
from jax import lax
from jax.experimental import pallas as pl
from jax.experimental.pallas import tpu as pltpu
from jax.experimental.pallas import tpu_sc as plsc

N = 2048
D = 32
K = 16
BR = 512

NC = 2
NS = 16
L = 16
NW = NC * NS
RPW = N // NW
CH = RPW // 2

NEG_INF = float("-inf")


def _topk_body(x_blk, x_full, out_idx):
    r = pl.program_id(0)
    xb = x_blk[...]
    xf = x_full[...]
    g = jax.lax.dot_general(
        xb, xf, (((1,), (1,)), ((), ())),
        precision=lax.Precision.HIGHEST,
        preferred_element_type=jnp.float32)
    nf = jnp.sum(xf * xf, axis=1)[None, :]
    s = 2.0 * g - nf
    cols = lax.broadcasted_iota(jnp.int32, (BR, N), 1)
    rows = r * BR + lax.broadcasted_iota(jnp.int32, (BR, 1), 0)
    s = jnp.where(cols == rows, NEG_INF, s)
    lane16 = lax.broadcasted_iota(jnp.int32, (BR, K), 1)
    acc = jnp.zeros((BR, K), dtype=jnp.int32)
    for t in range(K):
        picked = jnp.argmax(s, axis=1).astype(jnp.int32)[:, None]
        acc = jnp.where(lane16 == t, picked, acc)
        s = jnp.where(cols == picked, NEG_INF, s)
    out_idx[...] = acc


def _norm_body(a_blk, out_ahat):
    a = a_blk[...]
    rowsum = jnp.sum(a, axis=1, keepdims=True)
    out_ahat[...] = a * (1.0 / rowsum)


def _adj_sc_body(tk_hbm, a_hbm, tk_v, abuf):
    wid = lax.axis_index("s") * NC + lax.axis_index("c")
    pltpu.sync_copy(tk_hbm, tk_v)
    ones = jnp.ones((L,), jnp.float32)
    zeros = jnp.zeros((L,), jnp.float32)
    for chunk in range(2):
        r0 = wid * RPW + chunk * CH

        @plsc.parallel_loop(0, CH)
        def _(ri):
            for j in range(N // L):
                abuf[ri, pl.ds(j * L, L)] = zeros

        @plsc.parallel_loop(0, CH)
        def _(ri):
            v = tk_v[r0 + ri, :]
            plsc.store_scatter(abuf, [jnp.full((L,), ri, jnp.int32), v], ones)

        @plsc.parallel_loop(0, N, unroll=8)
        def _(i):
            v = tk_v[i, :]
            m = (v >= r0) & (v < r0 + CH)
            rows = jnp.where(m, v - r0, 0)
            cols = jnp.full((L,), i, jnp.int32)
            plsc.store_scatter(abuf, [rows, cols], ones, mask=m)

        pltpu.sync_copy(abuf, a_hbm.at[pl.ds(r0, CH), :])


@jax.jit
def kernel(x):
    topk = pl.pallas_call(
        _topk_body,
        grid=(N // BR,),
        in_specs=[
            pl.BlockSpec((BR, D), lambda r: (r, 0)),
            pl.BlockSpec((N, D), lambda r: (0, 0)),
        ],
        out_specs=pl.BlockSpec((BR, K), lambda r: (r, 0)),
        out_shape=jax.ShapeDtypeStruct((N, K), jnp.int32),
    )(x, x)
    adj_call = pl.kernel(
        _adj_sc_body,
        out_type=jax.ShapeDtypeStruct((N, N), jnp.float32),
        mesh=plsc.VectorSubcoreMesh(core_axis_name="c", subcore_axis_name="s"),
        compiler_params=pltpu.CompilerParams(
            use_tc_tiling_on_sc=False, needs_layout_passes=False),
        scratch_types=[
            pltpu.VMEM((N, K), jnp.int32),
            pltpu.VMEM((CH, N), jnp.float32),
        ],
    )
    a = adj_call(topk)
    ahat = pl.pallas_call(
        _norm_body,
        grid=(N // BR,),
        in_specs=[pl.BlockSpec((BR, N), lambda r: (r, 0))],
        out_specs=pl.BlockSpec((BR, N), lambda r: (r, 0)),
        out_shape=jax.ShapeDtypeStruct((N, N), jnp.float32),
    )(a)
    return (a, ahat)

# --- scband reference (transcript-rebuilt; emitter-appended) ---
"""Pipeline reference for scband-construct-graph-59880434041330 (READ-ONLY COPY).

The authoritative reference and input builder live on the scoring server;
editing this copy changes nothing except your own understanding.
"""

import jax, jax.numpy as jnp
import numpy as np

GAMMA = 1.0
K_NEIGHBER = 16


def setup_inputs(seed: int = 0) -> dict:
    key = jax.random.key(seed)
    x = jax.random.normal(key, (2048, 32), dtype=jnp.float32)
    return {"x": x}


def reference(x):
    num_nodes = x.shape[0]
    # compute_similarity: full pairwise squared distances via broadcasting (faithful)
    x_i = x[:, None, :]
    x_j = x[None, :, :]
    dist_squared = jnp.sum((x_i - x_j) ** 2, axis=2)
    S = jnp.exp(-dist_squared / GAMMA)
    # mask the diagonal with -inf before top-k
    diag_mask = jnp.eye(num_nodes, dtype=bool)
    S = jnp.where(diag_mask, -jnp.inf, S)
    k = min(K_NEIGHBER, num_nodes - 1)
    topk_values, topk_indices = jax.lax.top_k(S, k)
    # build symmetric 0/1 adjacency via scatter-overwrite
    row_indices = jnp.broadcast_to(jnp.arange(num_nodes)[:, None], topk_indices.shape)
    adjacency_matrix = jnp.zeros((num_nodes, num_nodes), dtype=S.dtype)
    adjacency_matrix = adjacency_matrix.at[row_indices, topk_indices].set(1.0)
    adjacency_matrix = adjacency_matrix.at[topk_indices, row_indices].set(1.0)
    # normalize: D^{-1} A  (row normalization via diag matmul, faithful to torch)
    rowsum = jnp.sum(adjacency_matrix, axis=1)
    rowsum_inv = jnp.power(rowsum, -1.0)
    rowsum_inv = jnp.where(jnp.isinf(rowsum_inv), 0.0, rowsum_inv)
    D_inv = jnp.diag(rowsum_inv)
    A_hat = jnp.matmul(D_inv, adjacency_matrix)
    # torch returns (dense adjacency, sparse-COO A_hat); jax has no first-class
    # COO here, so return the dense normalized matrix (same values).
    return (adjacency_matrix, A_hat)

if __name__ == "__main__":
    import jax
    _d = setup_inputs()
    print(jax.jit(kernel)(*tuple(_d.values())))

</pallas_src>

<mosaic_0001>
#map = affine_map<(d0, d1) -> (0, 0)>
module attributes {stable_mosaic.version = 14 : i64} {
  func.func @_adj_sc_body(%arg0: i32, %arg1: i32, %arg2: memref<2048x16xi32, #tpu.memory_space<hbm>>, %arg3: memref<2048x2048xf32, #tpu.memory_space<hbm>>, %arg4: memref<2048x16xi32, #tpu.memory_space<vmem>>, %arg5: memref<32x2048xf32, #tpu.memory_space<vmem>>) attributes {dimension_semantics = [#tpu.dimension_semantics<core_parallel>, #tpu.dimension_semantics<subcore_parallel>], iteration_bounds = array<i64: 2, 16>, scalar_prefetch = 0 : i64, scratch_operands = 2 : i64, tpu.core_type = #tpu.core_type<sc_vector_subcore>, window_params = [{transform_indices = #map}, {transform_indices = #map}]} {
    %mul3A = arith.constant 2 : i32
    %mul3A_0 = arith.muli %arg1, %mul3A : i32
    %add3A = arith.addi %mul3A_0, %arg0 : i32
    "tpu.region"() ({
      %run_scoped3A = tpu.sem_alloc : memref<!tpu.dma_semaphore, #tpu.memory_space<semaphore_mem>>
      tpu.enqueue_dma source(%arg2 : memref<2048x16xi32, #tpu.memory_space<hbm>>) target(%arg4 : memref<2048x16xi32, #tpu.memory_space<vmem>>) target_semaphore(%run_scoped3A : memref<!tpu.dma_semaphore, #tpu.memory_space<semaphore_mem>>)
      tpu.wait_dma2 semaphore(%run_scoped3A : memref<!tpu.dma_semaphore, #tpu.memory_space<semaphore_mem>>) src(%arg2 : memref<2048x16xi32, #tpu.memory_space<hbm>>) dst(%arg4 : memref<2048x16xi32, #tpu.memory_space<vmem>>)
      tpu.yield
    }) : () -> ()
    %broadcast_in_dim3A = arith.constant 1.000000e+00 : f32
    %broadcast_in_dim3A_1 = vector.broadcast %broadcast_in_dim3A : f32 to vector<16xf32>
    %broadcast_in_dim3A_2 = arith.constant 0.000000e+00 : f32
    %broadcast_in_dim3A_3 = vector.broadcast %broadcast_in_dim3A_2 : f32 to vector<16xf32>
    %mul3A_4 = arith.constant 64 : i32
    %mul3A_5 = arith.muli %add3A, %mul3A_4 : i32
    %add3A_6 = arith.constant 0 : i32
    %add3A_7 = arith.addi %mul3A_5, %add3A_6 : i32
    %parallel_loop3A = arith.constant 0 : i32
    %parallel_loop3A_8 = arith.constant 32 : i32
    %parallel_loop3A_9 = arith.constant 1 : i32
    scf.for %parallel_loop3A_29 = %parallel_loop3A to %parallel_loop3A_8 step %parallel_loop3A_9  : i32 {
      %parallel_loop3A_30 = arith.index_cast %parallel_loop3A_29 : i32 to index
      %parallel_loop3A_31 = arith.constant 0 : index
      %parallel_loop3A_32 = tpu.vector_load %arg5[%parallel_loop3A_30, %parallel_loop3A_31] {strides = array<i32>} : memref<32x2048xf32, #tpu.memory_space<vmem>>, vector<16xf32>,
      tpu.vector_store %arg5[%parallel_loop3A_30, %parallel_loop3A_31], %broadcast_in_dim3A_3 {strides = array<i32>} : memref<32x2048xf32, #tpu.memory_space<vmem>>, vector<16xf32>,
      %parallel_loop3A_33 = arith.index_cast %parallel_loop3A_29 : i32 to index
      %parallel_loop3A_34 = arith.constant 16 : index
      %parallel_loop3A_35 = tpu.vector_load %arg5[%parallel_loop3A_33, %parallel_loop3A_34] {strides = array<i32>} : memref<32x2048xf32, #tpu.memory_space<vmem>>, vector<16xf32>,
      tpu.vector_store %arg5[%parallel_loop3A_33, %parallel_loop3A_34], %broadcast_in_dim3A_3 {strides = array<i32>} : memref<32x2048xf32, #tpu.memory_space<vmem>>, vector<16xf32>,
      %parallel_loop3A_36 = arith.index_cast %parallel_loop3A_29 : i32 to index
      %parallel_loop3A_37 = arith.constant 32 : index
      %parallel_loop3A_38 = tpu.vector_load %arg5[%parallel_loop3A_36, %parallel_loop3A_37] {strides = array<i32>} : memref<32x2048xf32, #tpu.memory_space<vmem>>, vector<16xf32>,
      tpu.vector_store %arg5[%parallel_loop3A_36, %parallel_loop3A_37], %broadcast_in_dim3A_3 {strides = array<i32>} : memref<32x2048xf32, #tpu.memory_space<vmem>>, vector<16xf32>,
      %parallel_loop3A_39 = arith.index_cast %parallel_loop3A_29 : i32 to index
      %parallel_loop3A_40 = arith.constant 48 : index
      %parallel_loop3A_41 = tpu.vector_load %arg5[%parallel_loop3A_39, %parallel_loop3A_40] {strides = array<i32>} : memref<32x2048xf32, #tpu.memory_space<vmem>>, vector<16xf32>,
      tpu.vector_store %arg5[%parallel_loop3A_39, %parallel_loop3A_40], %broadcast_in_dim3A_3 {strides = array<i32>} : memref<32x2048xf32, #tpu.memory_space<vmem>>, vector<16xf32>,
      %parallel_loop3A_42 = arith.index_cast %parallel_loop3A_29 : i32 to index
      %parallel_loop3A_43 = arith.constant 64 : index
      %parallel_loop3A_44 = tpu.vector_load %arg5[%parallel_loop3A_42, %parallel_loop3A_43] {strides = array<i32>} : memref<32x2048xf32, #tpu.memory_space<vmem>>, vector<16xf32>,
      tpu.vector_store %arg5[%parallel_loop3A_42, %parallel_loop3A_43], %broadcast_in_dim3A_3 {strides = array<i32>} : memref<32x2048xf32, #tpu.memory_space<vmem>>, vector<16xf32>,
      %parallel_loop3A_45 = arith.index_cast %parallel_loop3A_29 : i32 to index
      %parallel_loop3A_46 = arith.constant 80 : index
      %parallel_loop3A_47 = tpu.vector_load %arg5[%parallel_loop3A_45, %parallel_loop3A_46] {strides = array<i32>} : memref<32x2048xf32, #tpu.memory_space<vmem>>, vector<16xf32>,
      tpu.vector_store %arg5[%parallel_loop3A_45, %parallel_loop3A_46], %broadcast_in_dim3A_3 {strides = array<i32>} : memref<32x2048xf32, #tpu.memory_space<vmem>>, vector<16xf32>,
      %parallel_loop3A_48 = arith.index_cast %parallel_loop3A_29 : i32 to index
      %parallel_loop3A_49 = arith.constant 96 : index
      %parallel_loop3A_50 = tpu.vector_load %arg5[%parallel_loop3A_48, %parallel_loop3A_49] {strides = array<i32>} : memref<32x2048xf32, #tpu.memory_space<vmem>>, vector<16xf32>,
      tpu.vector_store %arg5[%parallel_loop3A_48, %parallel_loop3A_49], %broadcast_in_dim3A_3 {strides = array<i32>} : memref<32x2048xf32, #tpu.memory_space<vmem>>, vector<16xf32>,
      %parallel_loop3A_51 = arith.index_cast %parallel_loop3A_29 : i32 to index
      %parallel_loop3A_52 = arith.constant 112 : index
      %parallel_loop3A_53 = tpu.vector_load %arg5[%parallel_loop3A_51, %parallel_loop3A_52] {strides = array<i32>} : memref<32x2048xf32, #tpu.memory_space<vmem>>, vector<16xf32>,
      tpu.vector_store %arg5[%parallel_loop3A_51, %parallel_loop3A_52], %broadcast_in_dim3A_3 {strides = array<i32>} : memref<32x2048xf32, #tpu.memory_space<vmem>>, vector<16xf32>,
      %parallel_loop3A_54 = arith.index_cast %parallel_loop3A_29 : i32 to index
      %parallel_loop3A_55 = arith.constant 128 : index
      %parallel_loop3A_56 = tpu.vector_load %arg5[%parallel_loop3A_54, %parallel_loop3A_55] {strides = array<i32>} : memref<32x2048xf32, #tpu.memory_space<vmem>>, vector<16xf32>,
      tpu.vector_store %arg5[%parallel_loop3A_54, %parallel_loop3A_55], %broadcast_in_dim3A_3 {strides = array<i32>} : memref<32x2048xf32, #tpu.memory_space<vmem>>, vector<16xf32>,
      %parallel_loop3A_57 = arith.index_cast %parallel_loop3A_29 : i32 to index
      %parallel_loop3A_58 = arith.constant 144 : index
      %parallel_loop3A_59 = tpu.vector_load %arg5[%parallel_loop3A_57, %parallel_loop3A_58] {strides = array<i32>} : memref<32x2048xf32, #tpu.memory_space<vmem>>, vector<16xf32>,
      tpu.vector_store %arg5[%parallel_loop3A_57, %parallel_loop3A_58], %broadcast_in_dim3A_3 {strides = array<i32>} : memref<32x2048xf32, #tpu.memory_space<vmem>>, vector<16xf32>,
      %parallel_loop3A_60 = arith.index_cast %parallel_loop3A_29 : i32 to index
      %parallel_loop3A_61 = arith.constant 160 : index
      %parallel_loop3A_62 = tpu.vector_load %arg5[%parallel_loop3A_60, %parallel_loop3A_61] {strides = array<i32>} : memref<32x2048xf32, #tpu.memory_space<vmem>>, vector<16xf32>,
      tpu.vector_store %arg5[%parallel_loop3A_60, %parallel_loop3A_61], %broadcast_in_dim3A_3 {strides = array<i32>} : memref<32x2048xf32, #tpu.memory_space<vmem>>, vector<16xf32>,
      %parallel_loop3A_63 = arith.index_cast %parallel_loop3A_29 : i32 to index
      %parallel_loop3A_64 = arith.constant 176 : index
      %parallel_loop3A_65 = tpu.vector_load %arg5[%parallel_loop3A_63, %parallel_loop3A_64] {strides = array<i32>} : memref<32x2048xf32, #tpu.memory_space<vmem>>, vector<16xf32>,
      tpu.vector_store %arg5[%parallel_loop3A_63, %parallel_loop3A_64], %broadcast_in_dim3A_3 {strides = array<i32>} : memref<32x2048xf32, #tpu.memory_space<vmem>>, vector<16xf32>,
      %parallel_loop3A_66 = arith.index_cast %parallel_loop3A_29 : i32 to index
      %parallel_loop3A_67 = arith.constant 192 : index
      %parallel_loop3A_68 = tpu.vector_load %arg5[%parallel_loop3A_66, %parallel_loop3A_67] {strides = array<i32>} : memref<32x2048xf32, #tpu.memory_space<vmem>>, vector<16xf32>,
      tpu.vector_store %arg5[%parallel_loop3A_66, %parallel_loop3A_67], %broadcast_in_dim3A_3 {strides = array<i32>} : memref<32x2048xf32, #tpu.memory_space<vmem>>, vector<16xf32>,
      %parallel_loop3A_69 = arith.index_cast %parallel_loop3A_29 : i32 to index
      %parallel_loop3A_70 = arith.constant 208 : index
      %parallel_loop3A_71 = tpu.vector_load %arg5[%parallel_loop3A_69, %parallel_loop3A_70] {strides = array<i32>} : memref<32x2048xf32, #tpu.memory_space<vmem>>, vector<16xf32>,
      tpu.vector_store %arg5[%parallel_loop3A_69, %parallel_loop3A_70], %broadcast_in_dim3A_3 {strides = array<i32>} : memref<32x2048xf32, #tpu.memory_space<vmem>>, vector<16xf32>,
      %parallel_loop3A_72 = arith.index_cast %parallel_loop3A_29 : i32 to index
      %parallel_loop3A_73 = arith.constant 224 : index
      %parallel_loop3A_74 = tpu.vector_load %arg5[%parallel_loop3A_72, %parallel_loop3A_73] {strides = array<i32>} : memref<32x2048xf32, #tpu.memory_space<vmem>>, vector<16xf32>,
      tpu.vector_store %arg5[%parallel_loop3A_72, %parallel_loop3A_73], %broadcast_in_dim3A_3 {strides = array<i32>} : memref<32x2048xf32, #tpu.memory_space<vmem>>, vector<16xf32>,
      %parallel_loop3A_75 = arith.index_cast %parallel_loop3A_29 : i32 to index
      %parallel_loop3A_76 = arith.constant 240 : index
      %parallel_loop3A_77 = tpu.vector_load %arg5[%parallel_loop3A_75, %parallel_loop3A_76] {strides = array<i32>} : memref<32x2048xf32, #tpu.memory_space<vmem>>, vector<16xf32>,
      tpu.vector_store %arg5[%parallel_loop3A_75, %parallel_loop3A_76], %broadcast_in_dim3A_3 {strides = array<i32>} : memref<32x2048xf32, #tpu.memory_space<vmem>>, vector<16xf32>,
      %parallel_loop3A_78 = arith.index_cast %parallel_loop3A_29 : i32 to index
      %parallel_loop3A_79 = arith.constant 256 : index
      %parallel_loop3A_80 = tpu.vector_load %arg5[%parallel_loop3A_78, %parallel_loop3A_79] {strides = array<i32>} : memref<32x2048xf32, #tpu.memory_space<vmem>>, vector<16xf32>,
      tpu.vector_store %arg5[%parallel_loop3A_78, %parallel_loop3A_79], %broadcast_in_dim3A_3 {strides = array<i32>} : memref<32x2048xf32, #tpu.memory_space<vmem>>, vector<16xf32>,
      %parallel_loop3A_81 = arith.index_cast %parallel_loop3A_29 : i32 to index
      %parallel_loop3A_82 = arith.constant 272 : index
      %parallel_loop3A_83 = tpu.vector_load %arg5[%parallel_loop3A_81, %parallel_loop3A_82] {strides = array<i32>} : memref<32x2048xf32, #tpu.memory_space<vmem>>, vector<16xf32>,
      tpu.vector_store %arg5[%parallel_loop3A_81, %parallel_loop3A_82], %broadcast_in_dim3A_3 {strides = array<i32>} : memref<32x2048xf32, #tpu.memory_space<vmem>>, vector<16xf32>,
      %parallel_loop3A_84 = arith.index_cast %parallel_loop3A_29 : i32 to index
      %parallel_loop3A_85 = arith.constant 288 : index
      %parallel_loop3A_86 = tpu.vector_load %arg5[%parallel_loop3A_84, %parallel_loop3A_85] {strides = array<i32>} : memref<32x2048xf32, #tpu.memory_space<vmem>>, vector<16xf32>,
      tpu.vector_store %arg5[%parallel_loop3A_84, %parallel_loop3A_85], %broadcast_in_dim3A_3 {strides = array<i32>} : memref<32x2048xf32, #tpu.memory_space<vmem>>, vector<16xf32>,
      %parallel_loop3A_87 = arith.index_cast %parallel_loop3A_29 : i32 to index
      %parallel_loop3A_88 = arith.constant 304 : index
      %parallel_loop3A_89 = tpu.vector_load %arg5[%parallel_loop3A_87, %parallel_loop3A_88] {strides = array<i32>} : memref<32x2048xf32, #tpu.memory_space<vmem>>, vector<16xf32>,
      tpu.vector_store %arg5[%parallel_loop3A_87, %parallel_loop3A_88], %broadcast_in_dim3A_3 {strides = array<i32>} : memref<32x2048xf32, #tpu.memory_space<vmem>>, vector<16xf32>,
      %parallel_loop3A_90 = arith.index_cast %parallel_loop3A_29 : i32 to index
      %parallel_loop3A_91 = arith.constant 320 : index
      %parallel_loop3A_92 = tpu.vector_load %arg5[%parallel_loop3A_90, %parallel_loop3A_91] {strides = array<i32>} : memref<32x2048xf32, #tpu.memory_space<vmem>>, vector<16xf32>,
      tpu.vector_store %arg5[%parallel_loop3A_90, %parallel_loop3A_91], %broadcast_in_dim3A_3 {strides = array<i32>} : memref<32x2048xf32, #tpu.memory_space<vmem>>, vector<16xf32>,
      %parallel_loop3A_93 = arith.index_cast %parallel_loop3A_29 : i32 to index
      %parallel_loop3A_94 = arith.constant 336 : index
      %parallel_loop3A_95 = tpu.vector_load %arg5[%parallel_loop3A_93, %parallel_loop3A_94] {strides = array<i32>} : memref<32x2048xf32, #tpu.memory_space<vmem>>, vector<16xf32>,
      tpu.vector_store %arg5[%parallel_loop3A_93, %parallel_loop3A_94], %broadcast_in_dim3A_3 {strides = array<i32>} : memref<32x2048xf32, #tpu.memory_space<vmem>>, vector<16xf32>,
      %parallel_loop3A_96 = arith.index_cast %parallel_loop3A_29 : i32 to index
      %parallel_loop3A_97 = arith.constant 352 : index
      %parallel_loop3A_98 = tpu.vector_load %arg5[%parallel_loop3A_96, %parallel_loop3A_97] {strides = array<i32>} : memref<32x2048xf32, #tpu.memory_space<vmem>>, vector<16xf32>,
      tpu.vector_store %arg5[%parallel_loop3A_96, %parallel_loop3A_97], %broadcast_in_dim3A_3 {strides = array<i32>} : memref<32x2048xf32, #tpu.memory_space<vmem>>, vector<16xf32>,
      %parallel_loop3A_99 = arith.index_cast %parallel_loop3A_29 : i32 to index
      %parallel_loop3A_100 = arith.constant 368 : index
      %parallel_loop3A_101 = tpu.vector_load %arg5[%parallel_loop3A_99, %parallel_loop3A_100] {strides = array<i32>} : memref<32x2048xf32, #tpu.memory_space<vmem>>, vector<16xf32>,
      tpu.vector_store %arg5[%parallel_loop3A_99, %parallel_loop3A_100], %broadcast_in_dim3A_3 {strides = array<i32>} : memref<32x2048xf32, #tpu.memory_space<vmem>>, vector<16xf32>,
      %parallel_loop3A_102 = arith.index_cast %parallel_loop3A_29 : i32 to index
      %parallel_loop3A_103 = arith.constant 384 : index
      %parallel_loop3A_104 = tpu.vector_load %arg5[%parallel_loop3A_102, %parallel_loop3A_103] {strides = array<i32>} : memref<32x2048xf32, #tpu.memory_space<vmem>>, vector<16xf32>,
      tpu.vector_store %arg5[%parallel_loop3A_102, %parallel_loop3A_103], %broadcast_in_dim3A_3 {strides = array<i32>} : memref<32x2048xf32, #tpu.memory_space<vmem>>, vector<16xf32>,
      %parallel_loop3A_105 = arith.index_cast %parallel_loop3A_29 : i32 to index
      %parallel_loop3A_106 = arith.constant 400 : index
      %parallel_loop3A_107 = tpu.vector_load %arg5[%parallel_loop3A_105, %parallel_loop3A_106] {strides = array<i32>} : memref<32x2048xf32, #tpu.memory_space<vmem>>, vector<16xf32>,
      tpu.vector_store %arg5[%parallel_loop3A_105, %parallel_loop3A_106], %broadcast_in_dim3A_3 {strides = array<i32>} : memref<32x2048xf32, #tpu.memory_space<vmem>>, vector<16xf32>,
      %parallel_loop3A_108 = arith.index_cast %parallel_loop3A_29 : i32 to index
      %parallel_loop3A_109 = arith.constant 416 : index
      %parallel_loop3A_110 = tpu.vector_load %arg5[%parallel_loop3A_108, %parallel_loop3A_109] {strides = array<i32>} : memref<32x2048xf32, #tpu.memory_space<vmem>>, vector<16xf32>,
      tpu.vector_store %arg5[%parallel_loop3A_108, %parallel_loop3A_109], %broadcast_in_dim3A_3 {strides = array<i32>} : memref<32x2048xf32, #tpu.memory_space<vmem>>, vector<16xf32>,
      %parallel_loop3A_111 = arith.index_cast %parallel_loop3A_29 : i32 to index
      %parallel_loop3A_112 = arith.constant 432 : index
      %parallel_loop3A_113 = tpu.vector_load %arg5[%parallel_loop3A_111, %parallel_loop3A_112] {strides = array<i32>} : memref<32x2048xf32, #tpu.memory_space<vmem>>, vector<16xf32>,
      tpu.vector_store %arg5[%parallel_loop3A_111, %parallel_loop3A_112], %broadcast_in_dim3A_3 {strides = array<i32>} : memref<32x2048xf32, #tpu.memory_space<vmem>>, vector<16xf32>,
      %parallel_loop3A_114 = arith.index_cast %parallel_loop3A_29 : i32 to index
      %parallel_loop3A_115 = arith.constant 448 : index
      %parallel_loop3A_116 = tpu.vector_load %arg5[%parallel_loop3A_114, %parallel_loop3A_115] {strides = array<i32>} : memref<32x2048xf32, #tpu.memory_space<vmem>>, vector<16xf32>,
      tpu.vector_store %arg5[%parallel_loop3A_114, %parallel_loop3A_115], %broadcast_in_dim3A_3 {strides = array<i32>} : memref<32x2048xf32, #tpu.memory_space<vmem>>, vector<16xf32>,
      %parallel_loop3A_117 = arith.index_cast %parallel_loop3A_29 : i32 to index
      %parallel_loop3A_118 = arith.constant 464 : index
      %parallel_loop3A_119 = tpu.vector_load %arg5[%parallel_loop3A_117, %parallel_loop3A_118] {strides = array<i32>} : memref<32x2048xf32, #tpu.memory_space<vmem>>, vector<16xf32>,
      tpu.vector_store %arg5[%parallel_loop3A_117, %parallel_loop3A_118], %broadcast_in_dim3A_3 {strides = array<i32>} : memref<32x2048xf32, #tpu.memory_space<vmem>>, vector<16xf32>,
      %parallel_loop3A_120 = arith.index_cast %parallel_loop3A_29 : i32 to index
      %parallel_loop3A_121 = arith.constant 480 : index
      %parallel_loop3A_122 = tpu.vector_load %arg5[%parallel_loop3A_120, %parallel_loop3A_121] {strides = array<i32>} : memref<32x2048xf32, #tpu.memory_space<vmem>>, vector<16xf32>,
      tpu.vector_store %arg5[%parallel_loop3A_120, %parallel_loop3A_121], %broadcast_in_dim3A_3 {strides = array<i32>} : memref<32x2048xf32, #tpu.memory_space<vmem>>, vector<16xf32>,
      %parallel_loop3A_123 = arith.index_cast %parallel_loop3A_29 : i32 to index
      %parallel_loop3A_124 = arith.constant 496 : index
      %parallel_loop3A_125 = tpu.vector_load %arg5[%parallel_loop3A_123, %parallel_loop3A_124] {strides = array<i32>} : memref<32x2048xf32, #tpu.memory_space<vmem>>, vector<16xf32>,
      tpu.vector_store %arg5[%parallel_loop3A_123, %parallel_loop3A_124], %broadcast_in_dim3A_3 {strides = array<i32>} : memref<32x2048xf32, #tpu.memory_space<vmem>>, vector<16xf32>,
      %parallel_loop3A_126 = arith.index_cast %parallel_loop3A_29 : i32 to index
      %parallel_loop3A_127 = arith.constant 512 : index
      %parallel_loop3A_128 = tpu.vector_load %arg5[%parallel_loop3A_126, %parallel_loop3A_127] {strides = array<i32>} : memref<32x2048xf32, #tpu.memory_space<vmem>>, vector<16xf32>,
      tpu.vector_store %arg5[%parallel_loop3A_126, %parallel_loop3A_127], %broadcast_in_dim3A_3 {strides = array<i32>} : memref<32x2048xf32, #tpu.memory_space<vmem>>, vector<16xf32>,
      %parallel_loop3A_129 = arith.index_cast %parallel_loop3A_29 : i32 to index
      %parallel_loop3A_130 = arith.constant 528 : index
      %parallel_loop3A_131 = tpu.vector_load %arg5[%parallel_loop3A_129, %parallel_loop3A_130] {strides = array<i32>} : memref<32x2048xf32, #tpu.memory_space<vmem>>, vector<16xf32>,
      tpu.vector_store %arg5[%parallel_loop3A_129, %parallel_loop3A_130], %broadcast_in_dim3A_3 {strides = array<i32>} : memref<32x2048xf32, #tpu.memory_space<vmem>>, vector<16xf32>,
      %parallel_loop3A_132 = arith.index_cast %parallel_loop3A_29 : i32 to index
      %parallel_loop3A_133 = arith.constant 544 : index
      %parallel_loop3A_134 = tpu.vector_load %arg5[%parallel_loop3A_132, %parallel_loop3A_133] {strides = array<i32>} : memref<32x2048xf32, #tpu.memory_space<vmem>>, vector<16xf32>,
      tpu.vector_store %arg5[%parallel_loop3A_132, %parallel_loop3A_133], %broadcast_in_dim3A_3 {strides = array<i32>} : memref<32x2048xf32, #tpu.memory_space<vmem>>, vector<16xf32>,
      %parallel_loop3A_135 = arith.index_cast %parallel_loop3A_29 : i32 to index
      %parallel_loop3A_136 = arith.constant 560 : index
      %parallel_loop3A_137 = tpu.vector_load %arg5[%parallel_loop3A_135, %parallel_loop3A_136] {strides = array<i32>} : memref<32x2048xf32, #tpu.memory_space<vmem>>, vector<16xf32>,
      tpu.vector_store %arg5[%parallel_loop3A_135, %parallel_loop3A_136], %broadcast_in_dim3A_3 {strides = array<i32>} : memref<32x2048xf32, #tpu.memory_space<vmem>>, vector<16xf32>,
      %parallel_loop3A_138 = arith.index_cast %parallel_loop3A_29 : i32 to index
      %parallel_loop3A_139 = arith.constant 576 : index
      %parallel_loop3A_140 = tpu.vector_load %arg5[%parallel_loop3A_138, %parallel_loop3A_139] {strides = array<i32>} : memref<32x2048xf32, #tpu.memory_space<vmem>>, vector<16xf32>,
      tpu.vector_store %arg5[%parallel_loop3A_138, %parallel_loop3A_139], %broadcast_in_dim3A_3 {strides = array<i32>} : memref<32x2048xf32, #tpu.memory_space<vmem>>, vector<16xf32>,
      %parallel_loop3A_141 = arith.index_cast %parallel_loop3A_29 : i32 to index
      %parallel_loop3A_142 = arith.constant 592 : index
      %parallel_loop3A_143 = tpu.vector_load %arg5[%parallel_loop3A_141, %parallel_loop3A_142] {strides = array<i32>} : memref<32x2048xf32, #tpu.memory_space<vmem>>, vector<16xf32>,
      tpu.vector_store %arg5[%parallel_loop3A_141, %parallel_loop3A_142], %broadcast_in_dim3A_3 {strides = array<i32>} : memref<32x2048xf32, #tpu.memory_space<vmem>>, vector<16xf32>,
      %parallel_loop3A_144 = arith.index_cast %parallel_loop3A_29 : i32 to index
      %parallel_loop3A_145 = arith.constant 608 : index
      %parallel_loop3A_146 = tpu.vector_load %arg5[%parallel_loop3A_144, %parallel_loop3A_145] {strides = array<i32>} : memref<32x2048xf32, #tpu.memory_space<vmem>>, vector<16xf32>,
      tpu.vector_store %arg5[%parallel_loop3A_144, %parallel_loop3A_145], %broadcast_in_dim3A_3 {strides = array<i32>} : memref<32x2048xf32, #tpu.memory_space<vmem>>, vector<16xf32>,
      %parallel_loop3A_147 = arith.index_cast %parallel_loop3A_29 : i32 to index
      %parallel_loop3A_148 = arith.constant 624 : index
      %parallel_loop3A_149 = tpu.vector_load %arg5[%parallel_loop3A_147, %parallel_loop3A_148] {strides = array<i32>} : memref<32x2048xf32, #tpu.memory_space<vmem>>, vector<16xf32>,
      tpu.vector_store %arg5[%parallel_loop3A_147, %parallel_loop3A_148], %broadcast_in_dim3A_3 {strides = array<i32>} : memref<32x2048xf32, #tpu.memory_space<vmem>>, vector<16xf32>,
      %parallel_loop3A_150 = arith.index_cast %parallel_loop3A_29 : i32 to index
      %parallel_loop3A_151 = arith.constant 640 : index
      %parallel_loop3A_152 = tpu.vector_load %arg5[%parallel_loop3A_150, %parallel_loop3A_151] {strides = array<i32>} : memref<32x2048xf32, #tpu.memory_space<vmem>>, vector<16xf32>,
      tpu.vector_store %arg5[%parallel_loop3A_150, %parallel_loop3A_151], %broadcast_in_dim3A_3 {strides = array<i32>} : memref<32x2048xf32, #tpu.memory_space<vmem>>, vector<16xf32>,
      %parallel_loop3A_153 = arith.index_cast %parallel_loop3A_29 : i32 to index
      %parallel_loop3A_154 = arith.constant 656 : index
      %parallel_loop3A_155 = tpu.vector_load %arg5[%parallel_loop3A_153, %parallel_loop3A_154] {strides = array<i32>} : memref<32x2048xf32, #tpu.memory_space<vmem>>, vector<16xf32>,
      tpu.vector_store %arg5[%parallel_loop3A_153, %parallel_loop3A_154], %broadcast_in_dim3A_3 {strides = array<i32>} : memref<32x2048xf32, #tpu.memory_space<vmem>>, vector<16xf32>,
      %parallel_loop3A_156 = arith.index_cast %parallel_loop3A_29 : i32 to index
      %parallel_loop3A_157 = arith.constant 672 : index
      %parallel_loop3A_158 = tpu.vector_load %arg5[%parallel_loop3A_156, %parallel_loop3A_157] {strides = array<i32>} : memref<32x2048xf32, #tpu.memory_space<vmem>>, vector<16xf32>,
      tpu.vector_store %arg5[%parallel_loop3A_156, %parallel_loop3A_157], %broadcast_in_dim3A_3 {strides = array<i32>} : memref<32x2048xf32, #tpu.memory_space<vmem>>, vector<16xf32>,
      %parallel_loop3A_159 = arith.index_cast %parallel_loop3A_29 : i32 to index
      %parallel_loop3A_160 = arith.constant 688 : index
      %parallel_loop3A_161 = tpu.vector_load %arg5[%parallel_loop3A_159, %parallel_loop3A_160] {strides = array<i32>} : memref<32x2048xf32, #tpu.memory_space<vmem>>, vector<16xf32>,
      tpu.vector_store %arg5[%parallel_loop3A_159, %parallel_loop3A_160], %broadcast_in_dim3A_3 {strides = array<i32>} : memref<32x2048xf32, #tpu.memory_space<vmem>>, vector<16xf32>,
      %parallel_loop3A_162 = arith.index_cast %parallel_loop3A_29 : i32 to index
      %parallel_loop3A_163 = arith.constant 704 : index
      %parallel_loop3A_164 = tpu.vector_load %arg5[%parallel_loop3A_162, %parallel_loop3A_163] {strides = array<i32>} : memref<32x2048xf32, #tpu.memory_space<vmem>>, vector<16xf32>,
      tpu.vector_store %arg5[%parallel_loop3A_162, %parallel_loop3A_163], %broadcast_in_dim3A_3 {strides = array<i32>} : memref<32x2048xf32, #tpu.memory_space<vmem>>, vector<16xf32>,
      %parallel_loop3A_165 = arith.index_cast %parallel_loop3A_29 : i32 to index
      %parallel_loop3A_166 = arith.constant 720 : index
      %parallel_loop3A_167 = tpu.vector_load %arg5[%parallel_loop3A_165, %parallel_loop3A_166] {strides = array<i32>} : memref<32x2048xf32, #tpu.memory_space<vmem>>, vector<16xf32>,
      tpu.vector_store %arg5[%parallel_loop3A_165, %parallel_loop3A_166], %broadcast_in_dim3A_3 {strides = array<i32>} : memref<32x2048xf32, #tpu.memory_space<vmem>>, vector<16xf32>,
      %parallel_loop3A_168 = arith.index_cast %parallel_loop3A_29 : i32 to index
      %parallel_loop3A_169 = arith.constant 736 : index
      %parallel_loop3A_170 = tpu.vector_load %arg5[%parallel_loop3A_168, %parallel_loop3A_169] {strides = array<i32>} : memref<32x2048xf32, #tpu.memory_space<vmem>>, vector<16xf32>,
      tpu.vector_store %arg5[%parallel_loop3A_168, %parallel_loop3A_169], %broadcast_in_dim3A_3 {strides = array<i32>} : memref<32x2048xf32, #tpu.memory_space<vmem>>, vector<16xf32>,
      %parallel_loop3A_171 = arith.index_cast %parallel_loop3A_29 : i32 to index
      %parallel_loop3A_172 = arith.constant 752 : index
      %parallel_loop3A_173 = tpu.vector_load %arg5[%parallel_loop3A_171, %parallel_loop3A_172] {strides = array<i32>} : memref<32x2048xf32, #tpu.memory_space<vmem>>, vector<16xf32>,
      tpu.vector_store %arg5[%parallel_loop3A_171, %parallel_loop3A_172], %broadcast_in_dim3A_3 {strides = array<i32>} : memref<32x2048xf32, #tpu.memory_space<vmem>>, vector<16xf32>,
      %parallel_loop3A_174 = arith.index_cast %parallel_loop3A_29 : i32 to index
      %parallel_loop3A_175 = arith.constant 768 : index
      %parallel_loop3A_176 = tpu.vector_load %arg5[%parallel_loop3A_174, %parallel_loop3A_175] {strides = array<i32>} : memref<32x2048xf32, #tpu.memory_space<vmem>>, vector<16xf32>,
      tpu.vector_store %arg5[%parallel_loop3A_174, %parallel_loop3A_175], %broadcast_in_dim3A_3 {strides = array<i32>} : memref<32x2048xf32, #tpu.memory_space<vmem>>, vector<16xf32>,
      %parallel_loop3A_177 = arith.index_cast %parallel_loop3A_29 : i32 to index
      %parallel_loop3A_178 = arith.constant 784 : index
      %parallel_loop3A_179 = tpu.vector_load %arg5[%parallel_loop3A_177, %parallel_loop3A_178] {strides = array<i32>} : memref<32x2048xf32, #tpu.memory_space<vmem>>, vector<16xf32>,
      tpu.vector_store %arg5[%parallel_loop3A_177, %parallel_loop3A_178], %broadcast_in_dim3A_3 {strides = array<i32>} : memref<32x2048xf32, #tpu.memory_space<vmem>>, vector<16xf32>,
      %parallel_loop3A_180 = arith.index_cast %parallel_loop3A_29 : i32 to index
      %parallel_loop3A_181 = arith.constant 800 : index
      %parallel_loop3A_182 = tpu.vector_load %arg5[%parallel_loop3A_180, %parallel_loop3A_181] {strides = array<i32>} : memref<32x2048xf32, #tpu.memory_space<vmem>>, vector<16xf32>,
      tpu.vector_store %arg5[%parallel_loop3A_180, %parallel_loop3A_181], %broadcast_in_dim3A_3 {strides = array<i32>} : memref<32x2048xf32, #tpu.memory_space<vmem>>, vector<16xf32>,
      %parallel_loop3A_183 = arith.index_cast %parallel_loop3A_29 : i32 to index
      %parallel_loop3A_184 = arith.constant 816 : index
      %parallel_loop3A_185 = tpu.vector_load %arg5[%parallel_loop3A_183, %parallel_loop3A_184] {strides = array<i32>} : memref<32x2048xf32, #tpu.memory_space<vmem>>, vector<16xf32>,
      tpu.vector_store %arg5[%parallel_loop3A_183, %parallel_loop3A_184], %broadcast_in_dim3A_3 {strides = array<i32>} : memref<32x2048xf32, #tpu.memory_space<vmem>>, vector<16xf32>,
      %parallel_loop3A_186 = arith.index_cast %parallel_loop3A_29 : i32 to index
      %parallel_loop3A_187 = arith.constant 832 : index
      %parallel_loop3A_188 = tpu.vector_load %arg5[%parallel_loop3A_186, %parallel_loop3A_187] {strides = array<i32>} : memref<32x2048xf32, #tpu.memory_space<vmem>>, vector<16xf32>,
      tpu.vector_store %arg5[%parallel_loop3A_186, %parallel_loop3A_187], %broadcast_in_dim3A_3 {strides = array<i32>} : memref<32x2048xf32, #tpu.memory_space<vmem>>, vector<16xf32>,
      %parallel_loop3A_189 = arith.index_cast %parallel_loop3A_29 : i32 to index
      %parallel_loop3A_190 = arith.constant 848 : index
      %parallel_loop3A_191 = tpu.vector_load %arg5[%parallel_loop3A_189, %parallel_loop3A_190] {strides = array<i32>} : memref<32x2048xf32, #tpu.memory_space<vmem>>, vector<16xf32>,
      tpu.vector_store %arg5[%parallel_loop3A_189, %parallel_loop3A_190], %broadcast_in_dim3A_3 {strides = array<i32>} : memref<32x2048xf32, #tpu.memory_space<vmem>>, vector<16xf32>,
      %parallel_loop3A_192 = arith.index_cast %parallel_loop3A_29 : i32 to index
      %parallel_loop3A_193 = arith.constant 864 : index
      %parallel_loop3A_194 = tpu.vector_load %arg5[%parallel_loop3A_192, %parallel_loop3A_193] {strides = array<i32>} : memref<32x2048xf32, #tpu.memory_space<vmem>>, vector<16xf32>,
      tpu.vector_store %arg5[%parallel_loop3A_192, %parallel_loop3A_193], %broadcast_in_dim3A_3 {strides = array<i32>} : memref<32x2048xf32, #tpu.memory_space<vmem>>, vector<16xf32>,
      %parallel_loop3A_195 = arith.index_cast %parallel_loop3A_29 : i32 to index
      %parallel_loop3A_196 = arith.constant 880 : index
      %parallel_loop3A_197 = tpu.vector_load %arg5[%parallel_loop3A_195, %parallel_loop3A_196] {strides = array<i32>} : memref<32x2048xf32, #tpu.memory_space<vmem>>, vector<16xf32>,
      tpu.vector_store %arg5[%parallel_loop3A_195, %parallel_loop3A_196], %broadcast_in_dim3A_3 {strides = array<i32>} : memref<32x2048xf32, #tpu.memory_space<vmem>>, vector<16xf32>,
      %parallel_loop3A_198 = arith.index_cast %parallel_loop3A_29 : i32 to index
      %parallel_loop3A_199 = arith.constant 896 : index
      %parallel_loop3A_200 = tpu.vector_load %arg5[%parallel_loop3A_198, %parallel_loop3A_199] {strides = array<i32>} : memref<32x2048xf32, #tpu.memory_space<vmem>>, vector<16xf32>,
      tpu.vector_store %arg5[%parallel_loop3A_198, %parallel_loop3A_199], %broadcast_in_dim3A_3 {strides = array<i32>} : memref<32x2048xf32, #tpu.memory_space<vmem>>, vector<16xf32>,
      %parallel_loop3A_201 = arith.index_cast %parallel_loop3A_29 : i32 to index
      %parallel_loop3A_202 = arith.constant 912 : index
      %parallel_loop3A_203 = tpu.vector_load %arg5[%parallel_loop3A_201, %parallel_loop3A_202] {strides = array<i32>} : memref<32x2048xf32, #tpu.memory_space<vmem>>, vector<16xf32>,
      tpu.vector_store %arg5[%parallel_loop3A_201, %parallel_loop3A_202], %broadcast_in_dim3A_3 {strides = array<i32>} : memref<32x2048xf32, #tpu.memory_space<vmem>>, vector<16xf32>,
      %parallel_loop3A_204 = arith.index_cast %parallel_loop3A_29 : i32 to index
      %parallel_loop3A_205 = arith.constant 928 : index
      %parallel_loop3A_206 = tpu.vector_load %arg5[%parallel_loop3A_204, %parallel_loop3A_205] {strides = array<i32>} : memref<32x2048xf32, #tpu.memory_space<vmem>>, vector<16xf32>,
      tpu.vector_store %arg5[%parallel_loop3A_204, %parallel_loop3A_205], %broadcast_in_dim3A_3 {strides = array<i32>} : memref<32x2048xf32, #tpu.memory_space<vmem>>, vector<16xf32>,
      %parallel_loop3A_207 = arith.index_cast %parallel_loop3A_29 : i32 to index
      %parallel_loop3A_208 = arith.constant 944 : index
      %parallel_loop3A_209 = tpu.vector_load %arg5[%parallel_loop3A_207, %parallel_loop3A_208] {strides = array<i32>} : memref<32x2048xf32, #tpu.memory_space<vmem>>, vector<16xf32>,
      tpu.vector_store %arg5[%parallel_loop3A_207, %parallel_loop3A_208], %broadcast_in_dim3A_3 {strides = array<i32>} : memref<32x2048xf32, #tpu.memory_space<vmem>>, vector<16xf32>,
      %parallel_loop3A_210 = arith.index_cast %parallel_loop3A_29 : i32 to index
      %parallel_loop3A_211 = arith.constant 960 : index
      %parallel_loop3A_212 = tpu.vector_load %arg5[%parallel_loop3A_210, %parallel_loop3A_211] {strides = array<i32>} : memref<32x2048xf32, #tpu.memory_space<vmem>>, vector<16xf32>,
      tpu.vector_store %arg5[%parallel_loop3A_210, %parallel_loop3A_211], %broadcast_in_dim3A_3 {strides = array<i32>} : memref<32x2048xf32, #tpu.memory_space<vmem>>, vector<16xf32>,
      %parallel_loop3A_213 = arith.index_cast %parallel_loop3A_29 : i32 to index
      %parallel_loop3A_214 = arith.constant 976 : index
      %parallel_loop3A_215 = tpu.vector_load %arg5[%parallel_loop3A_213, %parallel_loop3A_214] {strides = array<i32>} : memref<32x2048xf32, #tpu.memory_space<vmem>>, vector<16xf32>,
      tpu.vector_store %arg5[%parallel_loop3A_213, %parallel_loop3A_214], %broadcast_in_dim3A_3 {strides = array<i32>} : memref<32x2048xf32, #tpu.memory_space<vmem>>, vector<16xf32>,
      %parallel_loop3A_216 = arith.index_cast %parallel_loop3A_29 : i32 to index
      %parallel_loop3A_217 = arith.constant 992 : index
      %parallel_loop3A_218 = tpu.vector_load %arg5[%parallel_loop3A_216, %parallel_loop3A_217] {strides = array<i32>} : memref<32x2048xf32, #tpu.memory_space<vmem>>, vector<16xf32>,
      tpu.vector_store %arg5[%parallel_loop3A_216, %parallel_loop3A_217], %broadcast_in_dim3A_3 {strides = array<i32>} : memref<32x2048xf32, #tpu.memory_space<vmem>>, vector<16xf32>,
      %parallel_loop3A_219 = arith.index_cast %parallel_loop3A_29 : i32 to index
      %parallel_loop3A_220 = arith.constant 1008 : index
      %parallel_loop3A_221 = tpu.vector_load %arg5[%parallel_loop3A_219, %parallel_loop3A_220] {strides = array<i32>} : memref<32x2048xf32, #tpu.memory_space<vmem>>, vector<16xf32>,
      tpu.vector_store %arg5[%parallel_loop3A_219, %parallel_loop3A_220], %broadcast_in_dim3A_3 {strides = array<i32>} : memref<32x2048xf32, #tpu.memory_space<vmem>>, vector<16xf32>,
      %parallel_loop3A_222 = arith.index_cast %parallel_loop3A_29 : i32 to index
      %parallel_loop3A_223 = arith.constant 1024 : index
      %parallel_loop3A_224 = tpu.vector_load %arg5[%parallel_loop3A_222, %parallel_loop3A_223] {strides = array<i32>} : memref<32x2048xf32, #tpu.memory_space<vmem>>, vector<16xf32>,
      tpu.vector_store %arg5[%parallel_loop3A_222, %parallel_loop3A_223], %broadcast_in_dim3A_3 {strides = array<i32>} : memref<32x2048xf32, #tpu.memory_space<vmem>>, vector<16xf32>,
      %parallel_loop3A_225 = arith.index_cast %parallel_loop3A_29 : i32 to index
      %parallel_loop3A_226 = arith.constant 1040 : index
      %parallel_loop3A_227 = tpu.vector_load %arg5[%parallel_loop3A_225, %parallel_loop3A_226] {strides = array<i32>} : memref<32x2048xf32, #tpu.memory_space<vmem>>, vector<16xf32>,
      tpu.vector_store %arg5[%parallel_loop3A_225, %parallel_loop3A_226], %broadcast_in_dim3A_3 {strides = array<i32>} : memref<32x2048xf32, #tpu.memory_space<vmem>>, vector<16xf32>,
      %parallel_loop3A_228 = arith.index_cast %parallel_loop3A_29 : i32 to index
      %parallel_loop3A_229 = arith.constant 1056 : index
      %parallel_loop3A_230 = tpu.vector_load %arg5[%parallel_loop3A_228, %parallel_loop3A_229] {strides = array<i32>} : memref<32x2048xf32, #tpu.memory_space<vmem>>, vector<16xf32>,
      tpu.vector_store %arg5[%parallel_loop3A_228, %parallel_loop3A_229], %broadcast_in_dim3A_3 {strides = array<i32>} : memref<32x2048xf32, #tpu.memory_space<vmem>>, vector<16xf32>,
      %parallel_loop3A_231 = arith.index_cast %parallel_loop3A_29 : i32 to index
      %parallel_loop3A_232 = arith.constant 1072 : index
      %parallel_loop3A_233 = tpu.vector_load %arg5[%parallel_loop3A_231, %parallel_loop3A_232] {strides = array<i32>} : memref<32x2048xf32, #tpu.memory_space<vmem>>, vector<16xf32>,
      tpu.vector_store %arg5[%parallel_loop3A_231, %parallel_loop3A_232], %broadcast_in_dim3A_3 {strides = array<i32>} : memref<32x2048xf32, #tpu.memory_space<vmem>>, vector<16xf32>,
      %parallel_loop3A_234 = arith.index_cast %parallel_loop3A_29 : i32 to index
      %parallel_loop3A_235 = arith.constant 1088 : index
      %parallel_loop3A_236 = tpu.vector_load %arg5[%parallel_loop3A_234, %parallel_loop3A_235] {strides = array<i32>} : memref<32x2048xf32, #tpu.memory_space<vmem>>, vector<16xf32>,
      tpu.vector_store %arg5[%parallel_loop3A_234, %parallel_loop3A_235], %broadcast_in_dim3A_3 {strides = array<i32>} : memref<32x2048xf32, #tpu.memory_space<vmem>>, vector<16xf32>,
      %parallel_loop3A_237 = arith.index_cast %parallel_loop3A_29 : i32 to index
      %parallel_loop3A_238 = arith.constant 1104 : index
      %parallel_loop3A_239 = tpu.vector_load %arg5[%parallel_loop3A_237, %parallel_loop3A_238] {strides = array<i32>} : memref<32x2048xf32, #tpu.memory_space<vmem>>, vector<16xf32>,
      tpu.vector_store %arg5[%parallel_loop3A_237, %parallel_loop3A_238], %broadcast_in_dim3A_3 {strides = array<i32>} : memref<32x2048xf32, #tpu.memory_space<vmem>>, vector<16xf32>,
      %parallel_loop3A_240 = arith.index_cast %parallel_loop3A_29 : i32 to index
      %parallel_loop3A_241 = arith.constant 1120 : index
      %parallel_loop3A_242 = tpu.vector_load %arg5[%parallel_loop3A_240, %parallel_loop3A_241] {strides = array<i32>} : memref<32x2048xf32, #tpu.memory_space<vmem>>, vector<16xf32>,
      tpu.vector_store %arg5[%parallel_loop3A_240, %parallel_loop3A_241], %broadcast_in_dim3A_3 {strides = array<i32>} : memref<32x2048xf32, #tpu.memory_space<vmem>>, vector<16xf32>,
      %parallel_loop3A_243 = arith.index_cast %parallel_loop3A_29 : i32 to index
      %parallel_loop3A_244 = arith.constant 1136 : index
      %parallel_loop3A_245 = tpu.vector_load %arg5[%parallel_loop3A_243, %parallel_loop3A_244] {strides = array<i32>} : memref<32x2048xf32, #tpu.memory_space<vmem>>, vector<16xf32>,
      tpu.vector_store %arg5[%parallel_loop3A_243, %parallel_loop3A_244], %broadcast_in_dim3A_3 {strides = array<i32>} : memref<32x2048xf32, #tpu.memory_space<vmem>>, vector<16xf32>,
      %parallel_loop3A_246 = arith.index_cast %parallel_loop3A_29 : i32 to index
      %parallel_loop3A_247 = arith.constant 1152 : index
      %parallel_loop3A_248 = tpu.vector_load %arg5[%parallel_loop3A_246, %parallel_loop3A_247] {strides = array<i32>} : memref<32x2048xf32, #tpu.memory_space<vmem>>, vector<16xf32>,
      tpu.vector_store %arg5[%parallel_loop3A_246, %parallel_loop3A_247], %broadcast_in_dim3A_3 {strides = array<i32>} : memref<32x2048xf32, #tpu.memory_space<vmem>>, vector<16xf32>,
      %parallel_loop3A_249 = arith.index_cast %parallel_loop3A_29 : i32 to index
      %parallel_loop3A_250 = arith.constant 1168 : index
      %parallel_loop3A_251 = tpu.vector_load %arg5[%parallel_loop3A_249, %parallel_loop3A_250] {strides = array<i32>} : memref<32x2048xf32, #tpu.memory_space<vmem>>, vector<16xf32>,
      tpu.vector_store %arg5[%parallel_loop3A_249, %parallel_loop3A_250], %broadcast_in_dim3A_3 {strides = array<i32>} : memref<32x2048xf32, #tpu.memory_space<vmem>>, vector<16xf32>,
      %parallel_loop3A_252 = arith.index_cast %parallel_loop3A_29 : i32 to index
      %parallel_loop3A_253 = arith.constant 1184 : index
      %parallel_loop3A_254 = tpu.vector_load %arg5[%parallel_loop3A_252, %parallel_loop3A_253] {strides = array<i32>} : memref<32x2048xf32, #tpu.memory_space<vmem>>, vector<16xf32>,
      tpu.vector_store %arg5[%parallel_loop3A_252, %parallel_loop3A_253], %broadcast_in_dim3A_3 {strides = array<i32>} : memref<32x2048xf32, #tpu.memory_space<vmem>>, vector<16xf32>,
      %parallel_loop3A_255 = arith.index_cast %parallel_loop3A_29 : i32 to index
      %parallel_loop3A_256 = arith.constant 1200 : index
      %parallel_loop3A_257 = tpu.vector_load %arg5[%parallel_loop3A_255, %parallel_loop3A_256] {strides = array<i32>} : memref<32x2048xf32, #tpu.memory_space<vmem>>, vector<16xf32>,
      tpu.vector_store %arg5[%parallel_loop3A_255, %parallel_loop3A_256], %broadcast_in_dim3A_3 {strides = array<i32>} : memref<32x2048xf32, #tpu.memory_space<vmem>>, vector<16xf32>,
      %parallel_loop3A_258 = arith.index_cast %parallel_loop3A_29 : i32 to index
      %parallel_loop3A_259 = arith.constant 1216 : index
      %parallel_loop3A_260 = tpu.vector_load %arg5[%parallel_loop3A_258, %parallel_loop3A_259] {strides = array<i32>} : memref<32x2048xf32, #tpu.memory_space<vmem>>, vector<16xf32>,
      tpu.vector_store %arg5[%parallel_loop3A_258, %parallel_loop3A_259], %broadcast_in_dim3A_3 {strides = array<i32>} : memref<32x2048xf32, #tpu.memory_space<vmem>>, vector<16xf32>,
      %parallel_loop3A_261 = arith.index_cast %parallel_loop3A_29 : i32 to index
      %parallel_loop3A_262 = arith.constant 1232 : index
      %parallel_loop3A_263 = tpu.vector_load %arg5[%parallel_loop3A_261, %parallel_loop3A_262] {strides = array<i32>} : memref<32x2048xf32, #tpu.memory_space<vmem>>, vector<16xf32>,
      tpu.vector_store %arg5[%parallel_loop3A_261, %parallel_loop3A_262], %broadcast_in_dim3A_3 {strides = array<i32>} : memref<32x2048xf32, #tpu.memory_space<vmem>>, vector<16xf32>,
      %parallel_loop3A_264 = arith.index_cast %parallel_loop3A_29 : i32 to index
      %parallel_loop3A_265 = arith.constant 1248 : index
      %parallel_loop3A_266 = tpu.vector_load %arg5[%parallel_loop3A_264, %parallel_loop3A_265] {strides = array<i32>} : memref<32x2048xf32, #tpu.memory_space<vmem>>, vector<16xf32>,
      tpu.vector_store %arg5[%parallel_loop3A_264, %parallel_loop3A_265], %broadcast_in_dim3A_3 {strides = array<i32>} : memref<32x2048xf32, #tpu.memory_space<vmem>>, vector<16xf32>,
      %parallel_loop3A_267 = arith.index_cast %parallel_loop3A_29 : i32 to index
      %parallel_loop3A_268 = arith.constant 1264 : index
      %parallel_loop3A_269 = tpu.vector_load %arg5[%parallel_loop3A_267, %parallel_loop3A_268] {strides = array<i32>} : memref<32x2048xf32, #tpu.memory_space<vmem>>, vector<16xf32>,
      tpu.vector_store %arg5[%parallel_loop3A_267, %parallel_loop3A_268], %broadcast_in_dim3A_3 {strides = array<i32>} : memref<32x2048xf32, #tpu.memory_space<vmem>>, vector<16xf32>,
      %parallel_loop3A_270 = arith.index_cast %parallel_loop3A_29 : i32 to index
      %parallel_loop3A_271 = arith.constant 1280 : index
      %parallel_loop3A_272 = tpu.vector_load %arg5[%parallel_loop3A_270, %parallel_loop3A_271] {strides = array<i32>} : memref<32x2048xf32, #tpu.memory_space<vmem>>, vector<16xf32>,
      tpu.vector_store %arg5[%parallel_loop3A_270, %parallel_loop3A_271], %broadcast_in_dim3A_3 {strides = array<i32>} : memref<32x2048xf32, #tpu.memory_space<vmem>>, vector<16xf32>,
      %parallel_loop3A_273 = arith.index_cast %parallel_loop3A_29 : i32 to index
      %parallel_loop3A_274 = arith.constant 1296 : index
      %parallel_loop3A_275 = tpu.vector_load %arg5[%parallel_loop3A_273, %parallel_loop3A_274] {strides = array<i32>} : memref<32x2048xf32, #tpu.memory_space<vmem>>, vector<16xf32>,
      tpu.vector_store %arg5[%parallel_loop3A_273, %parallel_loop3A_274], %broadcast_in_dim3A_3 {strides = array<i32>} : memref<32x2048xf32, #tpu.memory_space<vmem>>, vector<16xf32>,
      %parallel_loop3A_276 = arith.index_cast %parallel_loop3A_29 : i32 to index
      %parallel_loop3A_277 = arith.constant 1312 : index
      %parallel_loop3A_278 = tpu.vector_load %arg5[%parallel_loop3A_276, %parallel_loop3A_277] {strides = array<i32>} : memref<32x2048xf32, #tpu.memory_space<vmem>>, vector<16xf32>,
      tpu.vector_store %arg5[%parallel_loop3A_276, %parallel_loop3A_277], %broadcast_in_dim3A_3 {strides = array<i32>} : memref<32x2048xf32, #tpu.memory_space<vmem>>, vector<16xf32>,
      %parallel_loop3A_279 = arith.index_cast %parallel_loop3A_29 : i32 to index
      %parallel_loop3A_280 = arith.constant 1328 : index
      %parallel_loop3A_281 = tpu.vector_load %arg5[%parallel_loop3A_279, %parallel_loop3A_280] {strides = array<i32>} : memref<32x2048xf32, #tpu.memory_space<vmem>>, vector<16xf32>,
      tpu.vector_store %arg5[%parallel_loop3A_279, %parallel_loop3A_280], %broadcast_in_dim3A_3 {strides = array<i32>} : memref<32x2048xf32, #tpu.memory_space<vmem>>, vector<16xf32>,
      %parallel_loop3A_282 = arith.index_cast %parallel_loop3A_29 : i32 to index
      %parallel_loop3A_283 = arith.constant 1344 : index
      %parallel_loop3A_284 = tpu.vector_load %arg5[%parallel_loop3A_282, %parallel_loop3A_283] {strides = array<i32>} : memref<32x2048xf32, #tpu.memory_space<vmem>>, vector<16xf32>,
      tpu.vector_store %arg5[%parallel_loop3A_282, %parallel_loop3A_283], %broadcast_in_dim3A_3 {strides = array<i32>} : memref<32x2048xf32, #tpu.memory_space<vmem>>, vector<16xf32>,
      %parallel_loop3A_285 = arith.index_cast %parallel_loop3A_29 : i32 to index
      %parallel_loop3A_286 = arith.constant 1360 : index
      %parallel_loop3A_287 = tpu.vector_load %arg5[%parallel_loop3A_285, %parallel_loop3A_286] {strides = array<i32>} : memref<32x2048xf32, #tpu.memory_space<vmem>>, vector<16xf32>,
      tpu.vector_store %arg5[%parallel_loop3A_285, %parallel_loop3A_286], %broadcast_in_dim3A_3 {strides = array<i32>} : memref<32x2048xf32, #tpu.memory_space<vmem>>, vector<16xf32>,
      %parallel_loop3A_288 = arith.index_cast %parallel_loop3A_29 : i32 to index
      %parallel_loop3A_289 = arith.constant 1376 : index
      %parallel_loop3A_290 = tpu.vector_load %arg5[%parallel_loop3A_288, %parallel_loop3A_289] {strides = array<i32>} : memref<32x2048xf32, #tpu.memory_space<vmem>>, vector<16xf32>,
      tpu.vector_store %arg5[%parallel_loop3A_288, %parallel_loop3A_289], %broadcast_in_dim3A_3 {strides = array<i32>} : memref<32x2048xf32, #tpu.memory_space<vmem>>, vector<16xf32>,
      %parallel_loop3A_291 = arith.index_cast %parallel_loop3A_29 : i32 to index
      %parallel_loop3A_292 = arith.constant 1392 : index
      %parallel_loop3A_293 = tpu.vector_load %arg5[%parallel_loop3A_291, %parallel_loop3A_292] {strides = array<i32>} : memref<32x2048xf32, #tpu.memory_space<vmem>>, vector<16xf32>,
      tpu.vector_store %arg5[%parallel_loop3A_291, %parallel_loop3A_292], %broadcast_in_dim3A_3 {strides = array<i32>} : memref<32x2048xf32, #tpu.memory_space<vmem>>, vector<16xf32>,
      %parallel_loop3A_294 = arith.index_cast %parallel_loop3A_29 : i32 to index
      %parallel_loop3A_295 = arith.constant 1408 : index
      %parallel_loop3A_296 = tpu.vector_load %arg5[%parallel_loop3A_294, %parallel_loop3A_295] {strides = array<i32>} : memref<32x2048xf32, #tpu.memory_space<vmem>>, vector<16xf32>,
      tpu.vector_store %arg5[%parallel_loop3A_294, %parallel_loop3A_295], %broadcast_in_dim3A_3 {strides = array<i32>} : memref<32x2048xf32, #tpu.memory_space<vmem>>, vector<16xf32>,
      %parallel_loop3A_297 = arith.index_cast %parallel_loop3A_29 : i32 to index
      %parallel_loop3A_298 = arith.constant 1424 : index
      %parallel_loop3A_299 = tpu.vector_load %arg5[%parallel_loop3A_297, %parallel_loop3A_298] {strides = array<i32>} : memref<32x2048xf32, #tpu.memory_space<vmem>>, vector<16xf32>,
      tpu.vector_store %arg5[%parallel_loop3A_297, %parallel_loop3A_298], %broadcast_in_dim3A_3 {strides = array<i32>} : memref<32x2048xf32, #tpu.memory_space<vmem>>, vector<16xf32>,
      %parallel_loop3A_300 = arith.index_cast %parallel_loop3A_29 : i32 to index
      %parallel_loop3A_301 = arith.constant 1440 : index
      %parallel_loop3A_302 = tpu.vector_load %arg5[%parallel_loop3A_300, %parallel_loop3A_301] {strides = array<i32>} : memref<32x2048xf32, #tpu.memory_space<vmem>>, vector<16xf32>,
      tpu.vector_store %arg5[%parallel_loop3A_300, %parallel_loop3A_301], %broadcast_in_dim3A_3 {strides = array<i32>} : memref<32x2048xf32, #tpu.memory_space<vmem>>, vector<16xf32>,
      %parallel_loop3A_303 = arith.index_cast %parallel_loop3A_29 : i32 to index
      %parallel_loop3A_304 = arith.constant 1456 : index
      %parallel_loop3A_305 = tpu.vector_load %arg5[%parallel_loop3A_303, %parallel_loop3A_304] {strides = array<i32>} : memref<32x2048xf32, #tpu.memory_space<vmem>>, vector<16xf32>,
      tpu.vector_store %arg5[%parallel_loop3A_303, %parallel_loop3A_304], %broadcast_in_dim3A_3 {strides = array<i32>} : memref<32x2048xf32, #tpu.memory_space<vmem>>, vector<16xf32>,
      %parallel_loop3A_306 = arith.index_cast %parallel_loop3A_29 : i32 to index
      %parallel_loop3A_307 = arith.constant 1472 : index
      %parallel_loop3A_308 = tpu.vector_load %arg5[%parallel_loop3A_306, %parallel_loop3A_307] {strides = array<i32>} : memref<32x2048xf32, #tpu.memory_space<vmem>>, vector<16xf32>,
      tpu.vector_store %arg5[%parallel_loop3A_306, %parallel_loop3A_307], %broadcast_in_dim3A_3 {strides = array<i32>} : memref<32x2048xf32, #tpu.memory_space<vmem>>, vector<16xf32>,
      %parallel_loop3A_309 = arith.index_cast %parallel_loop3A_29 : i32 to index
      %parallel_loop3A_310 = arith.constant 1488 : index
      %parallel_loop3A_311 = tpu.vector_load %arg5[%parallel_loop3A_309, %parallel_loop3A_310] {strides = array<i32>} : memref<32x2048xf32, #tpu.memory_space<vmem>>, vector<16xf32>,
      tpu.vector_store %arg5[%parallel_loop3A_309, %parallel_loop3A_310], %broadcast_in_dim3A_3 {strides = array<i32>} : memref<32x2048xf32, #tpu.memory_space<vmem>>, vector<16xf32>,
      %parallel_loop3A_312 = arith.index_cast %parallel_loop3A_29 : i32 to index
      %parallel_loop3A_313 = arith.constant 1504 : index
      %parallel_loop3A_314 = tpu.vector_load %arg5[%parallel_loop3A_312, %parallel_loop3A_313] {strides = array<i32>} : memref<32x2048xf32, #tpu.memory_space<vmem>>, vector<16xf32>,
      tpu.vector_store %arg5[%parallel_loop3A_312, %parallel_loop3A_313], %broadcast_in_dim3A_3 {strides = array<i32>} : memref<32x2048xf32, #tpu.memory_space<vmem>>, vector<16xf32>,
      %parallel_loop3A_315 = arith.index_cast %parallel_loop3A_29 : i32 to index
      %parallel_loop3A_316 = arith.constant 1520 : index
      %parallel_loop3A_317 = tpu.vector_load %arg5[%parallel_loop3A_315, %parallel_loop3A_316] {strides = array<i32>} : memref<32x2048xf32, #tpu.memory_space<vmem>>, vector<16xf32>,
      tpu.vector_store %arg5[%parallel_loop3A_315, %parallel_loop3A_316], %broadcast_in_dim3A_3 {strides = array<i32>} : memref<32x2048xf32, #tpu.memory_space<vmem>>, vector<16xf32>,
      %parallel_loop3A_318 = arith.index_cast %parallel_loop3A_29 : i32 to index
      %parallel_loop3A_319 = arith.constant 1536 : index
      %parallel_loop3A_320 = tpu.vector_load %arg5[%parallel_loop3A_318, %parallel_loop3A_319] {strides = array<i32>} : memref<32x2048xf32, #tpu.memory_space<vmem>>, vector<16xf32>,
      tpu.vector_store %arg5[%parallel_loop3A_318, %parallel_loop3A_319], %broadcast_in_dim3A_3 {strides = array<i32>} : memref<32x2048xf32, #tpu.memory_space<vmem>>, vector<16xf32>,
      %parallel_loop3A_321 = arith.index_cast %parallel_loop3A_29 : i32 to index
      %parallel_loop3A_322 = arith.constant 1552 : index
      %parallel_loop3A_323 = tpu.vector_load %arg5[%parallel_loop3A_321, %parallel_loop3A_322] {strides = array<i32>} : memref<32x2048xf32, #tpu.memory_space<vmem>>, vector<16xf32>,
      tpu.vector_store %arg5[%parallel_loop3A_321, %parallel_loop3A_322], %broadcast_in_dim3A_3 {strides = array<i32>} : memref<32x2048xf32, #tpu.memory_space<vmem>>, vector<16xf32>,
      %parallel_loop3A_324 = arith.index_cast %parallel_loop3A_29 : i32 to index
      %parallel_loop3A_325 = arith.constant 1568 : index
      %parallel_loop3A_326 = tpu.vector_load %arg5[%parallel_loop3A_324, %parallel_loop3A_325] {strides = array<i32>} : memref<32x2048xf32, #tpu.memory_space<vmem>>, vector<16xf32>,
      tpu.vector_store %arg5[%parallel_loop3A_324, %parallel_loop3A_325], %broadcast_in_dim3A_3 {strides = array<i32>} : memref<32x2048xf32, #tpu.memory_space<vmem>>, vector<16xf32>,
      %parallel_loop3A_327 = arith.index_cast %parallel_loop3A_29 : i32 to index
      %parallel_loop3A_328 = arith.constant 1584 : index
      %parallel_loop3A_329 = tpu.vector_load %arg5[%parallel_loop3A_327, %parallel_loop3A_328] {strides = array<i32>} : memref<32x2048xf32, #tpu.memory_space<vmem>>, vector<16xf32>,
      tpu.vector_store %arg5[%parallel_loop3A_327, %parallel_loop3A_328], %broadcast_in_dim3A_3 {strides = array<i32>} : memref<32x2048xf32, #tpu.memory_space<vmem>>, vector<16xf32>,
      %parallel_loop3A_330 = arith.index_cast %parallel_loop3A_29 : i32 to index
      %parallel_loop3A_331 = arith.constant 1600 : index
      %parallel_loop3A_332 = tpu.vector_load %arg5[%parallel_loop3A_330, %parallel_loop3A_331] {strides = array<i32>} : memref<32x2048xf32, #tpu.memory_space<vmem>>, vector<16xf32>,
      tpu.vector_store %arg5[%parallel_loop3A_330, %parallel_loop3A_331], %broadcast_in_dim3A_3 {strides = array<i32>} : memref<32x2048xf32, #tpu.memory_space<vmem>>, vector<16xf32>,
      %parallel_loop3A_333 = arith.index_cast %parallel_loop3A_29 : i32 to index
      %parallel_loop3A_334 = arith.constant 1616 : index
      %parallel_loop3A_335 = tpu.vector_load %arg5[%parallel_loop3A_333, %parallel_loop3A_334] {strides = array<i32>} : memref<32x2048xf32, #tpu.memory_space<vmem>>, vector<16xf32>,
      tpu.vector_store %arg5[%parallel_loop3A_333, %parallel_loop3A_334], %broadcast_in_dim3A_3 {strides = array<i32>} : memref<32x2048xf32, #tpu.memory_space<vmem>>, vector<16xf32>,
      %parallel_loop3A_336 = arith.index_cast %parallel_loop3A_29 : i32 to index
      %parallel_loop3A_337 = arith.constant 1632 : index
      %parallel_loop3A_338 = tpu.vector_load %arg5[%parallel_loop3A_336, %parallel_loop3A_337] {strides = array<i32>} : memref<32x2048xf32, #tpu.memory_space<vmem>>, vector<16xf32>,
      tpu.vector_store %arg5[%parallel_loop3A_336, %parallel_loop3A_337], %broadcast_in_dim3A_3 {strides = array<i32>} : memref<32x2048xf32, #tpu.memory_space<vmem>>, vector<16xf32>,
      %parallel_loop3A_339 = arith.index_cast %parallel_loop3A_29 : i32 to index
      %parallel_loop3A_340 = arith.constant 1648 : index
      %parallel_loop3A_341 = tpu.vector_load %arg5[%parallel_loop3A_339, %parallel_loop3A_340] {strides = array<i32>} : memref<32x2048xf32, #tpu.memory_space<vmem>>, vector<16xf32>,
      tpu.vector_store %arg5[%parallel_loop3A_339, %parallel_loop3A_340], %broadcast_in_dim3A_3 {strides = array<i32>} : memref<32x2048xf32, #tpu.memory_space<vmem>>, vector<16xf32>,
      %parallel_loop3A_342 = arith.index_cast %parallel_loop3A_29 : i32 to index
      %parallel_loop3A_343 = arith.constant 1664 : index
      %parallel_loop3A_344 = tpu.vector_load %arg5[%parallel_loop3A_342, %parallel_loop3A_343] {strides = array<i32>} : memref<32x2048xf32, #tpu.memory_space<vmem>>, vector<16xf32>,
      tpu.vector_store %arg5[%parallel_loop3A_342, %parallel_loop3A_343], %broadcast_in_dim3A_3 {strides = array<i32>} : memref<32x2048xf32, #tpu.memory_space<vmem>>, vector<16xf32>,
      %parallel_loop3A_345 = arith.index_cast %parallel_loop3A_29 : i32 to index
      %parallel_loop3A_346 = arith.constant 1680 : index
      %parallel_loop3A_347 = tpu.vector_load %arg5[%parallel_loop3A_345, %parallel_loop3A_346] {strides = array<i32>} : memref<32x2048xf32, #tpu.memory_space<vmem>>, vector<16xf32>,
      tpu.vector_store %arg5[%parallel_loop3A_345, %parallel_loop3A_346], %broadcast_in_dim3A_3 {strides = array<i32>} : memref<32x2048xf32, #tpu.memory_space<vmem>>, vector<16xf32>,
      %parallel_loop3A_348 = arith.index_cast %parallel_loop3A_29 : i32 to index
      %parallel_loop3A_349 = arith.constant 1696 : index
      %parallel_loop3A_350 = tpu.vector_load %arg5[%parallel_loop3A_348, %parallel_loop3A_349] {strides = array<i32>} : memref<32x2048xf32, #tpu.memory_space<vmem>>, vector<16xf32>,
      tpu.vector_store %arg5[%parallel_loop3A_348, %parallel_loop3A_349], %broadcast_in_dim3A_3 {strides = array<i32>} : memref<32x2048xf32, #tpu.memory_space<vmem>>, vector<16xf32>,
      %parallel_loop3A_351 = arith.index_cast %parallel_loop3A_29 : i32 to index
      %parallel_loop3A_352 = arith.constant 1712 : index
      %parallel_loop3A_353 = tpu.vector_load %arg5[%parallel_loop3A_351, %parallel_loop3A_352] {strides = array<i32>} : memref<32x2048xf32, #tpu.memory_space<vmem>>, vector<16xf32>,
      tpu.vector_store %arg5[%parallel_loop3A_351, %parallel_loop3A_352], %broadcast_in_dim3A_3 {strides = array<i32>} : memref<32x2048xf32, #tpu.memory_space<vmem>>, vector<16xf32>,
      %parallel_loop3A_354 = arith.index_cast %parallel_loop3A_29 : i32 to index
      %parallel_loop3A_355 = arith.constant 1728 : index
      %parallel_loop3A_356 = tpu.vector_load %arg5[%parallel_loop3A_354, %parallel_loop3A_355] {strides = array<i32>} : memref<32x2048xf32, #tpu.memory_space<vmem>>, vector<16xf32>,
      tpu.vector_store %arg5[%parallel_loop3A_354, %parallel_loop3A_355], %broadcast_in_dim3A_3 {strides = array<i32>} : memref<32x2048xf32, #tpu.memory_space<vmem>>, vector<16xf32>,
      %parallel_loop3A_357 = arith.index_cast %parallel_loop3A_29 : i32 to index
      %parallel_loop3A_358 = arith.constant 1744 : index
      %parallel_loop3A_359 = tpu.vector_load %arg5[%parallel_loop3A_357, %parallel_loop3A_358] {strides = array<i32>} : memref<32x2048xf32, #tpu.memory_space<vmem>>, vector<16xf32>,
      tpu.vector_store %arg5[%parallel_loop3A_357, %parallel_loop3A_358], %broadcast_in_dim3A_3 {strides = array<i32>} : memref<32x2048xf32, #tpu.memory_space<vmem>>, vector<16xf32>,
      %parallel_loop3A_360 = arith.index_cast %parallel_loop3A_29 : i32 to index
      %parallel_loop3A_361 = arith.constant 1760 : index
      %parallel_loop3A_362 = tpu.vector_load %arg5[%parallel_loop3A_360, %parallel_loop3A_361] {strides = array<i32>} : memref<32x2048xf32, #tpu.memory_space<vmem>>, vector<16xf32>,
      tpu.vector_store %arg5[%parallel_loop3A_360, %parallel_loop3A_361], %broadcast_in_dim3A_3 {strides = array<i32>} : memref<32x2048xf32, #tpu.memory_space<vmem>>, vector<16xf32>,
      %parallel_loop3A_363 = arith.index_cast %parallel_loop3A_29 : i32 to index
      %parallel_loop3A_364 = arith.constant 1776 : index
      %parallel_loop3A_365 = tpu.vector_load %arg5[%parallel_loop3A_363, %parallel_loop3A_364] {strides = array<i32>} : memref<32x2048xf32, #tpu.memory_space<vmem>>, vector<16xf32>,
      tpu.vector_store %arg5[%parallel_loop3A_363, %parallel_loop3A_364], %broadcast_in_dim3A_3 {strides = array<i32>} : memref<32x2048xf32, #tpu.memory_space<vmem>>, vector<16xf32>,
      %parallel_loop3A_366 = arith.index_cast %parallel_loop3A_29 : i32 to index
      %parallel_loop3A_367 = arith.constant 1792 : index
      %parallel_loop3A_368 = tpu.vector_load %arg5[%parallel_loop3A_366, %parallel_loop3A_367] {strides = array<i32>} : memref<32x2048xf32, #tpu.memory_space<vmem>>, vector<16xf32>,
      tpu.vector_store %arg5[%parallel_loop3A_366, %parallel_loop3A_367], %broadcast_in_dim3A_3 {strides = array<i32>} : memref<32x2048xf32, #tpu.memory_space<vmem>>, vector<16xf32>,
      %parallel_loop3A_369 = arith.index_cast %parallel_loop3A_29 : i32 to index
      %parallel_loop3A_370 = arith.constant 1808 : index
      %parallel_loop3A_371 = tpu.vector_load %arg5[%parallel_loop3A_369, %parallel_loop3A_370] {strides = array<i32>} : memref<32x2048xf32, #tpu.memory_space<vmem>>, vector<16xf32>,
      tpu.vector_store %arg5[%parallel_loop3A_369, %parallel_loop3A_370], %broadcast_in_dim3A_3 {strides = array<i32>} : memref<32x2048xf32, #tpu.memory_space<vmem>>, vector<16xf32>,
      %parallel_loop3A_372 = arith.index_cast %parallel_loop3A_29 : i32 to index
      %parallel_loop3A_373 = arith.constant 1824 : index
      %parallel_loop3A_374 = tpu.vector_load %arg5[%parallel_loop3A_372, %parallel_loop3A_373] {strides = array<i32>} : memref<32x2048xf32, #tpu.memory_space<vmem>>, vector<16xf32>,
      tpu.vector_store %arg5[%parallel_loop3A_372, %parallel_loop3A_373], %broadcast_in_dim3A_3 {strides = array<i32>} : memref<32x2048xf32, #tpu.memory_space<vmem>>, vector<16xf32>,
      %parallel_loop3A_375 = arith.index_cast %parallel_loop3A_29 : i32 to index
      %parallel_loop3A_376 = arith.constant 1840 : index
      %parallel_loop3A_377 = tpu.vector_load %arg5[%parallel_loop3A_375, %parallel_loop3A_376] {strides = array<i32>} : memref<32x2048xf32, #tpu.memory_space<vmem>>, vector<16xf32>,
      tpu.vector_store %arg5[%parallel_loop3A_375, %parallel_loop3A_376], %broadcast_in_dim3A_3 {strides = array<i32>} : memref<32x2048xf32, #tpu.memory_space<vmem>>, vector<16xf32>,
      %parallel_loop3A_378 = arith.index_cast %parallel_loop3A_29 : i32 to index
      %parallel_loop3A_379 = arith.constant 1856 : index
      %parallel_loop3A_380 = tpu.vector_load %arg5[%parallel_loop3A_378, %parallel_loop3A_379] {strides = array<i32>} : memref<32x2048xf32, #tpu.memory_space<vmem>>, vector<16xf32>,
      tpu.vector_store %arg5[%parallel_loop3A_378, %parallel_loop3A_379], %broadcast_in_dim3A_3 {strides = array<i32>} : memref<32x2048xf32, #tpu.memory_space<vmem>>, vector<16xf32>,
      %parallel_loop3A_381 = arith.index_cast %parallel_loop3A_29 : i32 to index
      %parallel_loop3A_382 = arith.constant 1872 : index
      %parallel_loop3A_383 = tpu.vector_load %arg5[%parallel_loop3A_381, %parallel_loop3A_382] {strides = array<i32>} : memref<32x2048xf32, #tpu.memory_space<vmem>>, vector<16xf32>,
      tpu.vector_store %arg5[%parallel_loop3A_381, %parallel_loop3A_382], %broadcast_in_dim3A_3 {strides = array<i32>} : memref<32x2048xf32, #tpu.memory_space<vmem>>, vector<16xf32>,
      %parallel_loop3A_384 = arith.index_cast %parallel_loop3A_29 : i32 to index
      %parallel_loop3A_385 = arith.constant 1888 : index
      %parallel_loop3A_386 = tpu.vector_load %arg5[%parallel_loop3A_384, %parallel_loop3A_385] {strides = array<i32>} : memref<32x2048xf32, #tpu.memory_space<vmem>>, vector<16xf32>,
      tpu.vector_store %arg5[%parallel_loop3A_384, %parallel_loop3A_385], %broadcast_in_dim3A_3 {strides = array<i32>} : memref<32x2048xf32, #tpu.memory_space<vmem>>, vector<16xf32>,
      %parallel_loop3A_387 = arith.index_cast %parallel_loop3A_29 : i32 to index
      %parallel_loop3A_388 = arith.constant 1904 : index
      %parallel_loop3A_389 = tpu.vector_load %arg5[%parallel_loop3A_387, %parallel_loop3A_388] {strides = array<i32>} : memref<32x2048xf32, #tpu.memory_space<vmem>>, vector<16xf32>,
      tpu.vector_store %arg5[%parallel_loop3A_387, %parallel_loop3A_388], %broadcast_in_dim3A_3 {strides = array<i32>} : memref<32x2048xf32, #tpu.memory_space<vmem>>, vector<16xf32>,
      %parallel_loop3A_390 = arith.index_cast %parallel_loop3A_29 : i32 to index
      %parallel_loop3A_391 = arith.constant 1920 : index
      %parallel_loop3A_392 = tpu.vector_load %arg5[%parallel_loop3A_390, %parallel_loop3A_391] {strides = array<i32>} : memref<32x2048xf32, #tpu.memory_space<vmem>>, vector<16xf32>,
      tpu.vector_store %arg5[%parallel_loop3A_390, %parallel_loop3A_391], %broadcast_in_dim3A_3 {strides = array<i32>} : memref<32x2048xf32, #tpu.memory_space<vmem>>, vector<16xf32>,
      %parallel_loop3A_393 = arith.index_cast %parallel_loop3A_29 : i32 to index
      %parallel_loop3A_394 = arith.constant 1936 : index
      %parallel_loop3A_395 = tpu.vector_load %arg5[%parallel_loop3A_393, %parallel_loop3A_394] {strides = array<i32>} : memref<32x2048xf32, #tpu.memory_space<vmem>>, vector<16xf32>,
      tpu.vector_store %arg5[%parallel_loop3A_393, %parallel_loop3A_394], %broadcast_in_dim3A_3 {strides = array<i32>} : memref<32x2048xf32, #tpu.memory_space<vmem>>, vector<16xf32>,
      %parallel_loop3A_396 = arith.index_cast %parallel_loop3A_29 : i32 to index
      %parallel_loop3A_397 = arith.constant 1952 : index
      %parallel_loop3A_398 = tpu.vector_load %arg5[%parallel_loop3A_396, %parallel_loop3A_397] {strides = array<i32>} : memref<32x2048xf32, #tpu.memory_space<vmem>>, vector<16xf32>,
      tpu.vector_store %arg5[%parallel_loop3A_396, %parallel_loop3A_397], %broadcast_in_dim3A_3 {strides = array<i32>} : memref<32x2048xf32, #tpu.memory_space<vmem>>, vector<16xf32>,
      %parallel_loop3A_399 = arith.index_cast %parallel_loop3A_29 : i32 to index
      %parallel_loop3A_400 = arith.constant 1968 : index
      %parallel_loop3A_401 = tpu.vector_load %arg5[%parallel_loop3A_399, %parallel_loop3A_400] {strides = array<i32>} : memref<32x2048xf32, #tpu.memory_space<vmem>>, vector<16xf32>,
      tpu.vector_store %arg5[%parallel_loop3A_399, %parallel_loop3A_400], %broadcast_in_dim3A_3 {strides = array<i32>} : memref<32x2048xf32, #tpu.memory_space<vmem>>, vector<16xf32>,
      %parallel_loop3A_402 = arith.index_cast %parallel_loop3A_29 : i32 to index
      %parallel_loop3A_403 = arith.constant 1984 : index
      %parallel_loop3A_404 = tpu.vector_load %arg5[%parallel_loop3A_402, %parallel_loop3A_403] {strides = array<i32>} : memref<32x2048xf32, #tpu.memory_space<vmem>>, vector<16xf32>,
      tpu.vector_store %arg5[%parallel_loop3A_402, %parallel_loop3A_403], %broadcast_in_dim3A_3 {strides = array<i32>} : memref<32x2048xf32, #tpu.memory_space<vmem>>, vector<16xf32>,
      %parallel_loop3A_405 = arith.index_cast %parallel_loop3A_29 : i32 to index
      %parallel_loop3A_406 = arith.constant 2000 : index
      %parallel_loop3A_407 = tpu.vector_load %arg5[%parallel_loop3A_405, %parallel_loop3A_406] {strides = array<i32>} : memref<32x2048xf32, #tpu.memory_space<vmem>>, vector<16xf32>,
      tpu.vector_store %arg5[%parallel_loop3A_405, %parallel_loop3A_406], %broadcast_in_dim3A_3 {strides = array<i32>} : memref<32x2048xf32, #tpu.memory_space<vmem>>, vector<16xf32>,
      %parallel_loop3A_408 = arith.index_cast %parallel_loop3A_29 : i32 to index
      %parallel_loop3A_409 = arith.constant 2016 : index
      %parallel_loop3A_410 = tpu.vector_load %arg5[%parallel_loop3A_408, %parallel_loop3A_409] {strides = array<i32>} : memref<32x2048xf32, #tpu.memory_space<vmem>>, vector<16xf32>,
      tpu.vector_store %arg5[%parallel_loop3A_408, %parallel_loop3A_409], %broadcast_in_dim3A_3 {strides = array<i32>} : memref<32x2048xf32, #tpu.memory_space<vmem>>, vector<16xf32>,
      %parallel_loop3A_411 = arith.index_cast %parallel_loop3A_29 : i32 to index
      %parallel_loop3A_412 = arith.constant 2032 : index
      %parallel_loop3A_413 = tpu.vector_load %arg5[%parallel_loop3A_411, %parallel_loop3A_412] {strides = array<i32>} : memref<32x2048xf32, #tpu.memory_space<vmem>>, vector<16xf32>,
      tpu.vector_store %arg5[%parallel_loop3A_411, %parallel_loop3A_412], %broadcast_in_dim3A_3 {strides = array<i32>} : memref<32x2048xf32, #tpu.memory_space<vmem>>, vector<16xf32>,
    } {sc.loop_unroll_factor = 1 : i64, sc.parallel_access}
    %parallel_loop3A_10 = arith.constant 0 : i32
    %parallel_loop3A_11 = arith.constant 32 : i32
    %parallel_loop3A_12 = arith.constant 1 : i32
    scf.for %parallel_loop3A_29 = %parallel_loop3A_10 to %parallel_loop3A_11 step %parallel_loop3A_12  : i32 {
      %parallel_loop3A_30 = arith.addi %add3A_7, %parallel_loop3A_29 : i32
      %parallel_loop3A_31 = arith.index_cast %parallel_loop3A_30 : i32 to index
      %parallel_loop3A_32 = arith.constant 0 : index
      %parallel_loop3A_33 = tpu.vector_load %arg4[%parallel_loop3A_31, %parallel_loop3A_32] {strides = array<i32>} : memref<2048x16xi32, #tpu.memory_space<vmem>>, vector<16xi32>,
      %parallel_loop3A_34 = vector.broadcast %parallel_loop3A_29 : i32 to vector<16xi32>
      tpu.vector_store_idx %arg5[%parallel_loop3A_34, %parallel_loop3A_33], %broadcast_in_dim3A_1 : memref<32x2048xf32, #tpu.memory_space<vmem>>[vector<16xi32>, vector<16xi32>], vector<16xf32>,
    } {sc.loop_unroll_factor = 1 : i64, sc.parallel_access}
    %parallel_loop3A_13 = arith.constant 0 : i32
    %parallel_loop3A_14 = arith.constant 2048 : i32
    %parallel_loop3A_15 = arith.constant 1 : i32
    scf.for %parallel_loop3A_29 = %parallel_loop3A_13 to %parallel_loop3A_14 step %parallel_loop3A_15  : i32 {
      %parallel_loop3A_30 = arith.index_cast %parallel_loop3A_29 : i32 to index
      %parallel_loop3A_31 = arith.constant 0 : index
      %parallel_loop3A_32 = tpu.vector_load %arg4[%parallel_loop3A_30, %parallel_loop3A_31] {strides = array<i32>} : memref<2048x16xi32, #tpu.memory_space<vmem>>, vector<16xi32>,
      %parallel_loop3A_33 = vector.broadcast %add3A_7 : i32 to vector<16xi32>
      %parallel_loop3A_34 = arith.cmpi sge, %parallel_loop3A_32, %parallel_loop3A_33 : vector<16xi32>
      %parallel_loop3A_35 = arith.constant 32 : i32
      %parallel_loop3A_36 = arith.addi %add3A_7, %parallel_loop3A_35 : i32
      %parallel_loop3A_37 = vector.broadcast %parallel_loop3A_36 : i32 to vector<16xi32>
      %parallel_loop3A_38 = arith.cmpi slt, %parallel_loop3A_32, %parallel_loop3A_37 : vector<16xi32>
      %parallel_loop3A_39 = arith.andi %parallel_loop3A_34, %parallel_loop3A_38 : vector<16xi1>
      %parallel_loop3A_40 = vector.broadcast %add3A_7 : i32 to vector<16xi32>
      %parallel_loop3A_41 = arith.subi %parallel_loop3A_32, %parallel_loop3A_40 : vector<16xi32>
      %parallel_loop3A_42 = arith.constant 0 : i32
      %parallel_loop3A_43 = vector.broadcast %parallel_loop3A_42 : i32 to vector<16xi32>
      %parallel_loop3A_44 = arith.select %parallel_loop3A_39, %parallel_loop3A_41, %parallel_loop3A_43 : vector<16xi1>, vector<16xi32>
      %parallel_loop3A_45 = vector.broadcast %parallel_loop3A_29 : i32 to vector<16xi32>
      tpu.vector_store_idx %arg5[%parallel_loop3A_44, %parallel_loop3A_45], %broadcast_in_dim3A_1 masked %parallel_loop3A_39 : memref<32x2048xf32, #tpu.memory_space<vmem>>[vector<16xi32>, vector<16xi32>], vector<16xf32>, vector<16xi1>
    } {sc.loop_unroll_factor = 8 : i64, sc.parallel_access}
    "tpu.region"() ({
      %run_scoped3A = tpu.sem_alloc : memref<!tpu.dma_semaphore, #tpu.memory_space<semaphore_mem>>
      %dma_start3A = arith.constant 0 : i32
      %dma_start3A_29 = tpu.memref_slice %arg3[%add3A_7, %dma_start3A] : memref<2048x2048xf32, #tpu.memory_space<hbm>> -> memref<32x2048xf32, #tpu.memory_space<hbm>>
      %dma_start3A_30 = arith.constant 0 : i32
      %dma_start3A_31 = tpu.memref_slice %arg3[%add3A_7, %dma_start3A_30] : memref<2048x2048xf32, #tpu.memory_space<hbm>> -> memref<32x2048xf32, #tpu.memory_space<hbm>>
      tpu.enqueue_dma source(%arg5 : memref<32x2048xf32, #tpu.memory_space<vmem>>) target(%dma_start3A_31 : memref<32x2048xf32, #tpu.memory_space<hbm>>) target_semaphore(%run_scoped3A : memref<!tpu.dma_semaphore, #tpu.memory_space<semaphore_mem>>)
      %dma_wait3A = arith.constant 0 : i32
      %dma_wait3A_32 = tpu.memref_slice %arg3[%add3A_7, %dma_wait3A] : memref<2048x2048xf32, #tpu.memory_space<hbm>> -> memref<32x2048xf32, #tpu.memory_space<hbm>>
      %dma_wait3A_33 = arith.constant 0 : i32
      %dma_wait3A_34 = tpu.memref_slice %arg3[%add3A_7, %dma_wait3A_33] : memref<2048x2048xf32, #tpu.memory_space<hbm>> -> memref<32x2048xf32, #tpu.memory_space<hbm>>
      tpu.wait_dma2 semaphore(%run_scoped3A : memref<!tpu.dma_semaphore, #tpu.memory_space<semaphore_mem>>) src(%arg5 : memref<32x2048xf32, #tpu.memory_space<vmem>>) dst(%dma_wait3A_34 : memref<32x2048xf32, #tpu.memory_space<hbm>>)
      tpu.yield
    }) : () -> ()
    %mul3A_16 = arith.constant 64 : i32
    %mul3A_17 = arith.muli %add3A, %mul3A_16 : i32
    %add3A_18 = arith.constant 32 : i32
    %add3A_19 = arith.addi %mul3A_17, %add3A_18 : i32
    %parallel_loop3A_20 = arith.constant 0 : i32
    %parallel_loop3A_21 = arith.constant 32 : i32
    %parallel_loop3A_22 = arith.constant 1 : i32
    scf.for %parallel_loop3A_29 = %parallel_loop3A_20 to %parallel_loop3A_21 step %parallel_loop3A_22  : i32 {
      %parallel_loop3A_30 = arith.index_cast %parallel_loop3A_29 : i32 to index
      %parallel_loop3A_31 = arith.constant 0 : index
      %parallel_loop3A_32 = tpu.vector_load %arg5[%parallel_loop3A_30, %parallel_loop3A_31] {strides = array<i32>} : memref<32x2048xf32, #tpu.memory_space<vmem>>, vector<16xf32>,
      tpu.vector_store %arg5[%parallel_loop3A_30, %parallel_loop3A_31], %broadcast_in_dim3A_3 {strides = array<i32>} : memref<32x2048xf32, #tpu.memory_space<vmem>>, vector<16xf32>,
      %parallel_loop3A_33 = arith.index_cast %parallel_loop3A_29 : i32 to index
      %parallel_loop3A_34 = arith.constant 16 : index
      %parallel_loop3A_35 = tpu.vector_load %arg5[%parallel_loop3A_33, %parallel_loop3A_34] {strides = array<i32>} : memref<32x2048xf32, #tpu.memory_space<vmem>>, vector<16xf32>,
      tpu.vector_store %arg5[%parallel_loop3A_33, %parallel_loop3A_34], %broadcast_in_dim3A_3 {strides = array<i32>} : memref<32x2048xf32, #tpu.memory_space<vmem>>, vector<16xf32>,
      %parallel_loop3A_36 = arith.index_cast %parallel_loop3A_29 : i32 to index
      %parallel_loop3A_37 = arith.constant 32 : index
      %parallel_loop3A_38 = tpu.vector_load %arg5[%parallel_loop3A_36, %parallel_loop3A_37] {strides = array<i32>} : memref<32x2048xf32, #tpu.memory_space<vmem>>, vector<16xf32>,
      tpu.vector_store %arg5[%parallel_loop3A_36, %parallel_loop3A_37], %broadcast_in_dim3A_3 {strides = array<i32>} : memref<32x2048xf32, #tpu.memory_space<vmem>>, vector<16xf32>,
      %parallel_loop3A_39 = arith.index_cast %parallel_loop3A_29 : i32 to index
      %parallel_loop3A_40 = arith.constant 48 : index
      %parallel_loop3A_41 = tpu.vector_load %arg5[%parallel_loop3A_39, %parallel_loop3A_40] {strides = array<i32>} : memref<32x2048xf32, #tpu.memory_space<vmem>>, vector<16xf32>,
      tpu.vector_store %arg5[%parallel_loop3A_39, %parallel_loop3A_40], %broadcast_in_dim3A_3 {strides = array<i32>} : memref<32x2048xf32, #tpu.memory_space<vmem>>, vector<16xf32>,
      %parallel_loop3A_42 = arith.index_cast %parallel_loop3A_29 : i32 to index
      %parallel_loop3A_43 = arith.constant 64 : index
      %parallel_loop3A_44 = tpu.vector_load %arg5[%parallel_loop3A_42, %parallel_loop3A_43] {strides = array<i32>} : memref<32x2048xf32, #tpu.memory_space<vmem>>, vector<16xf32>,
      tpu.vector_store %arg5[%parallel_loop3A_42, %parallel_loop3A_43], %broadcast_in_dim3A_3 {strides = array<i32>} : memref<32x2048xf32, #tpu.memory_space<vmem>>, vector<16xf32>,
      %parallel_loop3A_45 = arith.index_cast %parallel_loop3A_29 : i32 to index
      %parallel_loop3A_46 = arith.constant 80 : index
      %parallel_loop3A_47 = tpu.vector_load %arg5[%parallel_loop3A_45, %parallel_loop3A_46] {strides = array<i32>} : memref<32x2048xf32, #tpu.memory_space<vmem>>, vector<16xf32>,
      tpu.vector_store %arg5[%parallel_loop3A_45, %parallel_loop3A_46], %broadcast_in_dim3A_3 {strides = array<i32>} : memref<32x2048xf32, #tpu.memory_space<vmem>>, vector<16xf32>,
      %parallel_loop3A_48 = arith.index_cast %parallel_loop3A_29 : i32 to index
      %parallel_loop3A_49 = arith.constant 96 : index
      %parallel_loop3A_50 = tpu.vector_load %arg5[%parallel_loop3A_48, %parallel_loop3A_49] {strides = array<i32>} : memref<32x2048xf32, #tpu.memory_space<vmem>>, vector<16xf32>,
      tpu.vector_store %arg5[%parallel_loop3A_48, %parallel_loop3A_49], %broadcast_in_dim3A_3 {strides = array<i32>} : memref<32x2048xf32, #tpu.memory_space<vmem>>, vector<16xf32>,
      %parallel_loop3A_51 = arith.index_cast %parallel_loop3A_29 : i32 to index
      %parallel_loop3A_52 = arith.constant 112 : index
      %parallel_loop3A_53 = tpu.vector_load %arg5[%parallel_loop3A_51, %parallel_loop3A_52] {strides = array<i32>} : memref<32x2048xf32, #tpu.memory_space<vmem>>, vector<16xf32>,
      tpu.vector_store %arg5[%parallel_loop3A_51, %parallel_loop3A_52], %broadcast_in_dim3A_3 {strides = array<i32>} : memref<32x2048xf32, #tpu.memory_space<vmem>>, vector<16xf32>,
      %parallel_loop3A_54 = arith.index_cast %parallel_loop3A_29 : i32 to index
      %parallel_loop3A_55 = arith.constant 128 : index
      %parallel_loop3A_56 = tpu.vector_load %arg5[%parallel_loop3A_54, %parallel_loop3A_55] {strides = array<i32>} : memref<32x2048xf32, #tpu.memory_space<vmem>>, vector<16xf32>,
      tpu.vector_store %arg5[%parallel_loop3A_54, %parallel_loop3A_55], %broadcast_in_dim3A_3 {strides = array<i32>} : memref<32x2048xf32, #tpu.memory_space<vmem>>, vector<16xf32>,
      %parallel_loop3A_57 = arith.index_cast %parallel_loop3A_29 : i32 to index
      %parallel_loop3A_58 = arith.constant 144 : index
      %parallel_loop3A_59 = tpu.vector_load %arg5[%parallel_loop3A_57, %parallel_loop3A_58] {strides = array<i32>} : memref<32x2048xf32, #tpu.memory_space<vmem>>, vector<16xf32>,
      tpu.vector_store %arg5[%parallel_loop3A_57, %parallel_loop3A_58], %broadcast_in_dim3A_3 {strides = array<i32>} : memref<32x2048xf32, #tpu.memory_space<vmem>>, vector<16xf32>,
      %parallel_loop3A_60 = arith.index_cast %parallel_loop3A_29 : i32 to index
      %parallel_loop3A_61 = arith.constant 160 : index
      %parallel_loop3A_62 = tpu.vector_load %arg5[%parallel_loop3A_60, %parallel_loop3A_61] {strides = array<i32>} : memref<32x2048xf32, #tpu.memory_space<vmem>>, vector<16xf32>,
      tpu.vector_store %arg5[%parallel_loop3A_60, %parallel_loop3A_61], %broadcast_in_dim3A_3 {strides = array<i32>} : memref<32x2048xf32, #tpu.memory_space<vmem>>, vector<16xf32>,
      %parallel_loop3A_63 = arith.index_cast %parallel_loop3A_29 : i32 to index
      %parallel_loop3A_64 = arith.constant 176 : index
      %parallel_loop3A_65 = tpu.vector_load %arg5[%parallel_loop3A_63, %parallel_loop3A_64] {strides = array<i32>} : memref<32x2048xf32, #tpu.memory_space<vmem>>, vector<16xf32>,
      tpu.vector_store %arg5[%parallel_loop3A_63, %parallel_loop3A_64], %broadcast_in_dim3A_3 {strides = array<i32>} : memref<32x2048xf32, #tpu.memory_space<vmem>>, vector<16xf32>,
      %parallel_loop3A_66 = arith.index_cast %parallel_loop3A_29 : i32 to index
      %parallel_loop3A_67 = arith.constant 192 : index
      %parallel_loop3A_68 = tpu.vector_load %arg5[%parallel_loop3A_66, %parallel_loop3A_67] {strides = array<i32>} : memref<32x2048xf32, #tpu.memory_space<vmem>>, vector<16xf32>,
      tpu.vector_store %arg5[%parallel_loop3A_66, %parallel_loop3A_67], %broadcast_in_dim3A_3 {strides = array<i32>} : memref<32x2048xf32, #tpu.memory_space<vmem>>, vector<16xf32>,
      %parallel_loop3A_69 = arith.index_cast %parallel_loop3A_29 : i32 to index
      %parallel_loop3A_70 = arith.constant 208 : index
      %parallel_loop3A_71 = tpu.vector_load %arg5[%parallel_loop3A_69, %parallel_loop3A_70] {strides = array<i32>} : memref<32x2048xf32, #tpu.memory_space<vmem>>, vector<16xf32>,
      tpu.vector_store %arg5[%parallel_loop3A_69, %parallel_loop3A_70], %broadcast_in_dim3A_3 {strides = array<i32>} : memref<32x2048xf32, #tpu.memory_space<vmem>>, vector<16xf32>,
      %parallel_loop3A_72 = arith.index_cast %parallel_loop3A_29 : i32 to index
      %parallel_loop3A_73 = arith.constant 224 : index
      %parallel_loop3A_74 = tpu.vector_load %arg5[%parallel_loop3A_72, %parallel_loop3A_73] {strides = array<i32>} : memref<32x2048xf32, #tpu.memory_space<vmem>>, vector<16xf32>,
      tpu.vector_store %arg5[%parallel_loop3A_72, %parallel_loop3A_73], %broadcast_in_dim3A_3 {strides = array<i32>} : memref<32x2048xf32, #tpu.memory_space<vmem>>, vector<16xf32>,
      %parallel_loop3A_75 = arith.index_cast %parallel_loop3A_29 : i32 to index
      %parallel_loop3A_76 = arith.constant 240 : index
      %parallel_loop3A_77 = tpu.vector_load %arg5[%parallel_loop3A_75, %parallel_loop3A_76] {strides = array<i32>} : memref<32x2048xf32, #tpu.memory_space<vmem>>, vector<16xf32>,
      tpu.vector_store %arg5[%parallel_loop3A_75, %parallel_loop3A_76], %broadcast_in_dim3A_3 {strides = array<i32>} : memref<32x2048xf32, #tpu.memory_space<vmem>>, vector<16xf32>,
      %parallel_loop3A_78 = arith.index_cast %parallel_loop3A_29 : i32 to index
      %parallel_loop3A_79 = arith.constant 256 : index
      %parallel_loop3A_80 = tpu.vector_load %arg5[%parallel_loop3A_78, %parallel_loop3A_79] {strides = array<i32>} : memref<32x2048xf32, #tpu.memory_space<vmem>>, vector<16xf32>,
      tpu.vector_store %arg5[%parallel_loop3A_78, %parallel_loop3A_79], %broadcast_in_dim3A_3 {strides = array<i32>} : memref<32x2048xf32, #tpu.memory_space<vmem>>, vector<16xf32>,
      %parallel_loop3A_81 = arith.index_cast %parallel_loop3A_29 : i32 to index
      %parallel_loop3A_82 = arith.constant 272 : index
      %parallel_loop3A_83 = tpu.vector_load %arg5[%parallel_loop3A_81, %parallel_loop3A_82] {strides = array<i32>} : memref<32x2048xf32, #tpu.memory_space<vmem>>, vector<16xf32>,
      tpu.vector_store %arg5[%parallel_loop3A_81, %parallel_loop3A_82], %broadcast_in_dim3A_3 {strides = array<i32>} : memref<32x2048xf32, #tpu.memory_space<vmem>>, vector<16xf32>,
      %parallel_loop3A_84 = arith.index_cast %parallel_loop3A_29 : i32 to index
      %parallel_loop3A_85 = arith.constant 288 : index
      %parallel_loop3A_86 = tpu.vector_load %arg5[%parallel_loop3A_84, %parallel_loop3A_85] {strides = array<i32>} : memref<32x2048xf32, #tpu.memory_space<vmem>>, vector<16xf32>,
      tpu.vector_store %arg5[%parallel_loop3A_84, %parallel_loop3A_85], %broadcast_in_dim3A_3 {strides = array<i32>} : memref<32x2048xf32, #tpu.memory_space<vmem>>, vector<16xf32>,
      %parallel_loop3A_87 = arith.index_cast %parallel_loop3A_29 : i32 to index
      %parallel_loop3A_88 = arith.constant 304 : index
      %parallel_loop3A_89 = tpu.vector_load %arg5[%parallel_loop3A_87, %parallel_loop3A_88] {strides = array<i32>} : memref<32x2048xf32, #tpu.memory_space<vmem>>, vector<16xf32>,
      tpu.vector_store %arg5[%parallel_loop3A_87, %parallel_loop3A_88], %broadcast_in_dim3A_3 {strides = array<i32>} : memref<32x2048xf32, #tpu.memory_space<vmem>>, vector<16xf32>,
      %parallel_loop3A_90 = arith.index_cast %parallel_loop3A_29 : i32 to index
      %parallel_loop3A_91 = arith.constant 320 : index
      %parallel_loop3A_92 = tpu.vector_load %arg5[%parallel_loop3A_90, %parallel_loop3A_91] {strides = array<i32>} : memref<32x2048xf32, #tpu.memory_space<vmem>>, vector<16xf32>,
      tpu.vector_store %arg5[%parallel_loop3A_90, %parallel_loop3A_91], %broadcast_in_dim3A_3 {strides = array<i32>} : memref<32x2048xf32, #tpu.memory_space<vmem>>, vector<16xf32>,
      %parallel_loop3A_93 = arith.index_cast %parallel_loop3A_29 : i32 to index
      %parallel_loop3A_94 = arith.constant 336 : index
      %parallel_loop3A_95 = tpu.vector_load %arg5[%parallel_loop3A_93, %parallel_loop3A_94] {strides = array<i32>} : memref<32x2048xf32, #tpu.memory_space<vmem>>, vector<16xf32>,
      tpu.vector_store %arg5[%parallel_loop3A_93, %parallel_loop3A_94], %broadcast_in_dim3A_3 {strides = array<i32>} : memref<32x2048xf32, #tpu.memory_space<vmem>>, vector<16xf32>,
      %parallel_loop3A_96 = arith.index_cast %parallel_loop3A_29 : i32 to index
      %parallel_loop3A_97 = arith.constant 352 : index
      %parallel_loop3A_98 = tpu.vector_load %arg5[%parallel_loop3A_96, %parallel_loop3A_97] {strides = array<i32>} : memref<32x2048xf32, #tpu.memory_space<vmem>>, vector<16xf32>,
      tpu.vector_store %arg5[%parallel_loop3A_96, %parallel_loop3A_97], %broadcast_in_dim3A_3 {strides = array<i32>} : memref<32x2048xf32, #tpu.memory_space<vmem>>, vector<16xf32>,
      %parallel_loop3A_99 = arith.index_cast %parallel_loop3A_29 : i32 to index
      %parallel_loop3A_100 = arith.constant 368 : index
      %parallel_loop3A_101 = tpu.vector_load %arg5[%parallel_loop3A_99, %parallel_loop3A_100] {strides = array<i32>} : memref<32x2048xf32, #tpu.memory_space<vmem>>, vector<16xf32>,
      tpu.vector_store %arg5[%parallel_loop3A_99, %parallel_loop3A_100], %broadcast_in_dim3A_3 {strides = array<i32>} : memref<32x2048xf32, #tpu.memory_space<vmem>>, vector<16xf32>,
      %parallel_loop3A_102 = arith.index_cast %parallel_loop3A_29 : i32 to index
      %parallel_loop3A_103 = arith.constant 384 : index
      %parallel_loop3A_104 = tpu.vector_load %arg5[%parallel_loop3A_102, %parallel_loop3A_103] {strides = array<i32>} : memref<32x2048xf32, #tpu.memory_space<vmem>>, vector<16xf32>,
      tpu.vector_store %arg5[%parallel_loop3A_102, %parallel_loop3A_103], %broadcast_in_dim3A_3 {strides = array<i32>} : memref<32x2048xf32, #tpu.memory_space<vmem>>, vector<16xf32>,
      %parallel_loop3A_105 = arith.index_cast %parallel_loop3A_29 : i32 to index
      %parallel_loop3A_106 = arith.constant 400 : index
      %parallel_loop3A_107 = tpu.vector_load %arg5[%parallel_loop3A_105, %parallel_loop3A_106] {strides = array<i32>} : memref<32x2048xf32, #tpu.memory_space<vmem>>, vector<16xf32>,
      tpu.vector_store %arg5[%parallel_loop3A_105, %parallel_loop3A_106], %broadcast_in_dim3A_3 {strides = array<i32>} : memref<32x2048xf32, #tpu.memory_space<vmem>>, vector<16xf32>,
      %parallel_loop3A_108 = arith.index_cast %parallel_loop3A_29 : i32 to index
      %parallel_loop3A_109 = arith.constant 416 : index
      %parallel_loop3A_110 = tpu.vector_load %arg5[%parallel_loop3A_108, %parallel_loop3A_109] {strides = array<i32>} : memref<32x2048xf32, #tpu.memory_space<vmem>>, vector<16xf32>,
      tpu.vector_store %arg5[%parallel_loop3A_108, %parallel_loop3A_109], %broadcast_in_dim3A_3 {strides = array<i32>} : memref<32x2048xf32, #tpu.memory_space<vmem>>, vector<16xf32>,
      %parallel_loop3A_111 = arith.index_cast %parallel_loop3A_29 : i32 to index
      %parallel_loop3A_112 = arith.constant 432 : index
      %parallel_loop3A_113 = tpu.vector_load %arg5[%parallel_loop3A_111, %parallel_loop3A_112] {strides = array<i32>} : memref<32x2048xf32, #tpu.memory_space<vmem>>, vector<16xf32>,
      tpu.vector_store %arg5[%parallel_loop3A_111, %parallel_loop3A_112], %broadcast_in_dim3A_3 {strides = array<i32>} : memref<32x2048xf32, #tpu.memory_space<vmem>>, vector<16xf32>,
      %parallel_loop3A_114 = arith.index_cast %parallel_loop3A_29 : i32 to index
      %parallel_loop3A_115 = arith.constant 448 : index
      %parallel_loop3A_116 = tpu.vector_load %arg5[%parallel_loop3A_114, %parallel_loop3A_115] {strides = array<i32>} : memref<32x2048xf32, #tpu.memory_space<vmem>>, vector<16xf32>,
      tpu.vector_store %arg5[%parallel_loop3A_114, %parallel_loop3A_115], %broadcast_in_dim3A_3 {strides = array<i32>} : memref<32x2048xf32, #tpu.memory_space<vmem>>, vector<16xf32>,
      %parallel_loop3A_117 = arith.index_cast %parallel_loop3A_29 : i32 to index
      %parallel_loop3A_118 = arith.constant 464 : index
      %parallel_loop3A_119 = tpu.vector_load %arg5[%parallel_loop3A_117, %parallel_loop3A_118] {strides = array<i32>} : memref<32x2048xf32, #tpu.memory_space<vmem>>, vector<16xf32>,
      tpu.vector_store %arg5[%parallel_loop3A_117, %parallel_loop3A_118], %broadcast_in_dim3A_3 {strides = array<i32>} : memref<32x2048xf32, #tpu.memory_space<vmem>>, vector<16xf32>,
      %parallel_loop3A_120 = arith.index_cast %parallel_loop3A_29 : i32 to index
      %parallel_loop3A_121 = arith.constant 480 : index
      %parallel_loop3A_122 = tpu.vector_load %arg5[%parallel_loop3A_120, %parallel_loop3A_121] {strides = array<i32>} : memref<32x2048xf32, #tpu.memory_space<vmem>>, vector<16xf32>,
      tpu.vector_store %arg5[%parallel_loop3A_120, %parallel_loop3A_121], %broadcast_in_dim3A_3 {strides = array<i32>} : memref<32x2048xf32, #tpu.memory_space<vmem>>, vector<16xf32>,
      %parallel_loop3A_123 = arith.index_cast %parallel_loop3A_29 : i32 to index
      %parallel_loop3A_124 = arith.constant 496 : index
      %parallel_loop3A_125 = tpu.vector_load %arg5[%parallel_loop3A_123, %parallel_loop3A_124] {strides = array<i32>} : memref<32x2048xf32, #tpu.memory_space<vmem>>, vector<16xf32>,
      tpu.vector_store %arg5[%parallel_loop3A_123, %parallel_loop3A_124], %broadcast_in_dim3A_3 {strides = array<i32>} : memref<32x2048xf32, #tpu.memory_space<vmem>>, vector<16xf32>,
      %parallel_loop3A_126 = arith.index_cast %parallel_loop3A_29 : i32 to index
      %parallel_loop3A_127 = arith.constant 512 : index
      %parallel_loop3A_128 = tpu.vector_load %arg5[%parallel_loop3A_126, %parallel_loop3A_127] {strides = array<i32>} : memref<32x2048xf32, #tpu.memory_space<vmem>>, vector<16xf32>,
      tpu.vector_store %arg5[%parallel_loop3A_126, %parallel_loop3A_127], %broadcast_in_dim3A_3 {strides = array<i32>} : memref<32x2048xf32, #tpu.memory_space<vmem>>, vector<16xf32>,
      %parallel_loop3A_129 = arith.index_cast %parallel_loop3A_29 : i32 to index
      %parallel_loop3A_130 = arith.constant 528 : index
      %parallel_loop3A_131 = tpu.vector_load %arg5[%parallel_loop3A_129, %parallel_loop3A_130] {strides = array<i32>} : memref<32x2048xf32, #tpu.memory_space<vmem>>, vector<16xf32>,
      tpu.vector_store %arg5[%parallel_loop3A_129, %parallel_loop3A_130], %broadcast_in_dim3A_3 {strides = array<i32>} : memref<32x2048xf32, #tpu.memory_space<vmem>>, vector<16xf32>,
      %parallel_loop3A_132 = arith.index_cast %parallel_loop3A_29 : i32 to index
      %parallel_loop3A_133 = arith.constant 544 : index
      %parallel_loop3A_134 = tpu.vector_load %arg5[%parallel_loop3A_132, %parallel_loop3A_133] {strides = array<i32>} : memref<32x2048xf32, #tpu.memory_space<vmem>>, vector<16xf32>,
      tpu.vector_store %arg5[%parallel_loop3A_132, %parallel_loop3A_133], %broadcast_in_dim3A_3 {strides = array<i32>} : memref<32x2048xf32, #tpu.memory_space<vmem>>, vector<16xf32>,
      %parallel_loop3A_135 = arith.index_cast %parallel_loop3A_29 : i32 to index
      %parallel_loop3A_136 = arith.constant 560 : index
      %parallel_loop3A_137 = tpu.vector_load %arg5[%parallel_loop3A_135, %parallel_loop3A_136] {strides = array<i32>} : memref<32x2048xf32, #tpu.memory_space<vmem>>, vector<16xf32>,
      tpu.vector_store %arg5[%parallel_loop3A_135, %parallel_loop3A_136], %broadcast_in_dim3A_3 {strides = array<i32>} : memref<32x2048xf32, #tpu.memory_space<vmem>>, vector<16xf32>,
      %parallel_loop3A_138 = arith.index_cast %parallel_loop3A_29 : i32 to index
      %parallel_loop3A_139 = arith.constant 576 : index
      %parallel_loop3A_140 = tpu.vector_load %arg5[%parallel_loop3A_138, %parallel_loop3A_139] {strides = array<i32>} : memref<32x2048xf32, #tpu.memory_space<vmem>>, vector<16xf32>,
      tpu.vector_store %arg5[%parallel_loop3A_138, %parallel_loop3A_139], %broadcast_in_dim3A_3 {strides = array<i32>} : memref<32x2048xf32, #tpu.memory_space<vmem>>, vector<16xf32>,
      %parallel_loop3A_141 = arith.index_cast %parallel_loop3A_29 : i32 to index
      %parallel_loop3A_142 = arith.constant 592 : index
      %parallel_loop3A_143 = tpu.vector_load %arg5[%parallel_loop3A_141, %parallel_loop3A_142] {strides = array<i32>} : memref<32x2048xf32, #tpu.memory_space<vmem>>, vector<16xf32>,
      tpu.vector_store %arg5[%parallel_loop3A_141, %parallel_loop3A_142], %broadcast_in_dim3A_3 {strides = array<i32>} : memref<32x2048xf32, #tpu.memory_space<vmem>>, vector<16xf32>,
      %parallel_loop3A_144 = arith.index_cast %parallel_loop3A_29 : i32 to index
      %parallel_loop3A_145 = arith.constant 608 : index
      %parallel_loop3A_146 = tpu.vector_load %arg5[%parallel_loop3A_144, %parallel_loop3A_145] {strides = array<i32>} : memref<32x2048xf32, #tpu.memory_space<vmem>>, vector<16xf32>,
      tpu.vector_store %arg5[%parallel_loop3A_144, %parallel_loop3A_145], %broadcast_in_dim3A_3 {strides = array<i32>} : memref<32x2048xf32, #tpu.memory_space<vmem>>, vector<16xf32>,
      %parallel_loop3A_147 = arith.index_cast %parallel_loop3A_29 : i32 to index
      %parallel_loop3A_148 = arith.constant 624 : index
      %parallel_loop3A_149 = tpu.vector_load %arg5[%parallel_loop3A_147, %parallel_loop3A_148] {strides = array<i32>} : memref<32x2048xf32, #tpu.memory_space<vmem>>, vector<16xf32>,
      tpu.vector_store %arg5[%parallel_loop3A_147, %parallel_loop3A_148], %broadcast_in_dim3A_3 {strides = array<i32>} : memref<32x2048xf32, #tpu.memory_space<vmem>>, vector<16xf32>,
      %parallel_loop3A_150 = arith.index_cast %parallel_loop3A_29 : i32 to index
      %parallel_loop3A_151 = arith.constant 640 : index
      %parallel_loop3A_152 = tpu.vector_load %arg5[%parallel_loop3A_150, %parallel_loop3A_151] {strides = array<i32>} : memref<32x2048xf32, #tpu.memory_space<vmem>>, vector<16xf32>,
      tpu.vector_store %arg5[%parallel_loop3A_150, %parallel_loop3A_151], %broadcast_in_dim3A_3 {strides = array<i32>} : memref<32x2048xf32, #tpu.memory_space<vmem>>, vector<16xf32>,
      %parallel_loop3A_153 = arith.index_cast %parallel_loop3A_29 : i32 to index
      %parallel_loop3A_154 = arith.constant 656 : index
      %parallel_loop3A_155 = tpu.vector_load %arg5[%parallel_loop3A_153, %parallel_loop3A_154] {strides = array<i32>} : memref<32x2048xf32, #tpu.memory_space<vmem>>, vector<16xf32>,
      tpu.vector_store %arg5[%parallel_loop3A_153, %parallel_loop3A_154], %broadcast_in_dim3A_3 {strides = array<i32>} : memref<32x2048xf32, #tpu.memory_space<vmem>>, vector<16xf32>,
      %parallel_loop3A_156 = arith.index_cast %parallel_loop3A_29 : i32 to index
      %parallel_loop3A_157 = arith.constant 672 : index
      %parallel_loop3A_158 = tpu.vector_load %arg5[%parallel_loop3A_156, %parallel_loop3A_157] {strides = array<i32>} : memref<32x2048xf32, #tpu.memory_space<vmem>>, vector<16xf32>,
      tpu.vector_store %arg5[%parallel_loop3A_156, %parallel_loop3A_157], %broadcast_in_dim3A_3 {strides = array<i32>} : memref<32x2048xf32, #tpu.memory_space<vmem>>, vector<16xf32>,
      %parallel_loop3A_159 = arith.index_cast %parallel_loop3A_29 : i32 to index
      %parallel_loop3A_160 = arith.constant 688 : index
      %parallel_loop3A_161 = tpu.vector_load %arg5[%parallel_loop3A_159, %parallel_loop3A_160] {strides = array<i32>} : memref<32x2048xf32, #tpu.memory_space<vmem>>, vector<16xf32>,
      tpu.vector_store %arg5[%parallel_loop3A_159, %parallel_loop3A_160], %broadcast_in_dim3A_3 {strides = array<i32>} : memref<32x2048xf32, #tpu.memory_space<vmem>>, vector<16xf32>,
      %parallel_loop3A_162 = arith.index_cast %parallel_loop3A_29 : i32 to index
      %parallel_loop3A_163 = arith.constant 704 : index
      %parallel_loop3A_164 = tpu.vector_load %arg5[%parallel_loop3A_162, %parallel_loop3A_163] {strides = array<i32>} : memref<32x2048xf32, #tpu.memory_space<vmem>>, vector<16xf32>,
      tpu.vector_store %arg5[%parallel_loop3A_162, %parallel_loop3A_163], %broadcast_in_dim3A_3 {strides = array<i32>} : memref<32x2048xf32, #tpu.memory_space<vmem>>, vector<16xf32>,
      %parallel_loop3A_165 = arith.index_cast %parallel_loop3A_29 : i32 to index
      %parallel_loop3A_166 = arith.constant 720 : index
      %parallel_loop3A_167 = tpu.vector_load %arg5[%parallel_loop3A_165, %parallel_loop3A_166] {strides = array<i32>} : memref<32x2048xf32, #tpu.memory_space<vmem>>, vector<16xf32>,
      tpu.vector_store %arg5[%parallel_loop3A_165, %parallel_loop3A_166], %broadcast_in_dim3A_3 {strides = array<i32>} : memref<32x2048xf32, #tpu.memory_space<vmem>>, vector<16xf32>,
      %parallel_loop3A_168 = arith.index_cast %parallel_loop3A_29 : i32 to index
      %parallel_loop3A_169 = arith.constant 736 : index
      %parallel_loop3A_170 = tpu.vector_load %arg5[%parallel_loop3A_168, %parallel_loop3A_169] {strides = array<i32>} : memref<32x2048xf32, #tpu.memory_space<vmem>>, vector<16xf32>,
      tpu.vector_store %arg5[%parallel_loop3A_168, %parallel_loop3A_169], %broadcast_in_dim3A_3 {strides = array<i32>} : memref<32x2048xf32, #tpu.memory_space<vmem>>, vector<16xf32>,
      %parallel_loop3A_171 = arith.index_cast %parallel_loop3A_29 : i32 to index
      %parallel_loop3A_172 = arith.constant 752 : index
      %parallel_loop3A_173 = tpu.vector_load %arg5[%parallel_loop3A_171, %parallel_loop3A_172] {strides = array<i32>} : memref<32x2048xf32, #tpu.memory_space<vmem>>, vector<16xf32>,
      tpu.vector_store %arg5[%parallel_loop3A_171, %parallel_loop3A_172], %broadcast_in_dim3A_3 {strides = array<i32>} : memref<32x2048xf32, #tpu.memory_space<vmem>>, vector<16xf32>,
      %parallel_loop3A_174 = arith.index_cast %parallel_loop3A_29 : i32 to index
      %parallel_loop3A_175 = arith.constant 768 : index
      %parallel_loop3A_176 = tpu.vector_load %arg5[%parallel_loop3A_174, %parallel_loop3A_175] {strides = array<i32>} : memref<32x2048xf32, #tpu.memory_space<vmem>>, vector<16xf32>,
      tpu.vector_store %arg5[%parallel_loop3A_174, %parallel_loop3A_175], %broadcast_in_dim3A_3 {strides = array<i32>} : memref<32x2048xf32, #tpu.memory_space<vmem>>, vector<16xf32>,
      %parallel_loop3A_177 = arith.index_cast %parallel_loop3A_29 : i32 to index
      %parallel_loop3A_178 = arith.constant 784 : index
      %parallel_loop3A_179 = tpu.vector_load %arg5[%parallel_loop3A_177, %parallel_loop3A_178] {strides = array<i32>} : memref<32x2048xf32, #tpu.memory_space<vmem>>, vector<16xf32>,
      tpu.vector_store %arg5[%parallel_loop3A_177, %parallel_loop3A_178], %broadcast_in_dim3A_3 {strides = array<i32>} : memref<32x2048xf32, #tpu.memory_space<vmem>>, vector<16xf32>,
      %parallel_loop3A_180 = arith.index_cast %parallel_loop3A_29 : i32 to index
      %parallel_loop3A_181 = arith.constant 800 : index
      %parallel_loop3A_182 = tpu.vector_load %arg5[%parallel_loop3A_180, %parallel_loop3A_181] {strides = array<i32>} : memref<32x2048xf32, #tpu.memory_space<vmem>>, vector<16xf32>,
      tpu.vector_store %arg5[%parallel_loop3A_180, %parallel_loop3A_181], %broadcast_in_dim3A_3 {strides = array<i32>} : memref<32x2048xf32, #tpu.memory_space<vmem>>, vector<16xf32>,
      %parallel_loop3A_183 = arith.index_cast %parallel_loop3A_29 : i32 to index
      %parallel_loop3A_184 = arith.constant 816 : index
      %parallel_loop3A_185 = tpu.vector_load %arg5[%parallel_loop3A_183, %parallel_loop3A_184] {strides = array<i32>} : memref<32x2048xf32, #tpu.memory_space<vmem>>, vector<16xf32>,
      tpu.vector_store %arg5[%parallel_loop3A_183, %parallel_loop3A_184], %broadcast_in_dim3A_3 {strides = array<i32>} : memref<32x2048xf32, #tpu.memory_space<vmem>>, vector<16xf32>,
      %parallel_loop3A_186 = arith.index_cast %parallel_loop3A_29 : i32 to index
      %parallel_loop3A_187 = arith.constant 832 : index
      %parallel_loop3A_188 = tpu.vector_load %arg5[%parallel_loop3A_186, %parallel_loop3A_187] {strides = array<i32>} : memref<32x2048xf32, #tpu.memory_space<vmem>>, vector<16xf32>,
      tpu.vector_store %arg5[%parallel_loop3A_186, %parallel_loop3A_187], %broadcast_in_dim3A_3 {strides = array<i32>} : memref<32x2048xf32, #tpu.memory_space<vmem>>, vector<16xf32>,
      %parallel_loop3A_189 = arith.index_cast %parallel_loop3A_29 : i32 to index
      %parallel_loop3A_190 = arith.constant 848 : index
      %parallel_loop3A_191 = tpu.vector_load %arg5[%parallel_loop3A_189, %parallel_loop3A_190] {strides = array<i32>} : memref<32x2048xf32, #tpu.memory_space<vmem>>, vector<16xf32>,
      tpu.vector_store %arg5[%parallel_loop3A_189, %parallel_loop3A_190], %broadcast_in_dim3A_3 {strides = array<i32>} : memref<32x2048xf32, #tpu.memory_space<vmem>>, vector<16xf32>,
      %parallel_loop3A_192 = arith.index_cast %parallel_loop3A_29 : i32 to index
      %parallel_loop3A_193 = arith.constant 864 : index
      %parallel_loop3A_194 = tpu.vector_load %arg5[%parallel_loop3A_192, %parallel_loop3A_193] {strides = array<i32>} : memref<32x2048xf32, #tpu.memory_space<vmem>>, vector<16xf32>,
      tpu.vector_store %arg5[%parallel_loop3A_192, %parallel_loop3A_193], %broadcast_in_dim3A_3 {strides = array<i32>} : memref<32x2048xf32, #tpu.memory_space<vmem>>, vector<16xf32>,
      %parallel_loop3A_195 = arith.index_cast %parallel_loop3A_29 : i32 to index
      %parallel_loop3A_196 = arith.constant 880 : index
      %parallel_loop3A_197 = tpu.vector_load %arg5[%parallel_loop3A_195, %parallel_loop3A_196] {strides = array<i32>} : memref<32x2048xf32, #tpu.memory_space<vmem>>, vector<16xf32>,
      tpu.vector_store %arg5[%parallel_loop3A_195, %parallel_loop3A_196], %broadcast_in_dim3A_3 {strides = array<i32>} : memref<32x2048xf32, #tpu.memory_space<vmem>>, vector<16xf32>,
      %parallel_loop3A_198 = arith.index_cast %parallel_loop3A_29 : i32 to index
      %parallel_loop3A_199 = arith.constant 896 : index
      %parallel_loop3A_200 = tpu.vector_load %arg5[%parallel_loop3A_198, %parallel_loop3A_199] {strides = array<i32>} : memref<32x2048xf32, #tpu.memory_space<vmem>>, vector<16xf32>,
      tpu.vector_store %arg5[%parallel_loop3A_198, %parallel_loop3A_199], %broadcast_in_dim3A_3 {strides = array<i32>} : memref<32x2048xf32, #tpu.memory_space<vmem>>, vector<16xf32>,
      %parallel_loop3A_201 = arith.index_cast %parallel_loop3A_29 : i32 to index
      %parallel_loop3A_202 = arith.constant 912 : index
      %parallel_loop3A_203 = tpu.vector_load %arg5[%parallel_loop3A_201, %parallel_loop3A_202] {strides = array<i32>} : memref<32x2048xf32, #tpu.memory_space<vmem>>, vector<16xf32>,
      tpu.vector_store %arg5[%parallel_loop3A_201, %parallel_loop3A_202], %broadcast_in_dim3A_3 {strides = array<i32>} : memref<32x2048xf32, #tpu.memory_space<vmem>>, vector<16xf32>,
      %parallel_loop3A_204 = arith.index_cast %parallel_loop3A_29 : i32 to index
      %parallel_loop3A_205 = arith.constant 928 : index
      %parallel_loop3A_206 = tpu.vector_load %arg5[%parallel_loop3A_204, %parallel_loop3A_205] {strides = array<i32>} : memref<32x2048xf32, #tpu.memory_space<vmem>>, vector<16xf32>,
      tpu.vector_store %arg5[%parallel_loop3A_204, %parallel_loop3A_205], %broadcast_in_dim3A_3 {strides = array<i32>} : memref<32x2048xf32, #tpu.memory_space<vmem>>, vector<16xf32>,
      %parallel_loop3A_207 = arith.index_cast %parallel_loop3A_29 : i32 to index
      %parallel_loop3A_208 = arith.constant 944 : index
      %parallel_loop3A_209 = tpu.vector_load %arg5[%parallel_loop3A_207, %parallel_loop3A_208] {strides = array<i32>} : memref<32x2048xf32, #tpu.memory_space<vmem>>, vector<16xf32>,
      tpu.vector_store %arg5[%parallel_loop3A_207, %parallel_loop3A_208], %broadcast_in_dim3A_3 {strides = array<i32>} : memref<32x2048xf32, #tpu.memory_space<vmem>>, vector<16xf32>,
      %parallel_loop3A_210 = arith.index_cast %parallel_loop3A_29 : i32 to index
      %parallel_loop3A_211 = arith.constant 960 : index
      %parallel_loop3A_212 = tpu.vector_load %arg5[%parallel_loop3A_210, %parallel_loop3A_211] {strides = array<i32>} : memref<32x2048xf32, #tpu.memory_space<vmem>>, vector<16xf32>,
      tpu.vector_store %arg5[%parallel_loop3A_210, %parallel_loop3A_211], %broadcast_in_dim3A_3 {strides = array<i32>} : memref<32x2048xf32, #tpu.memory_space<vmem>>, vector<16xf32>,
      %parallel_loop3A_213 = arith.index_cast %parallel_loop3A_29 : i32 to index
      %parallel_loop3A_214 = arith.constant 976 : index
      %parallel_loop3A_215 = tpu.vector_load %arg5[%parallel_loop3A_213, %parallel_loop3A_214] {strides = array<i32>} : memref<32x2048xf32, #tpu.memory_space<vmem>>, vector<16xf32>,
      tpu.vector_store %arg5[%parallel_loop3A_213, %parallel_loop3A_214], %broadcast_in_dim3A_3 {strides = array<i32>} : memref<32x2048xf32, #tpu.memory_space<vmem>>, vector<16xf32>,
      %parallel_loop3A_216 = arith.index_cast %parallel_loop3A_29 : i32 to index
      %parallel_loop3A_217 = arith.constant 992 : index
      %parallel_loop3A_218 = tpu.vector_load %arg5[%parallel_loop3A_216, %parallel_loop3A_217] {strides = array<i32>} : memref<32x2048xf32, #tpu.memory_space<vmem>>, vector<16xf32>,
      tpu.vector_store %arg5[%parallel_loop3A_216, %parallel_loop3A_217], %broadcast_in_dim3A_3 {strides = array<i32>} : memref<32x2048xf32, #tpu.memory_space<vmem>>, vector<16xf32>,
      %parallel_loop3A_219 = arith.index_cast %parallel_loop3A_29 : i32 to index
      %parallel_loop3A_220 = arith.constant 1008 : index
      %parallel_loop3A_221 = tpu.vector_load %arg5[%parallel_loop3A_219, %parallel_loop3A_220] {strides = array<i32>} : memref<32x2048xf32, #tpu.memory_space<vmem>>, vector<16xf32>,
      tpu.vector_store %arg5[%parallel_loop3A_219, %parallel_loop3A_220], %broadcast_in_dim3A_3 {strides = array<i32>} : memref<32x2048xf32, #tpu.memory_space<vmem>>, vector<16xf32>,
      %parallel_loop3A_222 = arith.index_cast %parallel_loop3A_29 : i32 to index
      %parallel_loop3A_223 = arith.constant 1024 : index
      %parallel_loop3A_224 = tpu.vector_load %arg5[%parallel_loop3A_222, %parallel_loop3A_223] {strides = array<i32>} : memref<32x2048xf32, #tpu.memory_space<vmem>>, vector<16xf32>,
      tpu.vector_store %arg5[%parallel_loop3A_222, %parallel_loop3A_223], %broadcast_in_dim3A_3 {strides = array<i32>} : memref<32x2048xf32, #tpu.memory_space<vmem>>, vector<16xf32>,
      %parallel_loop3A_225 = arith.index_cast %parallel_loop3A_29 : i32 to index
      %parallel_loop3A_226 = arith.constant 1040 : index
      %parallel_loop3A_227 = tpu.vector_load %arg5[%parallel_loop3A_225, %parallel_loop3A_226] {strides = array<i32>} : memref<32x2048xf32, #tpu.memory_space<vmem>>, vector<16xf32>,
      tpu.vector_store %arg5[%parallel_loop3A_225, %parallel_loop3A_226], %broadcast_in_dim3A_3 {strides = array<i32>} : memref<32x2048xf32, #tpu.memory_space<vmem>>, vector<16xf32>,
      %parallel_loop3A_228 = arith.index_cast %parallel_loop3A_29 : i32 to index
      %parallel_loop3A_229 = arith.constant 1056 : index
      %parallel_loop3A_230 = tpu.vector_load %arg5[%parallel_loop3A_228, %parallel_loop3A_229] {strides = array<i32>} : memref<32x2048xf32, #tpu.memory_space<vmem>>, vector<16xf32>,
      tpu.vector_store %arg5[%parallel_loop3A_228, %parallel_loop3A_229], %broadcast_in_dim3A_3 {strides = array<i32>} : memref<32x2048xf32, #tpu.memory_space<vmem>>, vector<16xf32>,
      %parallel_loop3A_231 = arith.index_cast %parallel_loop3A_29 : i32 to index
      %parallel_loop3A_232 = arith.constant 1072 : index
      %parallel_loop3A_233 = tpu.vector_load %arg5[%parallel_loop3A_231, %parallel_loop3A_232] {strides = array<i32>} : memref<32x2048xf32, #tpu.memory_space<vmem>>, vector<16xf32>,
      tpu.vector_store %arg5[%parallel_loop3A_231, %parallel_loop3A_232], %broadcast_in_dim3A_3 {strides = array<i32>} : memref<32x2048xf32, #tpu.memory_space<vmem>>, vector<16xf32>,
      %parallel_loop3A_234 = arith.index_cast %parallel_loop3A_29 : i32 to index
      %parallel_loop3A_235 = arith.constant 1088 : index
      %parallel_loop3A_236 = tpu.vector_load %arg5[%parallel_loop3A_234, %parallel_loop3A_235] {strides = array<i32>} : memref<32x2048xf32, #tpu.memory_space<vmem>>, vector<16xf32>,
      tpu.vector_store %arg5[%parallel_loop3A_234, %parallel_loop3A_235], %broadcast_in_dim3A_3 {strides = array<i32>} : memref<32x2048xf32, #tpu.memory_space<vmem>>, vector<16xf32>,
      %parallel_loop3A_237 = arith.index_cast %parallel_loop3A_29 : i32 to index
      %parallel_loop3A_238 = arith.constant 1104 : index
      %parallel_loop3A_239 = tpu.vector_load %arg5[%parallel_loop3A_237, %parallel_loop3A_238] {strides = array<i32>} : memref<32x2048xf32, #tpu.memory_space<vmem>>, vector<16xf32>,
      tpu.vector_store %arg5[%parallel_loop3A_237, %parallel_loop3A_238], %broadcast_in_dim3A_3 {strides = array<i32>} : memref<32x2048xf32, #tpu.memory_space<vmem>>, vector<16xf32>,
      %parallel_loop3A_240 = arith.index_cast %parallel_loop3A_29 : i32 to index
      %parallel_loop3A_241 = arith.constant 1120 : index
      %parallel_loop3A_242 = tpu.vector_load %arg5[%parallel_loop3A_240, %parallel_loop3A_241] {strides = array<i32>} : memref<32x2048xf32, #tpu.memory_space<vmem>>, vector<16xf32>,
      tpu.vector_store %arg5[%parallel_loop3A_240, %parallel_loop3A_241], %broadcast_in_dim3A_3 {strides = array<i32>} : memref<32x2048xf32, #tpu.memory_space<vmem>>, vector<16xf32>,
      %parallel_loop3A_243 = arith.index_cast %parallel_loop3A_29 : i32 to index
      %parallel_loop3A_244 = arith.constant 1136 : index
      %parallel_loop3A_245 = tpu.vector_load %arg5[%parallel_loop3A_243, %parallel_loop3A_244] {strides = array<i32>} : memref<32x2048xf32, #tpu.memory_space<vmem>>, vector<16xf32>,
      tpu.vector_store %arg5[%parallel_loop3A_243, %parallel_loop3A_244], %broadcast_in_dim3A_3 {strides = array<i32>} : memref<32x2048xf32, #tpu.memory_space<vmem>>, vector<16xf32>,
      %parallel_loop3A_246 = arith.index_cast %parallel_loop3A_29 : i32 to index
      %parallel_loop3A_247 = arith.constant 1152 : index
      %parallel_loop3A_248 = tpu.vector_load %arg5[%parallel_loop3A_246, %parallel_loop3A_247] {strides = array<i32>} : memref<32x2048xf32, #tpu.memory_space<vmem>>, vector<16xf32>,
      tpu.vector_store %arg5[%parallel_loop3A_246, %parallel_loop3A_247], %broadcast_in_dim3A_3 {strides = array<i32>} : memref<32x2048xf32, #tpu.memory_space<vmem>>, vector<16xf32>,
      %parallel_loop3A_249 = arith.index_cast %parallel_loop3A_29 : i32 to index
      %parallel_loop3A_250 = arith.constant 1168 : index
      %parallel_loop3A_251 = tpu.vector_load %arg5[%parallel_loop3A_249, %parallel_loop3A_250] {strides = array<i32>} : memref<32x2048xf32, #tpu.memory_space<vmem>>, vector<16xf32>,
      tpu.vector_store %arg5[%parallel_loop3A_249, %parallel_loop3A_250], %broadcast_in_dim3A_3 {strides = array<i32>} : memref<32x2048xf32, #tpu.memory_space<vmem>>, vector<16xf32>,
      %parallel_loop3A_252 = arith.index_cast %parallel_loop3A_29 : i32 to index
      %parallel_loop3A_253 = arith.constant 1184 : index
      %parallel_loop3A_254 = tpu.vector_load %arg5[%parallel_loop3A_252, %parallel_loop3A_253] {strides = array<i32>} : memref<32x2048xf32, #tpu.memory_space<vmem>>, vector<16xf32>,
      tpu.vector_store %arg5[%parallel_loop3A_252, %parallel_loop3A_253], %broadcast_in_dim3A_3 {strides = array<i32>} : memref<32x2048xf32, #tpu.memory_space<vmem>>, vector<16xf32>,
      %parallel_loop3A_255 = arith.index_cast %parallel_loop3A_29 : i32 to index
      %parallel_loop3A_256 = arith.constant 1200 : index
      %parallel_loop3A_257 = tpu.vector_load %arg5[%parallel_loop3A_255, %parallel_loop3A_256] {strides = array<i32>} : memref<32x2048xf32, #tpu.memory_space<vmem>>, vector<16xf32>,
      tpu.vector_store %arg5[%parallel_loop3A_255, %parallel_loop3A_256], %broadcast_in_dim3A_3 {strides = array<i32>} : memref<32x2048xf32, #tpu.memory_space<vmem>>, vector<16xf32>,
      %parallel_loop3A_258 = arith.index_cast %parallel_loop3A_29 : i32 to index
      %parallel_loop3A_259 = arith.constant 1216 : index
      %parallel_loop3A_260 = tpu.vector_load %arg5[%parallel_loop3A_258, %parallel_loop3A_259] {strides = array<i32>} : memref<32x2048xf32, #tpu.memory_space<vmem>>, vector<16xf32>,
      tpu.vector_store %arg5[%parallel_loop3A_258, %parallel_loop3A_259], %broadcast_in_dim3A_3 {strides = array<i32>} : memref<32x2048xf32, #tpu.memory_space<vmem>>, vector<16xf32>,
      %parallel_loop3A_261 = arith.index_cast %parallel_loop3A_29 : i32 to index
      %parallel_loop3A_262 = arith.constant 1232 : index
      %parallel_loop3A_263 = tpu.vector_load %arg5[%parallel_loop3A_261, %parallel_loop3A_262] {strides = array<i32>} : memref<32x2048xf32, #tpu.memory_space<vmem>>, vector<16xf32>,
      tpu.vector_store %arg5[%parallel_loop3A_261, %parallel_loop3A_262], %broadcast_in_dim3A_3 {strides = array<i32>} : memref<32x2048xf32, #tpu.memory_space<vmem>>, vector<16xf32>,
      %parallel_loop3A_264 = arith.index_cast %parallel_loop3A_29 : i32 to index
      %parallel_loop3A_265 = arith.constant 1248 : index
      %parallel_loop3A_266 = tpu.vector_load %arg5[%parallel_loop3A_264, %parallel_loop3A_265] {strides = array<i32>} : memref<32x2048xf32, #tpu.memory_space<vmem>>, vector<16xf32>,
      tpu.vector_store %arg5[%parallel_loop3A_264, %parallel_loop3A_265], %broadcast_in_dim3A_3 {strides = array<i32>} : memref<32x2048xf32, #tpu.memory_space<vmem>>, vector<16xf32>,
      %parallel_loop3A_267 = arith.index_cast %parallel_loop3A_29 : i32 to index
      %parallel_loop3A_268 = arith.constant 1264 : index
      %parallel_loop3A_269 = tpu.vector_load %arg5[%parallel_loop3A_267, %parallel_loop3A_268] {strides = array<i32>} : memref<32x2048xf32, #tpu.memory_space<vmem>>, vector<16xf32>,
      tpu.vector_store %arg5[%parallel_loop3A_267, %parallel_loop3A_268], %broadcast_in_dim3A_3 {strides = array<i32>} : memref<32x2048xf32, #tpu.memory_space<vmem>>, vector<16xf32>,
      %parallel_loop3A_270 = arith.index_cast %parallel_loop3A_29 : i32 to index
      %parallel_loop3A_271 = arith.constant 1280 : index
      %parallel_loop3A_272 = tpu.vector_load %arg5[%parallel_loop3A_270, %parallel_loop3A_271] {strides = array<i32>} : memref<32x2048xf32, #tpu.memory_space<vmem>>, vector<16xf32>,
      tpu.vector_store %arg5[%parallel_loop3A_270, %parallel_loop3A_271], %broadcast_in_dim3A_3 {strides = array<i32>} : memref<32x2048xf32, #tpu.memory_space<vmem>>, vector<16xf32>,
      %parallel_loop3A_273 = arith.index_cast %parallel_loop3A_29 : i32 to index
      %parallel_loop3A_274 = arith.constant 1296 : index
      %parallel_loop3A_275 = tpu.vector_load %arg5[%parallel_loop3A_273, %parallel_loop3A_274] {strides = array<i32>} : memref<32x2048xf32, #tpu.memory_space<vmem>>, vector<16xf32>,
      tpu.vector_store %arg5[%parallel_loop3A_273, %parallel_loop3A_274], %broadcast_in_dim3A_3 {strides = array<i32>} : memref<32x2048xf32, #tpu.memory_space<vmem>>, vector<16xf32>,
      %parallel_loop3A_276 = arith.index_cast %parallel_loop3A_29 : i32 to index
      %parallel_loop3A_277 = arith.constant 1312 : index
      %parallel_loop3A_278 = tpu.vector_load %arg5[%parallel_loop3A_276, %parallel_loop3A_277] {strides = array<i32>} : memref<32x2048xf32, #tpu.memory_space<vmem>>, vector<16xf32>,
      tpu.vector_store %arg5[%parallel_loop3A_276, %parallel_loop3A_277], %broadcast_in_dim3A_3 {strides = array<i32>} : memref<32x2048xf32, #tpu.memory_space<vmem>>, vector<16xf32>,
      %parallel_loop3A_279 = arith.index_cast %parallel_loop3A_29 : i32 to index
      %parallel_loop3A_280 = arith.constant 1328 : index
      %parallel_loop3A_281 = tpu.vector_load %arg5[%parallel_loop3A_279, %parallel_loop3A_280] {strides = array<i32>} : memref<32x2048xf32, #tpu.memory_space<vmem>>, vector<16xf32>,
      tpu.vector_store %arg5[%parallel_loop3A_279, %parallel_loop3A_280], %broadcast_in_dim3A_3 {strides = array<i32>} : memref<32x2048xf32, #tpu.memory_space<vmem>>, vector<16xf32>,
      %parallel_loop3A_282 = arith.index_cast %parallel_loop3A_29 : i32 to index
      %parallel_loop3A_283 = arith.constant 1344 : index
      %parallel_loop3A_284 = tpu.vector_load %arg5[%parallel_loop3A_282, %parallel_loop3A_283] {strides = array<i32>} : memref<32x2048xf32, #tpu.memory_space<vmem>>, vector<16xf32>,
      tpu.vector_store %arg5[%parallel_loop3A_282, %parallel_loop3A_283], %broadcast_in_dim3A_3 {strides = array<i32>} : memref<32x2048xf32, #tpu.memory_space<vmem>>, vector<16xf32>,
      %parallel_loop3A_285 = arith.index_cast %parallel_loop3A_29 : i32 to index
      %parallel_loop3A_286 = arith.constant 1360 : index
      %parallel_loop3A_287 = tpu.vector_load %arg5[%parallel_loop3A_285, %parallel_loop3A_286] {strides = array<i32>} : memref<32x2048xf32, #tpu.memory_space<vmem>>, vector<16xf32>,
      tpu.vector_store %arg5[%parallel_loop3A_285, %parallel_loop3A_286], %broadcast_in_dim3A_3 {strides = array<i32>} : memref<32x2048xf32, #tpu.memory_space<vmem>>, vector<16xf32>,
      %parallel_loop3A_288 = arith.index_cast %parallel_loop3A_29 : i32 to index
      %parallel_loop3A_289 = arith.constant 1376 : index
      %parallel_loop3A_290 = tpu.vector_load %arg5[%parallel_loop3A_288, %parallel_loop3A_289] {strides = array<i32>} : memref<32x2048xf32, #tpu.memory_space<vmem>>, vector<16xf32>,
      tpu.vector_store %arg5[%parallel_loop3A_288, %parallel_loop3A_289], %broadcast_in_dim3A_3 {strides = array<i32>} : memref<32x2048xf32, #tpu.memory_space<vmem>>, vector<16xf32>,
      %parallel_loop3A_291 = arith.index_cast %parallel_loop3A_29 : i32 to index
      %parallel_loop3A_292 = arith.constant 1392 : index
      %parallel_loop3A_293 = tpu.vector_load %arg5[%parallel_loop3A_291, %parallel_loop3A_292] {strides = array<i32>} : memref<32x2048xf32, #tpu.memory_space<vmem>>, vector<16xf32>,
      tpu.vector_store %arg5[%parallel_loop3A_291, %parallel_loop3A_292], %broadcast_in_dim3A_3 {strides = array<i32>} : memref<32x2048xf32, #tpu.memory_space<vmem>>, vector<16xf32>,
      %parallel_loop3A_294 = arith.index_cast %parallel_loop3A_29 : i32 to index
      %parallel_loop3A_295 = arith.constant 1408 : index
      %parallel_loop3A_296 = tpu.vector_load %arg5[%parallel_loop3A_294, %parallel_loop3A_295] {strides = array<i32>} : memref<32x2048xf32, #tpu.memory_space<vmem>>, vector<16xf32>,
      tpu.vector_store %arg5[%parallel_loop3A_294, %parallel_loop3A_295], %broadcast_in_dim3A_3 {strides = array<i32>} : memref<32x2048xf32, #tpu.memory_space<vmem>>, vector<16xf32>,
      %parallel_loop3A_297 = arith.index_cast %parallel_loop3A_29 : i32 to index
      %parallel_loop3A_298 = arith.constant 1424 : index
      %parallel_loop3A_299 = tpu.vector_load %arg5[%parallel_loop3A_297, %parallel_loop3A_298] {strides = array<i32>} : memref<32x2048xf32, #tpu.memory_space<vmem>>, vector<16xf32>,
      tpu.vector_store %arg5[%parallel_loop3A_297, %parallel_loop3A_298], %broadcast_in_dim3A_3 {strides = array<i32>} : memref<32x2048xf32, #tpu.memory_space<vmem>>, vector<16xf32>,
      %parallel_loop3A_300 = arith.index_cast %parallel_loop3A_29 : i32 to index
      %parallel_loop3A_301 = arith.constant 1440 : index
      %parallel_loop3A_302 = tpu.vector_load %arg5[%parallel_loop3A_300, %parallel_loop3A_301] {strides = array<i32>} : memref<32x2048xf32, #tpu.memory_space<vmem>>, vector<16xf32>,
      tpu.vector_store %arg5[%parallel_loop3A_300, %parallel_loop3A_301], %broadcast_in_dim3A_3 {strides = array<i32>} : memref<32x2048xf32, #tpu.memory_space<vmem>>, vector<16xf32>,
      %parallel_loop3A_303 = arith.index_cast %parallel_loop3A_29 : i32 to index
      %parallel_loop3A_304 = arith.constant 1456 : index
      %parallel_loop3A_305 = tpu.vector_load %arg5[%parallel_loop3A_303, %parallel_loop3A_304] {strides = array<i32>} : memref<32x2048xf32, #tpu.memory_space<vmem>>, vector<16xf32>,
      tpu.vector_store %arg5[%parallel_loop3A_303, %parallel_loop3A_304], %broadcast_in_dim3A_3 {strides = array<i32>} : memref<32x2048xf32, #tpu.memory_space<vmem>>, vector<16xf32>,
      %parallel_loop3A_306 = arith.index_cast %parallel_loop3A_29 : i32 to index
      %parallel_loop3A_307 = arith.constant 1472 : index
      %parallel_loop3A_308 = tpu.vector_load %arg5[%parallel_loop3A_306, %parallel_loop3A_307] {strides = array<i32>} : memref<32x2048xf32, #tpu.memory_space<vmem>>, vector<16xf32>,
      tpu.vector_store %arg5[%parallel_loop3A_306, %parallel_loop3A_307], %broadcast_in_dim3A_3 {strides = array<i32>} : memref<32x2048xf32, #tpu.memory_space<vmem>>, vector<16xf32>,
      %parallel_loop3A_309 = arith.index_cast %parallel_loop3A_29 : i32 to index
      %parallel_loop3A_310 = arith.constant 1488 : index
      %parallel_loop3A_311 = tpu.vector_load %arg5[%parallel_loop3A_309, %parallel_loop3A_310] {strides = array<i32>} : memref<32x2048xf32, #tpu.memory_space<vmem>>, vector<16xf32>,
      tpu.vector_store %arg5[%parallel_loop3A_309, %parallel_loop3A_310], %broadcast_in_dim3A_3 {strides = array<i32>} : memref<32x2048xf32, #tpu.memory_space<vmem>>, vector<16xf32>,
      %parallel_loop3A_312 = arith.index_cast %parallel_loop3A_29 : i32 to index
      %parallel_loop3A_313 = arith.constant 1504 : index
      %parallel_loop3A_314 = tpu.vector_load %arg5[%parallel_loop3A_312, %parallel_loop3A_313] {strides = array<i32>} : memref<32x2048xf32, #tpu.memory_space<vmem>>, vector<16xf32>,
      tpu.vector_store %arg5[%parallel_loop3A_312, %parallel_loop3A_313], %broadcast_in_dim3A_3 {strides = array<i32>} : memref<32x2048xf32, #tpu.memory_space<vmem>>, vector<16xf32>,
      %parallel_loop3A_315 = arith.index_cast %parallel_loop3A_29 : i32 to index
      %parallel_loop3A_316 = arith.constant 1520 : index
      %parallel_loop3A_317 = tpu.vector_load %arg5[%parallel_loop3A_315, %parallel_loop3A_316] {strides = array<i32>} : memref<32x2048xf32, #tpu.memory_space<vmem>>, vector<16xf32>,
      tpu.vector_store %arg5[%parallel_loop3A_315, %parallel_loop3A_316], %broadcast_in_dim3A_3 {strides = array<i32>} : memref<32x2048xf32, #tpu.memory_space<vmem>>, vector<16xf32>,
      %parallel_loop3A_318 = arith.index_cast %parallel_loop3A_29 : i32 to index
      %parallel_loop3A_319 = arith.constant 1536 : index
      %parallel_loop3A_320 = tpu.vector_load %arg5[%parallel_loop3A_318, %parallel_loop3A_319] {strides = array<i32>} : memref<32x2048xf32, #tpu.memory_space<vmem>>, vector<16xf32>,
      tpu.vector_store %arg5[%parallel_loop3A_318, %parallel_loop3A_319], %broadcast_in_dim3A_3 {strides = array<i32>} : memref<32x2048xf32, #tpu.memory_space<vmem>>, vector<16xf32>,
      %parallel_loop3A_321 = arith.index_cast %parallel_loop3A_29 : i32 to index
      %parallel_loop3A_322 = arith.constant 1552 : index
      %parallel_loop3A_323 = tpu.vector_load %arg5[%parallel_loop3A_321, %parallel_loop3A_322] {strides = array<i32>} : memref<32x2048xf32, #tpu.memory_space<vmem>>, vector<16xf32>,
      tpu.vector_store %arg5[%parallel_loop3A_321, %parallel_loop3A_322], %broadcast_in_dim3A_3 {strides = array<i32>} : memref<32x2048xf32, #tpu.memory_space<vmem>>, vector<16xf32>,
      %parallel_loop3A_324 = arith.index_cast %parallel_loop3A_29 : i32 to index
      %parallel_loop3A_325 = arith.constant 1568 : index
      %parallel_loop3A_326 = tpu.vector_load %arg5[%parallel_loop3A_324, %parallel_loop3A_325] {strides = array<i32>} : memref<32x2048xf32, #tpu.memory_space<vmem>>, vector<16xf32>,
      tpu.vector_store %arg5[%parallel_loop3A_324, %parallel_loop3A_325], %broadcast_in_dim3A_3 {strides = array<i32>} : memref<32x2048xf32, #tpu.memory_space<vmem>>, vector<16xf32>,
      %parallel_loop3A_327 = arith.index_cast %parallel_loop3A_29 : i32 to index
      %parallel_loop3A_328 = arith.constant 1584 : index
      %parallel_loop3A_329 = tpu.vector_load %arg5[%parallel_loop3A_327, %parallel_loop3A_328] {strides = array<i32>} : memref<32x2048xf32, #tpu.memory_space<vmem>>, vector<16xf32>,
      tpu.vector_store %arg5[%parallel_loop3A_327, %parallel_loop3A_328], %broadcast_in_dim3A_3 {strides = array<i32>} : memref<32x2048xf32, #tpu.memory_space<vmem>>, vector<16xf32>,
      %parallel_loop3A_330 = arith.index_cast %parallel_loop3A_29 : i32 to index
      %parallel_loop3A_331 = arith.constant 1600 : index
      %parallel_loop3A_332 = tpu.vector_load %arg5[%parallel_loop3A_330, %parallel_loop3A_331] {strides = array<i32>} : memref<32x2048xf32, #tpu.memory_space<vmem>>, vector<16xf32>,
      tpu.vector_store %arg5[%parallel_loop3A_330, %parallel_loop3A_331], %broadcast_in_dim3A_3 {strides = array<i32>} : memref<32x2048xf32, #tpu.memory_space<vmem>>, vector<16xf32>,
      %parallel_loop3A_333 = arith.index_cast %parallel_loop3A_29 : i32 to index
      %parallel_loop3A_334 = arith.constant 1616 : index
      %parallel_loop3A_335 = tpu.vector_load %arg5[%parallel_loop3A_333, %parallel_loop3A_334] {strides = array<i32>} : memref<32x2048xf32, #tpu.memory_space<vmem>>, vector<16xf32>,
      tpu.vector_store %arg5[%parallel_loop3A_333, %parallel_loop3A_334], %broadcast_in_dim3A_3 {strides = array<i32>} : memref<32x2048xf32, #tpu.memory_space<vmem>>, vector<16xf32>,
      %parallel_loop3A_336 = arith.index_cast %parallel_loop3A_29 : i32 to index
      %parallel_loop3A_337 = arith.constant 1632 : index
      %parallel_loop3A_338 = tpu.vector_load %arg5[%parallel_loop3A_336, %parallel_loop3A_337] {strides = array<i32>} : memref<32x2048xf32, #tpu.memory_space<vmem>>, vector<16xf32>,
      tpu.vector_store %arg5[%parallel_loop3A_336, %parallel_loop3A_337], %broadcast_in_dim3A_3 {strides = array<i32>} : memref<32x2048xf32, #tpu.memory_space<vmem>>, vector<16xf32>,
      %parallel_loop3A_339 = arith.index_cast %parallel_loop3A_29 : i32 to index
      %parallel_loop3A_340 = arith.constant 1648 : index
      %parallel_loop3A_341 = tpu.vector_load %arg5[%parallel_loop3A_339, %parallel_loop3A_340] {strides = array<i32>} : memref<32x2048xf32, #tpu.memory_space<vmem>>, vector<16xf32>,
      tpu.vector_store %arg5[%parallel_loop3A_339, %parallel_loop3A_340], %broadcast_in_dim3A_3 {strides = array<i32>} : memref<32x2048xf32, #tpu.memory_space<vmem>>, vector<16xf32>,
      %parallel_loop3A_342 = arith.index_cast %parallel_loop3A_29 : i32 to index
      %parallel_loop3A_343 = arith.constant 1664 : index
      %parallel_loop3A_344 = tpu.vector_load %arg5[%parallel_loop3A_342, %parallel_loop3A_343] {strides = array<i32>} : memref<32x2048xf32, #tpu.memory_space<vmem>>, vector<16xf32>,
      tpu.vector_store %arg5[%parallel_loop3A_342, %parallel_loop3A_343], %broadcast_in_dim3A_3 {strides = array<i32>} : memref<32x2048xf32, #tpu.memory_space<vmem>>, vector<16xf32>,
      %parallel_loop3A_345 = arith.index_cast %parallel_loop3A_29 : i32 to index
      %parallel_loop3A_346 = arith.constant 1680 : index
      %parallel_loop3A_347 = tpu.vector_load %arg5[%parallel_loop3A_345, %parallel_loop3A_346] {strides = array<i32>} : memref<32x2048xf32, #tpu.memory_space<vmem>>, vector<16xf32>,
      tpu.vector_store %arg5[%parallel_loop3A_345, %parallel_loop3A_346], %broadcast_in_dim3A_3 {strides = array<i32>} : memref<32x2048xf32, #tpu.memory_space<vmem>>, vector<16xf32>,
      %parallel_loop3A_348 = arith.index_cast %parallel_loop3A_29 : i32 to index
      %parallel_loop3A_349 = arith.constant 1696 : index
      %parallel_loop3A_350 = tpu.vector_load %arg5[%parallel_loop3A_348, %parallel_loop3A_349] {strides = array<i32>} : memref<32x2048xf32, #tpu.memory_space<vmem>>, vector<16xf32>,
      tpu.vector_store %arg5[%parallel_loop3A_348, %parallel_loop3A_349], %broadcast_in_dim3A_3 {strides = array<i32>} : memref<32x2048xf32, #tpu.memory_space<vmem>>, vector<16xf32>,
      %parallel_loop3A_351 = arith.index_cast %parallel_loop3A_29 : i32 to index
      %parallel_loop3A_352 = arith.constant 1712 : index
      %parallel_loop3A_353 = tpu.vector_load %arg5[%parallel_loop3A_351, %parallel_loop3A_352] {strides = array<i32>} : memref<32x2048xf32, #tpu.memory_space<vmem>>, vector<16xf32>,
      tpu.vector_store %arg5[%parallel_loop3A_351, %parallel_loop3A_352], %broadcast_in_dim3A_3 {strides = array<i32>} : memref<32x2048xf32, #tpu.memory_space<vmem>>, vector<16xf32>,
      %parallel_loop3A_354 = arith.index_cast %parallel_loop3A_29 : i32 to index
      %parallel_loop3A_355 = arith.constant 1728 : index
      %parallel_loop3A_356 = tpu.vector_load %arg5[%parallel_loop3A_354, %parallel_loop3A_355] {strides = array<i32>} : memref<32x2048xf32, #tpu.memory_space<vmem>>, vector<16xf32>,
      tpu.vector_store %arg5[%parallel_loop3A_354, %parallel_loop3A_355], %broadcast_in_dim3A_3 {strides = array<i32>} : memref<32x2048xf32, #tpu.memory_space<vmem>>, vector<16xf32>,
      %parallel_loop3A_357 = arith.index_cast %parallel_loop3A_29 : i32 to index
      %parallel_loop3A_358 = arith.constant 1744 : index
      %parallel_loop3A_359 = tpu.vector_load %arg5[%parallel_loop3A_357, %parallel_loop3A_358] {strides = array<i32>} : memref<32x2048xf32, #tpu.memory_space<vmem>>, vector<16xf32>,
      tpu.vector_store %arg5[%parallel_loop3A_357, %parallel_loop3A_358], %broadcast_in_dim3A_3 {strides = array<i32>} : memref<32x2048xf32, #tpu.memory_space<vmem>>, vector<16xf32>,
      %parallel_loop3A_360 = arith.index_cast %parallel_loop3A_29 : i32 to index
      %parallel_loop3A_361 = arith.constant 1760 : index
      %parallel_loop3A_362 = tpu.vector_load %arg5[%parallel_loop3A_360, %parallel_loop3A_361] {strides = array<i32>} : memref<32x2048xf32, #tpu.memory_space<vmem>>, vector<16xf32>,
      tpu.vector_store %arg5[%parallel_loop3A_360, %parallel_loop3A_361], %broadcast_in_dim3A_3 {strides = array<i32>} : memref<32x2048xf32, #tpu.memory_space<vmem>>, vector<16xf32>,
      %parallel_loop3A_363 = arith.index_cast %parallel_loop3A_29 : i32 to index
      %parallel_loop3A_364 = arith.constant 1776 : index
      %parallel_loop3A_365 = tpu.vector_load %arg5[%parallel_loop3A_363, %parallel_loop3A_364] {strides = array<i32>} : memref<32x2048xf32, #tpu.memory_space<vmem>>, vector<16xf32>,
      tpu.vector_store %arg5[%parallel_loop3A_363, %parallel_loop3A_364], %broadcast_in_dim3A_3 {strides = array<i32>} : memref<32x2048xf32, #tpu.memory_space<vmem>>, vector<16xf32>,
      %parallel_loop3A_366 = arith.index_cast %parallel_loop3A_29 : i32 to index
      %parallel_loop3A_367 = arith.constant 1792 : index
      %parallel_loop3A_368 = tpu.vector_load %arg5[%parallel_loop3A_366, %parallel_loop3A_367] {strides = array<i32>} : memref<32x2048xf32, #tpu.memory_space<vmem>>, vector<16xf32>,
      tpu.vector_store %arg5[%parallel_loop3A_366, %parallel_loop3A_367], %broadcast_in_dim3A_3 {strides = array<i32>} : memref<32x2048xf32, #tpu.memory_space<vmem>>, vector<16xf32>,
      %parallel_loop3A_369 = arith.index_cast %parallel_loop3A_29 : i32 to index
      %parallel_loop3A_370 = arith.constant 1808 : index
      %parallel_loop3A_371 = tpu.vector_load %arg5[%parallel_loop3A_369, %parallel_loop3A_370] {strides = array<i32>} : memref<32x2048xf32, #tpu.memory_space<vmem>>, vector<16xf32>,
      tpu.vector_store %arg5[%parallel_loop3A_369, %parallel_loop3A_370], %broadcast_in_dim3A_3 {strides = array<i32>} : memref<32x2048xf32, #tpu.memory_space<vmem>>, vector<16xf32>,
      %parallel_loop3A_372 = arith.index_cast %parallel_loop3A_29 : i32 to index
      %parallel_loop3A_373 = arith.constant 1824 : index
      %parallel_loop3A_374 = tpu.vector_load %arg5[%parallel_loop3A_372, %parallel_loop3A_373] {strides = array<i32>} : memref<32x2048xf32, #tpu.memory_space<vmem>>, vector<16xf32>,
      tpu.vector_store %arg5[%parallel_loop3A_372, %parallel_loop3A_373], %broadcast_in_dim3A_3 {strides = array<i32>} : memref<32x2048xf32, #tpu.memory_space<vmem>>, vector<16xf32>,
      %parallel_loop3A_375 = arith.index_cast %parallel_loop3A_29 : i32 to index
      %parallel_loop3A_376 = arith.constant 1840 : index
      %parallel_loop3A_377 = tpu.vector_load %arg5[%parallel_loop3A_375, %parallel_loop3A_376] {strides = array<i32>} : memref<32x2048xf32, #tpu.memory_space<vmem>>, vector<16xf32>,
      tpu.vector_store %arg5[%parallel_loop3A_375, %parallel_loop3A_376], %broadcast_in_dim3A_3 {strides = array<i32>} : memref<32x2048xf32, #tpu.memory_space<vmem>>, vector<16xf32>,
      %parallel_loop3A_378 = arith.index_cast %parallel_loop3A_29 : i32 to index
      %parallel_loop3A_379 = arith.constant 1856 : index
      %parallel_loop3A_380 = tpu.vector_load %arg5[%parallel_loop3A_378, %parallel_loop3A_379] {strides = array<i32>} : memref<32x2048xf32, #tpu.memory_space<vmem>>, vector<16xf32>,
      tpu.vector_store %arg5[%parallel_loop3A_378, %parallel_loop3A_379], %broadcast_in_dim3A_3 {strides = array<i32>} : memref<32x2048xf32, #tpu.memory_space<vmem>>, vector<16xf32>,
      %parallel_loop3A_381 = arith.index_cast %parallel_loop3A_29 : i32 to index
      %parallel_loop3A_382 = arith.constant 1872 : index
      %parallel_loop3A_383 = tpu.vector_load %arg5[%parallel_loop3A_381, %parallel_loop3A_382] {strides = array<i32>} : memref<32x2048xf32, #tpu.memory_space<vmem>>, vector<16xf32>,
      tpu.vector_store %arg5[%parallel_loop3A_381, %parallel_loop3A_382], %broadcast_in_dim3A_3 {strides = array<i32>} : memref<32x2048xf32, #tpu.memory_space<vmem>>, vector<16xf32>,
      %parallel_loop3A_384 = arith.index_cast %parallel_loop3A_29 : i32 to index
      %parallel_loop3A_385 = arith.constant 1888 : index
      %parallel_loop3A_386 = tpu.vector_load %arg5[%parallel_loop3A_384, %parallel_loop3A_385] {strides = array<i32>} : memref<32x2048xf32, #tpu.memory_space<vmem>>, vector<16xf32>,
      tpu.vector_store %arg5[%parallel_loop3A_384, %parallel_loop3A_385], %broadcast_in_dim3A_3 {strides = array<i32>} : memref<32x2048xf32, #tpu.memory_space<vmem>>, vector<16xf32>,
      %parallel_loop3A_387 = arith.index_cast %parallel_loop3A_29 : i32 to index
      %parallel_loop3A_388 = arith.constant 1904 : index
      %parallel_loop3A_389 = tpu.vector_load %arg5[%parallel_loop3A_387, %parallel_loop3A_388] {strides = array<i32>} : memref<32x2048xf32, #tpu.memory_space<vmem>>, vector<16xf32>,
      tpu.vector_store %arg5[%parallel_loop3A_387, %parallel_loop3A_388], %broadcast_in_dim3A_3 {strides = array<i32>} : memref<32x2048xf32, #tpu.memory_space<vmem>>, vector<16xf32>,
      %parallel_loop3A_390 = arith.index_cast %parallel_loop3A_29 : i32 to index
      %parallel_loop3A_391 = arith.constant 1920 : index
      %parallel_loop3A_392 = tpu.vector_load %arg5[%parallel_loop3A_390, %parallel_loop3A_391] {strides = array<i32>} : memref<32x2048xf32, #tpu.memory_space<vmem>>, vector<16xf32>,
      tpu.vector_store %arg5[%parallel_loop3A_390, %parallel_loop3A_391], %broadcast_in_dim3A_3 {strides = array<i32>} : memref<32x2048xf32, #tpu.memory_space<vmem>>, vector<16xf32>,
      %parallel_loop3A_393 = arith.index_cast %parallel_loop3A_29 : i32 to index
      %parallel_loop3A_394 = arith.constant 1936 : index
      %parallel_loop3A_395 = tpu.vector_load %arg5[%parallel_loop3A_393, %parallel_loop3A_394] {strides = array<i32>} : memref<32x2048xf32, #tpu.memory_space<vmem>>, vector<16xf32>,
      tpu.vector_store %arg5[%parallel_loop3A_393, %parallel_loop3A_394], %broadcast_in_dim3A_3 {strides = array<i32>} : memref<32x2048xf32, #tpu.memory_space<vmem>>, vector<16xf32>,
      %parallel_loop3A_396 = arith.index_cast %parallel_loop3A_29 : i32 to index
      %parallel_loop3A_397 = arith.constant 1952 : index
      %parallel_loop3A_398 = tpu.vector_load %arg5[%parallel_loop3A_396, %parallel_loop3A_397] {strides = array<i32>} : memref<32x2048xf32, #tpu.memory_space<vmem>>, vector<16xf32>,
      tpu.vector_store %arg5[%parallel_loop3A_396, %parallel_loop3A_397], %broadcast_in_dim3A_3 {strides = array<i32>} : memref<32x2048xf32, #tpu.memory_space<vmem>>, vector<16xf32>,
      %parallel_loop3A_399 = arith.index_cast %parallel_loop3A_29 : i32 to index
      %parallel_loop3A_400 = arith.constant 1968 : index
      %parallel_loop3A_401 = tpu.vector_load %arg5[%parallel_loop3A_399, %parallel_loop3A_400] {strides = array<i32>} : memref<32x2048xf32, #tpu.memory_space<vmem>>, vector<16xf32>,
      tpu.vector_store %arg5[%parallel_loop3A_399, %parallel_loop3A_400], %broadcast_in_dim3A_3 {strides = array<i32>} : memref<32x2048xf32, #tpu.memory_space<vmem>>, vector<16xf32>,
      %parallel_loop3A_402 = arith.index_cast %parallel_loop3A_29 : i32 to index
      %parallel_loop3A_403 = arith.constant 1984 : index
      %parallel_loop3A_404 = tpu.vector_load %arg5[%parallel_loop3A_402, %parallel_loop3A_403] {strides = array<i32>} : memref<32x2048xf32, #tpu.memory_space<vmem>>, vector<16xf32>,
      tpu.vector_store %arg5[%parallel_loop3A_402, %parallel_loop3A_403], %broadcast_in_dim3A_3 {strides = array<i32>} : memref<32x2048xf32, #tpu.memory_space<vmem>>, vector<16xf32>,
      %parallel_loop3A_405 = arith.index_cast %parallel_loop3A_29 : i32 to index
      %parallel_loop3A_406 = arith.constant 2000 : index
      %parallel_loop3A_407 = tpu.vector_load %arg5[%parallel_loop3A_405, %parallel_loop3A_406] {strides = array<i32>} : memref<32x2048xf32, #tpu.memory_space<vmem>>, vector<16xf32>,
      tpu.vector_store %arg5[%parallel_loop3A_405, %parallel_loop3A_406], %broadcast_in_dim3A_3 {strides = array<i32>} : memref<32x2048xf32, #tpu.memory_space<vmem>>, vector<16xf32>,
      %parallel_loop3A_408 = arith.index_cast %parallel_loop3A_29 : i32 to index
      %parallel_loop3A_409 = arith.constant 2016 : index
      %parallel_loop3A_410 = tpu.vector_load %arg5[%parallel_loop3A_408, %parallel_loop3A_409] {strides = array<i32>} : memref<32x2048xf32, #tpu.memory_space<vmem>>, vector<16xf32>,
      tpu.vector_store %arg5[%parallel_loop3A_408, %parallel_loop3A_409], %broadcast_in_dim3A_3 {strides = array<i32>} : memref<32x2048xf32, #tpu.memory_space<vmem>>, vector<16xf32>,
      %parallel_loop3A_411 = arith.index_cast %parallel_loop3A_29 : i32 to index
      %parallel_loop3A_412 = arith.constant 2032 : index
      %parallel_loop3A_413 = tpu.vector_load %arg5[%parallel_loop3A_411, %parallel_loop3A_412] {strides = array<i32>} : memref<32x2048xf32, #tpu.memory_space<vmem>>, vector<16xf32>,
      tpu.vector_store %arg5[%parallel_loop3A_411, %parallel_loop3A_412], %broadcast_in_dim3A_3 {strides = array<i32>} : memref<32x2048xf32, #tpu.memory_space<vmem>>, vector<16xf32>,
    } {sc.loop_unroll_factor = 1 : i64, sc.parallel_access}
    %parallel_loop3A_23 = arith.constant 0 : i32
    %parallel_loop3A_24 = arith.constant 32 : i32
    %parallel_loop3A_25 = arith.constant 1 : i32
    scf.for %parallel_loop3A_29 = %parallel_loop3A_23 to %parallel_loop3A_24 step %parallel_loop3A_25  : i32 {
      %parallel_loop3A_30 = arith.addi %add3A_19, %parallel_loop3A_29 : i32
      %parallel_loop3A_31 = arith.index_cast %parallel_loop3A_30 : i32 to index
      %parallel_loop3A_32 = arith.constant 0 : index
      %parallel_loop3A_33 = tpu.vector_load %arg4[%parallel_loop3A_31, %parallel_loop3A_32] {strides = array<i32>} : memref<2048x16xi32, #tpu.memory_space<vmem>>, vector<16xi32>,
      %parallel_loop3A_34 = vector.broadcast %parallel_loop3A_29 : i32 to vector<16xi32>
      tpu.vector_store_idx %arg5[%parallel_loop3A_34, %parallel_loop3A_33], %broadcast_in_dim3A_1 : memref<32x2048xf32, #tpu.memory_space<vmem>>[vector<16xi32>, vector<16xi32>], vector<16xf32>,
    } {sc.loop_unroll_factor = 1 : i64, sc.parallel_access}
    %parallel_loop3A_26 = arith.constant 0 : i32
    %parallel_loop3A_27 = arith.constant 2048 : i32
    %parallel_loop3A_28 = arith.constant 1 : i32
    scf.for %parallel_loop3A_29 = %parallel_loop3A_26 to %parallel_loop3A_27 step %parallel_loop3A_28  : i32 {
      %parallel_loop3A_30 = arith.index_cast %parallel_loop3A_29 : i32 to index
      %parallel_loop3A_31 = arith.constant 0 : index
      %parallel_loop3A_32 = tpu.vector_load %arg4[%parallel_loop3A_30, %parallel_loop3A_31] {strides = array<i32>} : memref<2048x16xi32, #tpu.memory_space<vmem>>, vector<16xi32>,
      %parallel_loop3A_33 = vector.broadcast %add3A_19 : i32 to vector<16xi32>
      %parallel_loop3A_34 = arith.cmpi sge, %parallel_loop3A_32, %parallel_loop3A_33 : vector<16xi32>
      %parallel_loop3A_35 = arith.constant 32 : i32
      %parallel_loop3A_36 = arith.addi %add3A_19, %parallel_loop3A_35 : i32
      %parallel_loop3A_37 = vector.broadcast %parallel_loop3A_36 : i32 to vector<16xi32>
      %parallel_loop3A_38 = arith.cmpi slt, %parallel_loop3A_32, %parallel_loop3A_37 : vector<16xi32>
      %parallel_loop3A_39 = arith.andi %parallel_loop3A_34, %parallel_loop3A_38 : vector<16xi1>
      %parallel_loop3A_40 = vector.broadcast %add3A_19 : i32 to vector<16xi32>
      %parallel_loop3A_41 = arith.subi %parallel_loop3A_32, %parallel_loop3A_40 : vector<16xi32>
      %parallel_loop3A_42 = arith.constant 0 : i32
      %parallel_loop3A_43 = vector.broadcast %parallel_loop3A_42 : i32 to vector<16xi32>
      %parallel_loop3A_44 = arith.select %parallel_loop3A_39, %parallel_loop3A_41, %parallel_loop3A_43 : vector<16xi1>, vector<16xi32>
      %parallel_loop3A_45 = vector.broadcast %parallel_loop3A_29 : i32 to vector<16xi32>
      tpu.vector_store_idx %arg5[%parallel_loop3A_44, %parallel_loop3A_45], %broadcast_in_dim3A_1 masked %parallel_loop3A_39 : memref<32x2048xf32, #tpu.memory_space<vmem>>[vector<16xi32>, vector<16xi32>], vector<16xf32>, vector<16xi1>
    } {sc.loop_unroll_factor = 8 : i64, sc.parallel_access}
    "tpu.region"() ({
      %run_scoped3A = tpu.sem_alloc : memref<!tpu.dma_semaphore, #tpu.memory_space<semaphore_mem>>
      %dma_start3A = arith.constant 0 : i32
      %dma_start3A_29 = tpu.memref_slice %arg3[%add3A_19, %dma_start3A] : memref<2048x2048xf32, #tpu.memory_space<hbm>> -> memref<32x2048xf32, #tpu.memory_space<hbm>>
      %dma_start3A_30 = arith.constant 0 : i32
      %dma_start3A_31 = tpu.memref_slice %arg3[%add3A_19, %dma_start3A_30] : memref<2048x2048xf32, #tpu.memory_space<hbm>> -> memref<32x2048xf32, #tpu.memory_space<hbm>>
      tpu.enqueue_dma source(%arg5 : memref<32x2048xf32, #tpu.memory_space<vmem>>) target(%dma_start3A_31 : memref<32x2048xf32, #tpu.memory_space<hbm>>) target_semaphore(%run_scoped3A : memref<!tpu.dma_semaphore, #tpu.memory_space<semaphore_mem>>)
      %dma_wait3A = arith.constant 0 : i32
      %dma_wait3A_32 = tpu.memref_slice %arg3[%add3A_19, %dma_wait3A] : memref<2048x2048xf32, #tpu.memory_space<hbm>> -> memref<32x2048xf32, #tpu.memory_space<hbm>>
      %dma_wait3A_33 = arith.constant 0 : i32
      %dma_wait3A_34 = tpu.memref_slice %arg3[%add3A_19, %dma_wait3A_33] : memref<2048x2048xf32, #tpu.memory_space<hbm>> -> memref<32x2048xf32, #tpu.memory_space<hbm>>
      tpu.wait_dma2 semaphore(%run_scoped3A : memref<!tpu.dma_semaphore, #tpu.memory_space<semaphore_mem>>) src(%arg5 : memref<32x2048xf32, #tpu.memory_space<vmem>>) dst(%dma_wait3A_34 : memref<32x2048xf32, #tpu.memory_space<hbm>>)
      tpu.yield
    }) : () -> ()
    return
  }
}

module attributes {stable_mosaic.version = 14 : i64} {
  func.func @_topk_body(%arg0: i32, %arg1: memref<512x32xf32, #tpu.memory_space<vmem>>, %arg2: memref<2048x32xf32, #tpu.memory_space<vmem>>, %arg3: memref<512x16xi32, #tpu.memory_space<vmem>>) attributes {dimension_semantics = [#tpu.dimension_semantics<arbitrary>], iteration_bounds = array<i64: 4>, scalar_prefetch = 0 : i64, scratch_operands = 0 : i64, tpu.core_type = #tpu.core_type<tc>, window_params = [{transform_indices = @transform_0, window_bounds = array<i64: 512, 32>}, {pipeline_mode = #tpu.pipeline_mode<synchronous>, transform_indices = @transform_1, window_bounds = array<i64: 2048, 32>}, {transform_indices = @transform_2, window_bounds = array<i64: 512, 16>}]} {
    %get3A = arith.constant 0 : index
    %get3A_0 = arith.constant 0 : index
    %get3A_1 = vector.load %arg1[%get3A, %get3A_0] : memref<512x32xf32, #tpu.memory_space<vmem>>, vector<512x32xf32>
    %get3A_2 = arith.constant 0 : index
    %get3A_3 = arith.constant 0 : index
    %get3A_4 = vector.load %arg2[%get3A_2, %get3A_3] : memref<2048x32xf32, #tpu.memory_space<vmem>>, vector<2048x32xf32>
    %dot_general3A = arith.constant dense<0.000000e+00> : vector<512x2048xf32>
    %dot_general3A_5 = tpu.matmul %get3A_1, %get3A_4, %dot_general3A {dimension_numbers = #tpu.dot_dimension_numbers<[1], [1], [0], [0], [0, 0, 1, 0], [], []>, precision = #tpu.contract_precision<fp32>, transpose_lhs_hint = false} : vector<512x32xf32>, vector<2048x32xf32>, vector<512x2048xf32> -> vector<512x2048xf32>
    %mul3A = arith.mulf %get3A_4, %get3A_4 : vector<2048x32xf32>
    %reduce_sum3A = arith.constant dense<0.000000e+00> : vector<2048xf32>
    %reduce_sum3A_6 = vector.multi_reduction <add>, %mul3A, %reduce_sum3A [1] : vector<2048x32xf32> to vector<2048xf32>
    %broadcast_in_dim3A = vector.shape_cast %reduce_sum3A_6 : vector<2048xf32> to vector<1x2048xf32>
    %mul3A_7 = arith.constant 2.000000e+00 : f32
    %mul3A_8 = vector.broadcast %mul3A_7 : f32 to vector<512x2048xf32>
    %mul3A_9 = arith.mulf %mul3A_8, %dot_general3A_5 : vector<512x2048xf32>
    %sub3A = vector.broadcast %broadcast_in_dim3A : vector<1x2048xf32> to vector<512x2048xf32>
    %sub3A_10 = arith.subf %mul3A_9, %sub3A : vector<512x2048xf32>
    %iota3A = tpu.iota {dimensions = array<i32: 1>} : vector<512x2048xi32>
    %mul3A_11 = arith.constant 512 : i32
    %mul3A_12 = arith.muli %arg0, %mul3A_11 : i32
    %iota3A_13 = tpu.iota {dimensions = array<i32: 0>} : vector<512x1xi32>
    %add3A = vector.broadcast %mul3A_12 : i32 to vector<512x1xi32>
    %add3A_14 = arith.addi %add3A, %iota3A_13 : vector<512x1xi32>
    %eq3A = vector.broadcast %add3A_14 : vector<512x1xi32> to vector<512x2048xi32>
    %eq3A_15 = arith.cmpi eq, %iota3A, %eq3A : vector<512x2048xi32>
    %jit3A = arith.constant 0xFF800000 : f32
    %broadcast_in_dim3A_16 = vector.broadcast %jit3A : f32 to vector<512x2048xf32>
    %select_n3A = arith.select %eq3A_15, %broadcast_in_dim3A_16, %sub3A_10 : vector<512x2048xi1>, vector<512x2048xf32>
    %iota3A_17 = tpu.iota {dimensions = array<i32: 1>} : vector<512x16xi32>
    %broadcast_in_dim3A_18 = arith.constant 0 : i32
    %broadcast_in_dim3A_19 = vector.broadcast %broadcast_in_dim3A_18 : i32 to vector<512x16xi32>
    %argmax3A = tpu.reduce_index %select_n3A {axis = 1 : i32, kind = #tpu.reduction_kind<arg_max>} : vector<512x2048xf32> -> vector<512xi32>
    %broadcast_in_dim3A_20 = vector.shape_cast %argmax3A : vector<512xi32> to vector<512x1xi32>
    %eq3A_21 = arith.constant 0 : i32
    %eq3A_22 = vector.broadcast %eq3A_21 : i32 to vector<512x16xi32>
    %eq3A_23 = arith.cmpi eq, %iota3A_17, %eq3A_22 : vector<512x16xi32>
    %broadcast_in_dim3A_24 = vector.shape_cast %broadcast_in_dim3A_20 : vector<512x1xi32> to vector<512x1xi32>
    %broadcast_in_dim3A_25 = vector.broadcast %broadcast_in_dim3A_24 : vector<512x1xi32> to vector<512x16xi32>
    %select_n3A_26 = arith.select %eq3A_23, %broadcast_in_dim3A_25, %broadcast_in_dim3A_19 : vector<512x16xi1>, vector<512x16xi32>
    %eq3A_27 = vector.broadcast %broadcast_in_dim3A_20 : vector<512x1xi32> to vector<512x2048xi32>
    %eq3A_28 = arith.cmpi eq, %iota3A, %eq3A_27 : vector<512x2048xi32>
    %jit3A_29 = arith.constant 0xFF800000 : f32
    %broadcast_in_dim3A_30 = vector.broadcast %jit3A_29 : f32 to vector<512x2048xf32>
    %select_n3A_31 = arith.select %eq3A_28, %broadcast_in_dim3A_30, %select_n3A : vector<512x2048xi1>, vector<512x2048xf32>
    %argmax3A_32 = tpu.reduce_index %select_n3A_31 {axis = 1 : i32, kind = #tpu.reduction_kind<arg_max>} : vector<512x2048xf32> -> vector<512xi32>
    %broadcast_in_dim3A_33 = vector.shape_cast %argmax3A_32 : vector<512xi32> to vector<512x1xi32>
    %eq3A_34 = arith.constant 1 : i32
    %eq3A_35 = vector.broadcast %eq3A_34 : i32 to vector<512x16xi32>
    %eq3A_36 = arith.cmpi eq, %iota3A_17, %eq3A_35 : vector<512x16xi32>
    %broadcast_in_dim3A_37 = vector.shape_cast %broadcast_in_dim3A_33 : vector<512x1xi32> to vector<512x1xi32>
    %broadcast_in_dim3A_38 = vector.broadcast %broadcast_in_dim3A_37 : vector<512x1xi32> to vector<512x16xi32>
    %select_n3A_39 = arith.select %eq3A_36, %broadcast_in_dim3A_38, %select_n3A_26 : vector<512x16xi1>, vector<512x16xi32>
    %eq3A_40 = vector.broadcast %broadcast_in_dim3A_33 : vector<512x1xi32> to vector<512x2048xi32>
    %eq3A_41 = arith.cmpi eq, %iota3A, %eq3A_40 : vector<512x2048xi32>
    %jit3A_42 = arith.constant 0xFF800000 : f32
    %broadcast_in_dim3A_43 = vector.broadcast %jit3A_42 : f32 to vector<512x2048xf32>
    %select_n3A_44 = arith.select %eq3A_41, %broadcast_in_dim3A_43, %select_n3A_31 : vector<512x2048xi1>, vector<512x2048xf32>
    %argmax3A_45 = tpu.reduce_index %select_n3A_44 {axis = 1 : i32, kind = #tpu.reduction_kind<arg_max>} : vector<512x2048xf32> -> vector<512xi32>
    %broadcast_in_dim3A_46 = vector.shape_cast %argmax3A_45 : vector<512xi32> to vector<512x1xi32>
    %eq3A_47 = arith.constant 2 : i32
    %eq3A_48 = vector.broadcast %eq3A_47 : i32 to vector<512x16xi32>
    %eq3A_49 = arith.cmpi eq, %iota3A_17, %eq3A_48 : vector<512x16xi32>
    %broadcast_in_dim3A_50 = vector.shape_cast %broadcast_in_dim3A_46 : vector<512x1xi32> to vector<512x1xi32>
    %broadcast_in_dim3A_51 = vector.broadcast %broadcast_in_dim3A_50 : vector<512x1xi32> to vector<512x16xi32>
    %select_n3A_52 = arith.select %eq3A_49, %broadcast_in_dim3A_51, %select_n3A_39 : vector<512x16xi1>, vector<512x16xi32>
    %eq3A_53 = vector.broadcast %broadcast_in_dim3A_46 : vector<512x1xi32> to vector<512x2048xi32>
    %eq3A_54 = arith.cmpi eq, %iota3A, %eq3A_53 : vector<512x2048xi32>
    %jit3A_55 = arith.constant 0xFF800000 : f32
    %broadcast_in_dim3A_56 = vector.broadcast %jit3A_55 : f32 to vector<512x2048xf32>
    %select_n3A_57 = arith.select %eq3A_54, %broadcast_in_dim3A_56, %select_n3A_44 : vector<512x2048xi1>, vector<512x2048xf32>
    %argmax3A_58 = tpu.reduce_index %select_n3A_57 {axis = 1 : i32, kind = #tpu.reduction_kind<arg_max>} : vector<512x2048xf32> -> vector<512xi32>
    %broadcast_in_dim3A_59 = vector.shape_cast %argmax3A_58 : vector<512xi32> to vector<512x1xi32>
    %eq3A_60 = arith.constant 3 : i32
    %eq3A_61 = vector.broadcast %eq3A_60 : i32 to vector<512x16xi32>
    %eq3A_62 = arith.cmpi eq, %iota3A_17, %eq3A_61 : vector<512x16xi32>
    %broadcast_in_dim3A_63 = vector.shape_cast %broadcast_in_dim3A_59 : vector<512x1xi32> to vector<512x1xi32>
    %broadcast_in_dim3A_64 = vector.broadcast %broadcast_in_dim3A_63 : vector<512x1xi32> to vector<512x16xi32>
    %select_n3A_65 = arith.select %eq3A_62, %broadcast_in_dim3A_64, %select_n3A_52 : vector<512x16xi1>, vector<512x16xi32>
    %eq3A_66 = vector.broadcast %broadcast_in_dim3A_59 : vector<512x1xi32> to vector<512x2048xi32>
    %eq3A_67 = arith.cmpi eq, %iota3A, %eq3A_66 : vector<512x2048xi32>
    %jit3A_68 = arith.constant 0xFF800000 : f32
    %broadcast_in_dim3A_69 = vector.broadcast %jit3A_68 : f32 to vector<512x2048xf32>
    %select_n3A_70 = arith.select %eq3A_67, %broadcast_in_dim3A_69, %select_n3A_57 : vector<512x2048xi1>, vector<512x2048xf32>
    %argmax3A_71 = tpu.reduce_index %select_n3A_70 {axis = 1 : i32, kind = #tpu.reduction_kind<arg_max>} : vector<512x2048xf32> -> vector<512xi32>
    %broadcast_in_dim3A_72 = vector.shape_cast %argmax3A_71 : vector<512xi32> to vector<512x1xi32>
    %eq3A_73 = arith.constant 4 : i32
    %eq3A_74 = vector.broadcast %eq3A_73 : i32 to vector<512x16xi32>
    %eq3A_75 = arith.cmpi eq, %iota3A_17, %eq3A_74 : vector<512x16xi32>
    %broadcast_in_dim3A_76 = vector.shape_cast %broadcast_in_dim3A_72 : vector<512x1xi32> to vector<512x1xi32>
    %broadcast_in_dim3A_77 = vector.broadcast %broadcast_in_dim3A_76 : vector<512x1xi32> to vector<512x16xi32>
    %select_n3A_78 = arith.select %eq3A_75, %broadcast_in_dim3A_77, %select_n3A_65 : vector<512x16xi1>, vector<512x16xi32>
    %eq3A_79 = vector.broadcast %broadcast_in_dim3A_72 : vector<512x1xi32> to vector<512x2048xi32>
    %eq3A_80 = arith.cmpi eq, %iota3A, %eq3A_79 : vector<512x2048xi32>
    %jit3A_81 = arith.constant 0xFF800000 : f32
    %broadcast_in_dim3A_82 = vector.broadcast %jit3A_81 : f32 to vector<512x2048xf32>
    %select_n3A_83 = arith.select %eq3A_80, %broadcast_in_dim3A_82, %select_n3A_70 : vector<512x2048xi1>, vector<512x2048xf32>
    %argmax3A_84 = tpu.reduce_index %select_n3A_83 {axis = 1 : i32, kind = #tpu.reduction_kind<arg_max>} : vector<512x2048xf32> -> vector<512xi32>
    %broadcast_in_dim3A_85 = vector.shape_cast %argmax3A_84 : vector<512xi32> to vector<512x1xi32>
    %eq3A_86 = arith.constant 5 : i32
    %eq3A_87 = vector.broadcast %eq3A_86 : i32 to vector<512x16xi32>
    %eq3A_88 = arith.cmpi eq, %iota3A_17, %eq3A_87 : vector<512x16xi32>
    %broadcast_in_dim3A_89 = vector.shape_cast %broadcast_in_dim3A_85 : vector<512x1xi32> to vector<512x1xi32>
    %broadcast_in_dim3A_90 = vector.broadcast %broadcast_in_dim3A_89 : vector<512x1xi32> to vector<512x16xi32>
    %select_n3A_91 = arith.select %eq3A_88, %broadcast_in_dim3A_90, %select_n3A_78 : vector<512x16xi1>, vector<512x16xi32>
    %eq3A_92 = vector.broadcast %broadcast_in_dim3A_85 : vector<512x1xi32> to vector<512x2048xi32>
    %eq3A_93 = arith.cmpi eq, %iota3A, %eq3A_92 : vector<512x2048xi32>
    %jit3A_94 = arith.constant 0xFF800000 : f32
    %broadcast_in_dim3A_95 = vector.broadcast %jit3A_94 : f32 to vector<512x2048xf32>
    %select_n3A_96 = arith.select %eq3A_93, %broadcast_in_dim3A_95, %select_n3A_83 : vector<512x2048xi1>, vector<512x2048xf32>
    %argmax3A_97 = tpu.reduce_index %select_n3A_96 {axis = 1 : i32, kind = #tpu.reduction_kind<arg_max>} : vector<512x2048xf32> -> vector<512xi32>
    %broadcast_in_dim3A_98 = vector.shape_cast %argmax3A_97 : vector<512xi32> to vector<512x1xi32>
    %eq3A_99 = arith.constant 6 : i32
    %eq3A_100 = vector.broadcast %eq3A_99 : i32 to vector<512x16xi32>
    %eq3A_101 = arith.cmpi eq, %iota3A_17, %eq3A_100 : vector<512x16xi32>
    %broadcast_in_dim3A_102 = vector.shape_cast %broadcast_in_dim3A_98 : vector<512x1xi32> to vector<512x1xi32>
    %broadcast_in_dim3A_103 = vector.broadcast %broadcast_in_dim3A_102 : vector<512x1xi32> to vector<512x16xi32>
    %select_n3A_104 = arith.select %eq3A_101, %broadcast_in_dim3A_103, %select_n3A_91 : vector<512x16xi1>, vector<512x16xi32>
    %eq3A_105 = vector.broadcast %broadcast_in_dim3A_98 : vector<512x1xi32> to vector<512x2048xi32>
    %eq3A_106 = arith.cmpi eq, %iota3A, %eq3A_105 : vector<512x2048xi32>
    %jit3A_107 = arith.constant 0xFF800000 : f32
    %broadcast_in_dim3A_108 = vector.broadcast %jit3A_107 : f32 to vector<512x2048xf32>
    %select_n3A_109 = arith.select %eq3A_106, %broadcast_in_dim3A_108, %select_n3A_96 : vector<512x2048xi1>, vector<512x2048xf32>
    %argmax3A_110 = tpu.reduce_index %select_n3A_109 {axis = 1 : i32, kind = #tpu.reduction_kind<arg_max>} : vector<512x2048xf32> -> vector<512xi32>
    %broadcast_in_dim3A_111 = vector.shape_cast %argmax3A_110 : vector<512xi32> to vector<512x1xi32>
    %eq3A_112 = arith.constant 7 : i32
    %eq3A_113 = vector.broadcast %eq3A_112 : i32 to vector<512x16xi32>
    %eq3A_114 = arith.cmpi eq, %iota3A_17, %eq3A_113 : vector<512x16xi32>
    %broadcast_in_dim3A_115 = vector.shape_cast %broadcast_in_dim3A_111 : vector<512x1xi32> to vector<512x1xi32>
    %broadcast_in_dim3A_116 = vector.broadcast %broadcast_in_dim3A_115 : vector<512x1xi32> to vector<512x16xi32>
    %select_n3A_117 = arith.select %eq3A_114, %broadcast_in_dim3A_116, %select_n3A_104 : vector<512x16xi1>, vector<512x16xi32>
    %eq3A_118 = vector.broadcast %broadcast_in_dim3A_111 : vector<512x1xi32> to vector<512x2048xi32>
    %eq3A_119 = arith.cmpi eq, %iota3A, %eq3A_118 : vector<512x2048xi32>
    %jit3A_120 = arith.constant 0xFF800000 : f32
    %broadcast_in_dim3A_121 = vector.broadcast %jit3A_120 : f32 to vector<512x2048xf32>
    %select_n3A_122 = arith.select %eq3A_119, %broadcast_in_dim3A_121, %select_n3A_109 : vector<512x2048xi1>, vector<512x2048xf32>
    %argmax3A_123 = tpu.reduce_index %select_n3A_122 {axis = 1 : i32, kind = #tpu.reduction_kind<arg_max>} : vector<512x2048xf32> -> vector<512xi32>
    %broadcast_in_dim3A_124 = vector.shape_cast %argmax3A_123 : vector<512xi32> to vector<512x1xi32>
    %eq3A_125 = arith.constant 8 : i32
    %eq3A_126 = vector.broadcast %eq3A_125 : i32 to vector<512x16xi32>
    %eq3A_127 = arith.cmpi eq, %iota3A_17, %eq3A_126 : vector<512x16xi32>
    %broadcast_in_dim3A_128 = vector.shape_cast %broadcast_in_dim3A_124 : vector<512x1xi32> to vector<512x1xi32>
    %broadcast_in_dim3A_129 = vector.broadcast %broadcast_in_dim3A_128 : vector<512x1xi32> to vector<512x16xi32>
    %select_n3A_130 = arith.select %eq3A_127, %broadcast_in_dim3A_129, %select_n3A_117 : vector<512x16xi1>, vector<512x16xi32>
    %eq3A_131 = vector.broadcast %broadcast_in_dim3A_124 : vector<512x1xi32> to vector<512x2048xi32>
    %eq3A_132 = arith.cmpi eq, %iota3A, %eq3A_131 : vector<512x2048xi32>
    %jit3A_133 = arith.constant 0xFF800000 : f32
    %broadcast_in_dim3A_134 = vector.broadcast %jit3A_133 : f32 to vector<512x2048xf32>
    %select_n3A_135 = arith.select %eq3A_132, %broadcast_in_dim3A_134, %select_n3A_122 : vector<512x2048xi1>, vector<512x2048xf32>
    %argmax3A_136 = tpu.reduce_index %select_n3A_135 {axis = 1 : i32, kind = #tpu.reduction_kind<arg_max>} : vector<512x2048xf32> -> vector<512xi32>
    %broadcast_in_dim3A_137 = vector.shape_cast %argmax3A_136 : vector<512xi32> to vector<512x1xi32>
    %eq3A_138 = arith.constant 9 : i32
    %eq3A_139 = vector.broadcast %eq3A_138 : i32 to vector<512x16xi32>
    %eq3A_140 = arith.cmpi eq, %iota3A_17, %eq3A_139 : vector<512x16xi32>
    %broadcast_in_dim3A_141 = vector.shape_cast %broadcast_in_dim3A_137 : vector<512x1xi32> to vector<512x1xi32>
    %broadcast_in_dim3A_142 = vector.broadcast %broadcast_in_dim3A_141 : vector<512x1xi32> to vector<512x16xi32>
    %select_n3A_143 = arith.select %eq3A_140, %broadcast_in_dim3A_142, %select_n3A_130 : vector<512x16xi1>, vector<512x16xi32>
    %eq3A_144 = vector.broadcast %broadcast_in_dim3A_137 : vector<512x1xi32> to vector<512x2048xi32>
    %eq3A_145 = arith.cmpi eq, %iota3A, %eq3A_144 : vector<512x2048xi32>
    %jit3A_146 = arith.constant 0xFF800000 : f32
    %broadcast_in_dim3A_147 = vector.broadcast %jit3A_146 : f32 to vector<512x2048xf32>
    %select_n3A_148 = arith.select %eq3A_145, %broadcast_in_dim3A_147, %select_n3A_135 : vector<512x2048xi1>, vector<512x2048xf32>
    %argmax3A_149 = tpu.reduce_index %select_n3A_148 {axis = 1 : i32, kind = #tpu.reduction_kind<arg_max>} : vector<512x2048xf32> -> vector<512xi32>
    %broadcast_in_dim3A_150 = vector.shape_cast %argmax3A_149 : vector<512xi32> to vector<512x1xi32>
    %eq3A_151 = arith.constant 10 : i32
    %eq3A_152 = vector.broadcast %eq3A_151 : i32 to vector<512x16xi32>
    %eq3A_153 = arith.cmpi eq, %iota3A_17, %eq3A_152 : vector<512x16xi32>
    %broadcast_in_dim3A_154 = vector.shape_cast %broadcast_in_dim3A_150 : vector<512x1xi32> to vector<512x1xi32>
    %broadcast_in_dim3A_155 = vector.broadcast %broadcast_in_dim3A_154 : vector<512x1xi32> to vector<512x16xi32>
    %select_n3A_156 = arith.select %eq3A_153, %broadcast_in_dim3A_155, %select_n3A_143 : vector<512x16xi1>, vector<512x16xi32>
    %eq3A_157 = vector.broadcast %broadcast_in_dim3A_150 : vector<512x1xi32> to vector<512x2048xi32>
    %eq3A_158 = arith.cmpi eq, %iota3A, %eq3A_157 : vector<512x2048xi32>
    %jit3A_159 = arith.constant 0xFF800000 : f32
    %broadcast_in_dim3A_160 = vector.broadcast %jit3A_159 : f32 to vector<512x2048xf32>
    %select_n3A_161 = arith.select %eq3A_158, %broadcast_in_dim3A_160, %select_n3A_148 : vector<512x2048xi1>, vector<512x2048xf32>
    %argmax3A_162 = tpu.reduce_index %select_n3A_161 {axis = 1 : i32, kind = #tpu.reduction_kind<arg_max>} : vector<512x2048xf32> -> vector<512xi32>
    %broadcast_in_dim3A_163 = vector.shape_cast %argmax3A_162 : vector<512xi32> to vector<512x1xi32>
    %eq3A_164 = arith.constant 11 : i32
    %eq3A_165 = vector.broadcast %eq3A_164 : i32 to vector<512x16xi32>
    %eq3A_166 = arith.cmpi eq, %iota3A_17, %eq3A_165 : vector<512x16xi32>
    %broadcast_in_dim3A_167 = vector.shape_cast %broadcast_in_dim3A_163 : vector<512x1xi32> to vector<512x1xi32>
    %broadcast_in_dim3A_168 = vector.broadcast %broadcast_in_dim3A_167 : vector<512x1xi32> to vector<512x16xi32>
    %select_n3A_169 = arith.select %eq3A_166, %broadcast_in_dim3A_168, %select_n3A_156 : vector<512x16xi1>, vector<512x16xi32>
    %eq3A_170 = vector.broadcast %broadcast_in_dim3A_163 : vector<512x1xi32> to vector<512x2048xi32>
    %eq3A_171 = arith.cmpi eq, %iota3A, %eq3A_170 : vector<512x2048xi32>
    %jit3A_172 = arith.constant 0xFF800000 : f32
    %broadcast_in_dim3A_173 = vector.broadcast %jit3A_172 : f32 to vector<512x2048xf32>
    %select_n3A_174 = arith.select %eq3A_171, %broadcast_in_dim3A_173, %select_n3A_161 : vector<512x2048xi1>, vector<512x2048xf32>
    %argmax3A_175 = tpu.reduce_index %select_n3A_174 {axis = 1 : i32, kind = #tpu.reduction_kind<arg_max>} : vector<512x2048xf32> -> vector<512xi32>
    %broadcast_in_dim3A_176 = vector.shape_cast %argmax3A_175 : vector<512xi32> to vector<512x1xi32>
    %eq3A_177 = arith.constant 12 : i32
    %eq3A_178 = vector.broadcast %eq3A_177 : i32 to vector<512x16xi32>
    %eq3A_179 = arith.cmpi eq, %iota3A_17, %eq3A_178 : vector<512x16xi32>
    %broadcast_in_dim3A_180 = vector.shape_cast %broadcast_in_dim3A_176 : vector<512x1xi32> to vector<512x1xi32>
    %broadcast_in_dim3A_181 = vector.broadcast %broadcast_in_dim3A_180 : vector<512x1xi32> to vector<512x16xi32>
    %select_n3A_182 = arith.select %eq3A_179, %broadcast_in_dim3A_181, %select_n3A_169 : vector<512x16xi1>, vector<512x16xi32>
    %eq3A_183 = vector.broadcast %broadcast_in_dim3A_176 : vector<512x1xi32> to vector<512x2048xi32>
    %eq3A_184 = arith.cmpi eq, %iota3A, %eq3A_183 : vector<512x2048xi32>
    %jit3A_185 = arith.constant 0xFF800000 : f32
    %broadcast_in_dim3A_186 = vector.broadcast %jit3A_185 : f32 to vector<512x2048xf32>
    %select_n3A_187 = arith.select %eq3A_184, %broadcast_in_dim3A_186, %select_n3A_174 : vector<512x2048xi1>, vector<512x2048xf32>
    %argmax3A_188 = tpu.reduce_index %select_n3A_187 {axis = 1 : i32, kind = #tpu.reduction_kind<arg_max>} : vector<512x2048xf32> -> vector<512xi32>
    %broadcast_in_dim3A_189 = vector.shape_cast %argmax3A_188 : vector<512xi32> to vector<512x1xi32>
    %eq3A_190 = arith.constant 13 : i32
    %eq3A_191 = vector.broadcast %eq3A_190 : i32 to vector<512x16xi32>
    %eq3A_192 = arith.cmpi eq, %iota3A_17, %eq3A_191 : vector<512x16xi32>
    %broadcast_in_dim3A_193 = vector.shape_cast %broadcast_in_dim3A_189 : vector<512x1xi32> to vector<512x1xi32>
    %broadcast_in_dim3A_194 = vector.broadcast %broadcast_in_dim3A_193 : vector<512x1xi32> to vector<512x16xi32>
    %select_n3A_195 = arith.select %eq3A_192, %broadcast_in_dim3A_194, %select_n3A_182 : vector<512x16xi1>, vector<512x16xi32>
    %eq3A_196 = vector.broadcast %broadcast_in_dim3A_189 : vector<512x1xi32> to vector<512x2048xi32>
    %eq3A_197 = arith.cmpi eq, %iota3A, %eq3A_196 : vector<512x2048xi32>
    %jit3A_198 = arith.constant 0xFF800000 : f32
    %broadcast_in_dim3A_199 = vector.broadcast %jit3A_198 : f32 to vector<512x2048xf32>
    %select_n3A_200 = arith.select %eq3A_197, %broadcast_in_dim3A_199, %select_n3A_187 : vector<512x2048xi1>, vector<512x2048xf32>
    %argmax3A_201 = tpu.reduce_index %select_n3A_200 {axis = 1 : i32, kind = #tpu.reduction_kind<arg_max>} : vector<512x2048xf32> -> vector<512xi32>
    %broadcast_in_dim3A_202 = vector.shape_cast %argmax3A_201 : vector<512xi32> to vector<512x1xi32>
    %eq3A_203 = arith.constant 14 : i32
    %eq3A_204 = vector.broadcast %eq3A_203 : i32 to vector<512x16xi32>
    %eq3A_205 = arith.cmpi eq, %iota3A_17, %eq3A_204 : vector<512x16xi32>
    %broadcast_in_dim3A_206 = vector.shape_cast %broadcast_in_dim3A_202 : vector<512x1xi32> to vector<512x1xi32>
    %broadcast_in_dim3A_207 = vector.broadcast %broadcast_in_dim3A_206 : vector<512x1xi32> to vector<512x16xi32>
    %select_n3A_208 = arith.select %eq3A_205, %broadcast_in_dim3A_207, %select_n3A_195 : vector<512x16xi1>, vector<512x16xi32>
    %eq3A_209 = vector.broadcast %broadcast_in_dim3A_202 : vector<512x1xi32> to vector<512x2048xi32>
    %eq3A_210 = arith.cmpi eq, %iota3A, %eq3A_209 : vector<512x2048xi32>
    %jit3A_211 = arith.constant 0xFF800000 : f32
    %broadcast_in_dim3A_212 = vector.broadcast %jit3A_211 : f32 to vector<512x2048xf32>
    %select_n3A_213 = arith.select %eq3A_210, %broadcast_in_dim3A_212, %select_n3A_200 : vector<512x2048xi1>, vector<512x2048xf32>
    %argmax3A_214 = tpu.reduce_index %select_n3A_213 {axis = 1 : i32, kind = #tpu.reduction_kind<arg_max>} : vector<512x2048xf32> -> vector<512xi32>
    %broadcast_in_dim3A_215 = vector.shape_cast %argmax3A_214 : vector<512xi32> to vector<512x1xi32>
    %eq3A_216 = arith.constant 15 : i32
    %eq3A_217 = vector.broadcast %eq3A_216 : i32 to vector<512x16xi32>
    %eq3A_218 = arith.cmpi eq, %iota3A_17, %eq3A_217 : vector<512x16xi32>
    %broadcast_in_dim3A_219 = vector.shape_cast %broadcast_in_dim3A_215 : vector<512x1xi32> to vector<512x1xi32>
    %broadcast_in_dim3A_220 = vector.broadcast %broadcast_in_dim3A_219 : vector<512x1xi32> to vector<512x16xi32>
    %select_n3A_221 = arith.select %eq3A_218, %broadcast_in_dim3A_220, %select_n3A_208 : vector<512x16xi1>, vector<512x16xi32>
    %swap3A = arith.constant 0 : index
    %swap3A_222 = arith.constant 0 : index
    %swap3A_223 = vector.load %arg3[%swap3A, %swap3A_222] : memref<512x16xi32, #tpu.memory_space<vmem>>, vector<512x16xi32>
    tpu.vector_store %arg3[%swap3A, %swap3A_222], %select_n3A_221 {strides = array<i32>} : memref<512x16xi32, #tpu.memory_space<vmem>>, vector<512x16xi32>,
    return
  }
  func.func @transform_0(%arg0: i32) -> (i32, i32) {
    %c0_i32 = arith.constant 0 : i32
    %c0_i32_0 = arith.constant 0 : i32
    return %arg0, %c0_i32 : i32, i32
  }
  func.func @transform_1(%arg0: i32) -> (i32, i32) {
    %c0_i32 = arith.constant 0 : i32
    %c0_i32_0 = arith.constant 0 : i32
    %c0_i32_1 = arith.constant 0 : i32
    return %c0_i32, %c0_i32_0 : i32, i32
  }
  func.func @transform_2(%arg0: i32) -> (i32, i32) {
    %c0_i32 = arith.constant 0 : i32
    %c0_i32_0 = arith.constant 0 : i32
    return %arg0, %c0_i32 : i32, i32
  }
}

module attributes {stable_mosaic.version = 14 : i64} {
  func.func @_norm_body(%arg0: i32, %arg1: memref<512x2048xf32, #tpu.memory_space<vmem>>, %arg2: memref<512x2048xf32, #tpu.memory_space<vmem>>) attributes {dimension_semantics = [#tpu.dimension_semantics<arbitrary>], iteration_bounds = array<i64: 4>, scalar_prefetch = 0 : i64, scratch_operands = 0 : i64, tpu.core_type = #tpu.core_type<tc>, window_params = [{transform_indices = @transform_0, window_bounds = array<i64: 512, 2048>}, {transform_indices = @transform_1, window_bounds = array<i64: 512, 2048>}]} {
    %get3A = arith.constant 0 : index
    %get3A_0 = arith.constant 0 : index
    %get3A_1 = vector.load %arg1[%get3A, %get3A_0] : memref<512x2048xf32, #tpu.memory_space<vmem>>, vector<512x2048xf32>
    %reduce_sum3A = arith.constant dense<0.000000e+00> : vector<512xf32>
    %reduce_sum3A_2 = vector.multi_reduction <add>, %get3A_1, %reduce_sum3A [1] : vector<512x2048xf32> to vector<512xf32>
    %broadcast_in_dim3A = vector.shape_cast %reduce_sum3A_2 : vector<512xf32> to vector<512x1xf32>
    %div3A = arith.constant 1.000000e+00 : f32
    %div3A_3 = vector.broadcast %div3A : f32 to vector<512x1xf32>
    %div3A_4 = arith.divf %div3A_3, %broadcast_in_dim3A : vector<512x1xf32>
    %mul3A = vector.broadcast %div3A_4 : vector<512x1xf32> to vector<512x2048xf32>
    %mul3A_5 = arith.mulf %get3A_1, %mul3A : vector<512x2048xf32>
    %swap3A = arith.constant 0 : index
    %swap3A_6 = arith.constant 0 : index
    %swap3A_7 = vector.load %arg2[%swap3A, %swap3A_6] : memref<512x2048xf32, #tpu.memory_space<vmem>>, vector<512x2048xf32>
    tpu.vector_store %arg2[%swap3A, %swap3A_6], %mul3A_5 {strides = array<i32>} : memref<512x2048xf32, #tpu.memory_space<vmem>>, vector<512x2048xf32>,
    return
  }
  func.func @transform_0(%arg0: i32) -> (i32, i32) {
    %c0_i32 = arith.constant 0 : i32
    %c0_i32_0 = arith.constant 0 : i32
    return %arg0, %c0_i32 : i32, i32
  }
  func.func @transform_1(%arg0: i32) -> (i32, i32) {
    %c0_i32 = arith.constant 0 : i32
    %c0_i32_0 = arith.constant 0 : i32
    return %arg0, %c0_i32 : i32, i32
  }
}

</mosaic_0001>

<sc_bundles>
// kernel: kernel.5.cloned.1.call-start
scs
__scs_entry_jumppad:
0x0: {  	(pc) =	sbr.rel $0x88, $3  }
0x1: {  	(tag) =	ssettag $0x0;
	lr =	simm.s32 $0x1  }
0x2: {  	[smem:$0x3FA0] =	sst lr;
	_ =	strace $0xD0000000  }
0x3: {  	_ = 	snop  }
0x4: {  	_ = 	snop  }
0x5: {  	_ = 	snop  }
0x6: {  	_ = 	snop  }
0x7: {  	_ = 	snop  }
__scs_overlays_trampoline_lowered:
0x8: {  	[smem:$0x3FAF] =	sst s0  }
0x9: {  	[smem:$0x3FB0] =	sst s1  }
0xa: {  	[smem:$0x3FB1] =	sst s2  }
0xb: {  	[smem:$0x3FB2] =	sst s3  }
0xc: {  	[smem:$0x3FB3] =	sst s4  }
0xd: {  	[smem:$0x3FB4] =	sst s5  }
0xe: {  	[smem:$0x3FB5] =	sst s6  }
0xf: {  	[smem:$0x3FB6] =	sst s7  }
0x10: {  	[smem:$0x3FB7] =	sst s8  }
0x11: {  	[smem:$0x3FB8] =	sst s9;
	s0 =	simm.s32 @!p0 $0x0  }
0x12: {  	s1 =	sld [smem:$0x3F9E];
	s0 =	simm.s32 @p0 $0x1  }
0x13: {  	[smem:$0x3FB9] =	sst s0;
	s0 =	simm.s32 @!p1 $0x0  }
0x14: {  	s2 =	sld [smem:$0x3F9D];
	s0 =	simm.s32 @p1 $0x1  }
0x15: {  	[smem:$0x3FBA] =	sst s0;
	s0 =	simm.s32 @!p2 $0x0  }
0x16: {  	s3 =	sld [smem:$0x3FDB];
	s0 =	simm.s32 @p2 $0x1  }
0x17: {  	s4 =	simm.s32 $0x1BF5;
	[smem:$0x3FBC] =	sst s0  }
0x18: {  	s0 =	sld [smem:$0x3F9F];
	_ =	swait.ge [sflag:s4], $0x0  }
0x19: {  	s7 =	sld [smem:$0x3FA0]  }
0x1a: {  	s8 =	sadd.s32 $0xFFFFE003, lr  }
0x1b: {  	s9 =	sadd.s32 $0xFFFFFEF7, lr;
	s5 =	simm.s32 $0xFFFFFFFF;
	p2 =	slt.u32 s8, $0xFFFFF086  }
0x1c: {  	p1 =	slt.u32 s9, $0xF7A;
	s5 =	simm.s32 @!p2 $0x0  }
0x1d: {  	s5 =	simm.s32 @p1 $0x1;
	p0 =	seq.s32 s7, s2  }
0x1e: {  	s7 =	smul.u32 @!p0 $0xF7A, s2;
	p2 =	seq.s32 @!p0 s5, $0x0  }
0x1f: {  	s9 =	smul.u32 $0xF7A, s1;
	s8 =	simm.s32 @!p0 $0x1BF5;
	p2 =	por !p2, p0  }
0x20: {  	[sflag:s8] =	ssyncset.s32 @!p0 $0xFFFFF086;
	s6 =	sadd.s32 @!p0 s3, s7;
	s7 =	simm.s32 @!p0 $0x108  }
0x21: {  	s3 =	sadd.s32 s3, s9;
	s6 =	sadd.s32 @!p0 $0x88, s6;
	s7 =	simm.s32 @p2 $0x1082  }
0x22: {  	[simem:s7], [sflag:s8] =	dma.local @!p0 [hbm:s6], $0xF7A  }
0x23: {  	s9 =	sor.u32 $0xD0000000, s2;
	s6 =	simm.s32 $0x108;
	_ =	swait.ge @!p0 [sflag:s8], $0x0  }
0x24: {  	s3 =	sadd.s32 $0x88, s3;
	s6 =	simm.s32 @!p1 $0x1082;
	[sflag:s4] =	ssyncset.s32 $0xFFFFF086  }
0x25: {  	[simem:s6], [sflag:s4] =	dma.local [hbm:s3], $0xF7A  }
0x26: {  	[smem:$0x3FA0] =	sst s1;
	(tag) =	ssettag s2;
	_ =	strace s9  }
0x27: {  	s1 =	sld [smem:$0x3FB0]  }
0x28: {  	s2 =	sld [smem:$0x3FB1]  }
0x29: {  	s4 =	sld [smem:$0x3FB3]  }
0x2a: {  	p0 =	seq.s32 s5, $0x0;
	s5 =	sld [smem:$0x3FB4]  }
0x2b: {  	s6 =	sld [smem:$0x3FB5]  }
0x2c: {  	s7 =	sld [smem:$0x3FB6]  }
0x2d: {  	s3 =	simm.s32 $0x108;
	s8 =	sld [smem:$0x3FB7]  }
0x2e: {  	s3 =	simm.s32 @!p0 $0x1082;
	s9 =	sld [smem:$0x3FB8]  }
0x2f: {  	lr =	sadd.s32 s0, s3;
	s0 =	sld [smem:$0x3FAF]  }
0x30: {  	s3 =	sld [smem:$0x3FB2]  }
0x31: {  	[smem:$0x3FBB] =	sst s10  }
0x32: {  	s10 =	sld [smem:$0x3FB9];
	_ =	sdelay $0x3  }
0x33: {  	p0 =	seq.s32 s10, $0x1;
	s10 =	sld [smem:$0x3FBB];
	_ =	sdelay $0x3  }
0x34: {  	[smem:$0x3FBB] =	sst s10  }
0x35: {  	s10 =	sld [smem:$0x3FBA];
	_ =	sdelay $0x3  }
0x36: {  	p1 =	seq.s32 s10, $0x1;
	s10 =	sld [smem:$0x3FBB];
	_ =	sdelay $0x3  }
0x37: {  	[smem:$0x3FBB] =	sst s10  }
0x38: {  	s10 =	sld [smem:$0x3FBC]  }
0x39: {  	_ = 	snop;
	(pc) =	sbr.ind lr, $3  }
0x3a: {  	_ = 	snop  }
0x3b: {  	_ = 	snop  }
0x3c: {  	p2 =	seq.s32 s10, $0x1;
	s10 =	sld [smem:$0x3FBB]  }
0x3d: {  	_ =	shalt  }
0x3e: {  	_ =	shalt  }
0x3f: {  	_ =	shalt  }
0x40: {  	_ =	shalt  }
0x41: {  	_ =	shalt  }
0x42: {  	_ =	shalt  }
0x43: {  	_ =	shalt  }
0x44: {  	_ =	shalt  }
0x45: {  	_ =	shalt  }
0x46: {  	_ =	shalt  }
0x47: {  	_ =	shalt  }
0x48: {  	_ =	shalt  }
0x49: {  	_ =	shalt  }
0x4a: {  	_ =	shalt  }
0x4b: {  	_ =	shalt  }
0x4c: {  	_ =	shalt  }
0x4d: {  	_ =	shalt  }
0x4e: {  	_ =	shalt  }
0x4f: {  	_ =	shalt  }
0x50: {  	_ =	shalt  }
0x51: {  	_ =	shalt  }
0x52: {  	_ =	shalt  }
0x53: {  	_ =	shalt  }
0x54: {  	_ =	shalt  }
0x55: {  	_ =	shalt  }
0x56: {  	_ =	shalt  }
0x57: {  	_ =	shalt  }
0x58: {  	_ =	shalt  }
0x59: {  	_ =	shalt  }
0x5a: {  	_ =	shalt  }
0x5b: {  	_ =	shalt  }
0x5c: {  	_ =	shalt  }
0x5d: {  	_ =	shalt  }
0x5e: {  	_ =	shalt  }
0x5f: {  	_ =	shalt  }
0x60: {  	_ =	shalt  }
0x61: {  	_ =	shalt  }
0x62: {  	_ =	shalt  }
0x63: {  	_ =	shalt  }
0x64: {  	_ =	shalt  }
0x65: {  	_ =	shalt  }
0x66: {  	_ =	shalt  }
0x67: {  	_ =	shalt  }
0x68: {  	_ =	shalt  }
0x69: {  	_ =	shalt  }
0x6a: {  	_ =	shalt  }
0x6b: {  	_ =	shalt  }
0x6c: {  	_ =	shalt  }
0x6d: {  	_ =	shalt  }
0x6e: {  	_ =	shalt  }
0x6f: {  	_ =	shalt  }
0x70: {  	_ =	shalt  }
0x71: {  	_ =	shalt  }
0x72: {  	_ =	shalt  }
0x73: {  	_ =	shalt  }
0x74: {  	_ =	shalt  }
0x75: {  	_ =	shalt  }
0x76: {  	_ =	shalt  }
0x77: {  	_ =	shalt  }
0x78: {  	_ =	shalt  }
0x79: {  	_ =	shalt  }
0x7a: {  	_ =	shalt  }
0x7b: {  	_ =	shalt  }
0x7c: {  	_ =	shalt  }
0x7d: {  	_ =	shalt  }
0x7e: {  	_ =	shalt  }
0x7f: {  	_ =	shalt  }
0x80: {  	_ =	shalt  }
0x81: {  	_ =	shalt  }
0x82: {  	_ =	shalt  }
0x83: {  	_ =	shalt  }
0x84: {  	_ =	shalt  }
0x85: {  	_ =	shalt  }
0x86: {  	_ =	shalt  }
0x87: {  	_ =	shalt  }
.Lfunc_end0:
.L_simem_size_0:
called_computation_lowered:
.L_overlay_start_0:
0x88: {  	s2 =	sld [smem:$0x3FD9]  }
0x89: {  	s3 =	sld [smem:$0x3FFE];
	_ =	sdelay $0x1  }
0x8a: {  	s1 =	srdreg.scid  }
0x8b: {  	s0 =	sand.u32 $0x1, s1  }
0x8c: {  	s15 =	sshll.u32 s0, $0xA;
	s2 =	sadd.s32 s3, s2  }
0x8d: {  	s2 =	sadd.s32 s2, s15  }
0x8e: {  	[smem:$0x3FC7] =	sst s2  }
0x8f: {  	_ = 	snop  }
0x90: {  	s2 =	sld [smem:$0x3FD0];
	_ =	sdelay $0x2  }
0x91: {  	s16 =	simm.s32 $0xA;
	s4 =	simm.s32 $0x10  }
0x92: {  	[smem:s4], [sflag:s16] =	dma.local [hbm:s2], $0x1  }
0x93: {  	_ =	swait.eq [sflag:s16], $0x1  }
0x94: {  	[sflag:s16] =	ssyncset.done $0x0  }
0x95: {  	s17 =	sld [smem:$0x10];
	[sflag:s16] =	ssyncadd.s32 $0xFFFFFFFF  }
0x96: {  	s18 =	sld [smem:$0x11];
	(tm) =	ssettm $0x1  }
0x97: {  	s19 =	sld [smem:$0x3FFB];
	_ =	sdelay $0x3  }
0x98: {  	_ =	strace s19  }
0x99: {  	s4 =	sld [smem:$0x3FFC];
	_ =	sdelay $0x3  }
0x9a: {  	_ =	strace s4  }
0x9b: {  	s4 =	sld [smem:$0x3FFD];
	_ =	sdelay $0x3  }
0x9c: {  	_ =	strace s4  }
0x9d: {  	_ =	strace $0x8FFFFFFF  }
0x9e: {  	s20 =	sld [smem:$0x3FDB];
	_ =	sdelay $0x1  }
0x9f: {  	s5 =	simm.s32 $_scs_section_size  }
0xa0: {  	s6 =	simm.s32 $_size__tile_overlayer_lowered;
	s7 =	simm.s32 $_tile_overlayer_lowered  }
0xa1: {  	s23 =	simm.s32 $0x1BFF;
	s22 =	sshll.u32 s7, $0x1;
	s4 =	sadd.s32 s5, s20  }
0xa2: {  	s8 =	simm.s32 $0x0;
	s21 =	sshll.u32 s6, $0x1;
	s6 =	sadd.s32 s22, s4  }
0xa3: {  	[timem:s8], [sflag:s23] =	dma.local [hbm:s6], s21  }
0xa4: {  	_ =	swait.ge [sflag:s23], s21  }
0xa5: {  	s5 =	ssub.s32 $0x0, s21;
	[sflag:s23] =	ssyncset.done $0x0  }
0xa6: {  	[sflag:s23] =	ssyncadd.s32 s5;
	_ =	sdelay $0x1  }
0xa7: {  	s24 =	simm.s32 $0x1B8B  }
0xa8: {  	_ =	swait.ge [sflag:s24], $0x1  }
0xa9: {  	[sflag:s24] =	ssyncset.done $0x0  }
0xaa: {  	s25 =	simm.s32 $0x1B8E;
	[sflag:s24] =	ssyncadd.s32 $0xFFFFFFFF  }
0xab: {  	s26 =	simm.s32 $execute0_lowered;
	[smem:$0x3FD2] =	sst s25  }
0xac: {  	s5 =	sshll.u32 s26, $0x1;
	_ =	strace $0x80000046;
	[dreg:$0x1] =	wrdreg $0xFFFFFFFF  }
0xad: {  	s28 =	simm.s32 $_size_execute0_lowered;
	s4 =	sadd.s32 s4, s5;
	[dreg:$0x0] =	wrdreg $0x0  }
0xae: {  	s5 =	sshll.u32 s28, $0x1;
	[dreg:$0x2] =	wrdreg s4  }
0xaf: {  	[dreg:$0x3] =	wrdreg s5  }
0xb0: {  	[dreg:$0x4] =	wrdreg $0xC0  }
0xb1: {  	_ =	task [dreg:s8], $0x5FFFF  }
0xb2: {  	[dreg:$0x1] =	wrdreg $0xFFFFFFFF  }
0xb3: {  	[dreg:$0x0] =	wrdreg $0x60  }
0xb4: {  	[dreg:$0x2] =	wrdreg s17  }
0xb5: {  	[dreg:$0x3] =	wrdreg s18  }
0xb6: {  	[dreg:$0x4] =	wrdreg $0x9  }
0xb7: {  	_ =	task.clear_ibuf [dreg:s8], $0x5FFFF;
	_ =	strace $0x90000046  }
0xb8: {  	s29 =	simm.s32 $0x9;
	_ =	strace $0x80000048  }
0xb9: {  	_ =	swait.ge [sflag:s29], $0x1  }
0xba: {  	[sflag:s29] =	ssyncadd.s32 $0xFFFFFFFF  }
0xbb: {  	_ =	strace $0x90000048  }
0xbc: {  	_ =	sfence  }
0xbd: {  	s30 =	sld [smem:$0x0];
	_ =	sdelay $0x2  }
0xbe: {  	s31 =	sshll.u32 s1, $0xD;
	s1 =	sshrl.u32 s1, $0x2  }
0xbf: {  	s3 =	sand.u32 $0x4000, s31;
	s1 =	sadd.s32 s1, s30  }
0xc0: {  	s0 =	sor.u32 s3, s0;
	s1 =	sshll.u32 s1, $0x11  }
0xc1: {  	s0 =	sor.u32 s1, s0  }
0xc2: {  	s0 =	sadd.s32 $0x8F2B, s0  }
0xc3: {  	[sflag:s0] =	ssyncadd.remote.s32 $0x1  }
0xc4: {  	_ =	sfence.sel $0xFFFF  }
0xc5: {  	[dreg:$0x0] =	wrdreg $0xFFFFFFFF;
	(pc) =	sbr.abs _section_cstart, $3  }
0xc6: {  	[dreg:$0x1] =	wrdreg $0xFFFFFFFF  }
0xc7: {  	_ =	task.clear_ibuf [dreg:s8], $0x2FFFF;
	_ =	strace $0x9FFFFFFF  }
0xc8: {  	(tm) =	ssettm $0x7FFFFFFF  }
0xc9: {  	_ =	shalt  }
tec
execute0_lowered:
.L_overlay_start_1:
0x0: {  	(tag) =	ssettag $0x1  }
0x1: {  	s1 =	rddreg [dreg:$0x0]  }
0x2: {  	s5 =	rddreg [dreg:$0x1]  }
0x3: {  	s0 =	rddreg [dreg:$0x2];
	s4 =	srdreg.scid  }
0x4: {  	s3 =	simm.s32 $0x0;
	s2 =	stileid.u32;
	s4 =	sand.u32 $0x1, s4  }
0x5: {  	s7 =	sshll.u32 s2, $0x7;
	[smem:$0x7FF] =	sst s3;
	s10 =	sshll.u32 s2, $0xD  }
0x6: {  	s6 =	ssub.s32 $0x2, s4;
	s8 =	sshll.u32 s4, $0x6;
	_ =	strace $0x80000047  }
0x7: {  	s11 =	sshll.u32 s4, $0xC;
	s9 =	sshrl.u32 s6, $0x1;
	s7 =	sor.u32 s8, s7  }
0x8: {  	s10 =	sor.u32 s11, s10;
	s11 =	simm.s32 $0x0;
	s6 =	ssub.s32 s6, s9  }
0x9: {  	s8 =	sor.u32 $0x20, s7;
	s29 =	sshll.u32 s7, $0x8;
	v0 =	vmov s7;
	s7 =	sadd.s32 $0x40, s7  }
0xa: {  	v5 =	vimm.s32 $0x0;
	s31 =	sor.u32 $0x800, s10;
	s9 =	simm.s32 $0x1;
	s4 =	sadd.s32 s5, s29  }
0xb: {  	vm0 =	vcmask $0x300;
	v3 =	vimm.f32 $0.0e+00;
	s30 =	sshll.u32 s8, $0x8;
	v2 =	vmov s7;
	s6 =	smax.u32 s6, $0x1;
	s7 =	sshrl.u32 s10, $0x2  }
0xc: {  	v4 =	vimm.f32 $1.000000000e+00;
	v5 =	vsel vm0, $0x3, v5;
	v1 =	vmov s8;
	s8 =	sshrl.u32 s31, $0x2;
	s10 =	simm.s32 $0x8000;
	s5 =	sadd.s32 s5, s30  }
.LBB2_1:
0xd: {  	[tilespmem:s3], [sflag:$0x1] =	stream.linear.gather [hbm4b:s1+s3], $0x8000, $0x38;
	[tilespmem:$0x18000] =	vst v63  }
0xe: {  	_ =	swait.ge [sflag:s9], $0x8000  }
0xf: {  	[sflag:s9] =	ssyncset.done $0x0  }
0x10: {  	s12 =	simm.s32 $0x0;
	s13 =	simm.s32 $0x2000;
	[sflag:s9] =	ssyncadd.s32 $0xFFFF8000  }
.LBB2_2:
0x11: {  	p0 =	sne.s32 s13, $0x3E000;
	[tilespmem:s12+$0x87F0] =	vst v3  }
0x12: {  	[tilespmem:s12+$0x8000] =	vst v3  }
0x13: {  	[tilespmem:s12+$0x8010] =	vst v3  }
0x14: {  	[tilespmem:s12+$0x8020] =	vst v3  }
0x15: {  	[tilespmem:s12+$0x8030] =	vst v3  }
0x16: {  	[tilespmem:s12+$0x8040] =	vst v3  }
0x17: {  	[tilespmem:s12+$0x8050] =	vst v3  }
0x18: {  	[tilespmem:s12+$0x8060] =	vst v3  }
0x19: {  	[tilespmem:s12+$0x8070] =	vst v3  }
0x1a: {  	[tilespmem:s12+$0x8080] =	vst v3  }
0x1b: {  	[tilespmem:s12+$0x8090] =	vst v3  }
0x1c: {  	[tilespmem:s12+$0x80A0] =	vst v3  }
0x1d: {  	[tilespmem:s12+$0x80B0] =	vst v3  }
0x1e: {  	[tilespmem:s12+$0x80C0] =	vst v3  }
0x1f: {  	[tilespmem:s12+$0x80D0] =	vst v3  }
0x20: {  	[tilespmem:s12+$0x80E0] =	vst v3  }
0x21: {  	[tilespmem:s12+$0x80F0] =	vst v3  }
0x22: {  	[tilespmem:s12+$0x8100] =	vst v3  }
0x23: {  	[tilespmem:s12+$0x8110] =	vst v3  }
0x24: {  	[tilespmem:s12+$0x8120] =	vst v3  }
0x25: {  	[tilespmem:s12+$0x8130] =	vst v3  }
0x26: {  	[tilespmem:s12+$0x8140] =	vst v3  }
0x27: {  	[tilespmem:s12+$0x8150] =	vst v3  }
0x28: {  	[tilespmem:s12+$0x8160] =	vst v3  }
0x29: {  	[tilespmem:s12+$0x8170] =	vst v3  }
0x2a: {  	[tilespmem:s12+$0x8180] =	vst v3  }
0x2b: {  	[tilespmem:s12+$0x8190] =	vst v3  }
0x2c: {  	[tilespmem:s12+$0x81A0] =	vst v3  }
0x2d: {  	[tilespmem:s12+$0x81B0] =	vst v3  }
0x2e: {  	[tilespmem:s12+$0x81C0] =	vst v3  }
0x2f: {  	[tilespmem:s12+$0x81D0] =	vst v3  }
0x30: {  	[tilespmem:s12+$0x81E0] =	vst v3  }
0x31: {  	[tilespmem:s12+$0x81F0] =	vst v3  }
0x32: {  	[tilespmem:s12+$0x8200] =	vst v3  }
0x33: {  	[tilespmem:s12+$0x8210] =	vst v3  }
0x34: {  	[tilespmem:s12+$0x8220] =	vst v3  }
0x35: {  	[tilespmem:s12+$0x8230] =	vst v3  }
0x36: {  	[tilespmem:s12+$0x8240] =	vst v3  }
0x37: {  	[tilespmem:s12+$0x8250] =	vst v3  }
0x38: {  	[tilespmem:s12+$0x8260] =	vst v3  }
0x39: {  	[tilespmem:s12+$0x8270] =	vst v3  }
0x3a: {  	[tilespmem:s12+$0x8280] =	vst v3  }
0x3b: {  	[tilespmem:s12+$0x8290] =	vst v3  }
0x3c: {  	[tilespmem:s12+$0x82A0] =	vst v3  }
0x3d: {  	[tilespmem:s12+$0x82B0] =	vst v3  }
0x3e: {  	[tilespmem:s12+$0x82C0] =	vst v3  }
0x3f: {  	[tilespmem:s12+$0x82D0] =	vst v3  }
0x40: {  	[tilespmem:s12+$0x82E0] =	vst v3  }
0x41: {  	[tilespmem:s12+$0x82F0] =	vst v3  }
0x42: {  	[tilespmem:s12+$0x8300] =	vst v3  }
0x43: {  	[tilespmem:s12+$0x8310] =	vst v3  }
0x44: {  	[tilespmem:s12+$0x8320] =	vst v3  }
0x45: {  	[tilespmem:s12+$0x8330] =	vst v3  }
0x46: {  	[tilespmem:s12+$0x8340] =	vst v3  }
0x47: {  	[tilespmem:s12+$0x8350] =	vst v3  }
0x48: {  	[tilespmem:s12+$0x8360] =	vst v3  }
0x49: {  	[tilespmem:s12+$0x8370] =	vst v3  }
0x4a: {  	[tilespmem:s12+$0x8380] =	vst v3  }
0x4b: {  	[tilespmem:s12+$0x8390] =	vst v3  }
0x4c: {  	[tilespmem:s12+$0x83A0] =	vst v3  }
0x4d: {  	[tilespmem:s12+$0x83B0] =	vst v3  }
0x4e: {  	[tilespmem:s12+$0x83C0] =	vst v3  }
0x4f: {  	[tilespmem:s12+$0x83D0] =	vst v3  }
0x50: {  	[tilespmem:s12+$0x83E0] =	vst v3  }
0x51: {  	[tilespmem:s12+$0x83F0] =	vst v3  }
0x52: {  	[tilespmem:s12+$0x8400] =	vst v3  }
0x53: {  	[tilespmem:s12+$0x8410] =	vst v3  }
0x54: {  	[tilespmem:s12+$0x8420] =	vst v3  }
0x55: {  	[tilespmem:s12+$0x8430] =	vst v3  }
0x56: {  	[tilespmem:s12+$0x8440] =	vst v3  }
0x57: {  	[tilespmem:s12+$0x8450] =	vst v3  }
0x58: {  	[tilespmem:s12+$0x8460] =	vst v3  }
0x59: {  	[tilespmem:s12+$0x8470] =	vst v3  }
0x5a: {  	[tilespmem:s12+$0x8480] =	vst v3  }
0x5b: {  	[tilespmem:s12+$0x8490] =	vst v3  }
0x5c: {  	[tilespmem:s12+$0x84A0] =	vst v3  }
0x5d: {  	[tilespmem:s12+$0x84B0] =	vst v3  }
0x5e: {  	[tilespmem:s12+$0x84C0] =	vst v3  }
0x5f: {  	[tilespmem:s12+$0x84D0] =	vst v3  }
0x60: {  	[tilespmem:s12+$0x84E0] =	vst v3  }
0x61: {  	[tilespmem:s12+$0x84F0] =	vst v3  }
0x62: {  	[tilespmem:s12+$0x8500] =	vst v3  }
0x63: {  	[tilespmem:s12+$0x8510] =	vst v3  }
0x64: {  	[tilespmem:s12+$0x8520] =	vst v3  }
0x65: {  	[tilespmem:s12+$0x8530] =	vst v3  }
0x66: {  	[tilespmem:s12+$0x8540] =	vst v3  }
0x67: {  	[tilespmem:s12+$0x8550] =	vst v3  }
0x68: {  	[tilespmem:s12+$0x8560] =	vst v3  }
0x69: {  	[tilespmem:s12+$0x8570] =	vst v3  }
0x6a: {  	[tilespmem:s12+$0x8580] =	vst v3  }
0x6b: {  	[tilespmem:s12+$0x8590] =	vst v3  }
0x6c: {  	[tilespmem:s12+$0x85A0] =	vst v3  }
0x6d: {  	[tilespmem:s12+$0x85B0] =	vst v3  }
0x6e: {  	[tilespmem:s12+$0x85C0] =	vst v3  }
0x6f: {  	[tilespmem:s12+$0x85D0] =	vst v3  }
0x70: {  	[tilespmem:s12+$0x85E0] =	vst v3  }
0x71: {  	[tilespmem:s12+$0x85F0] =	vst v3  }
0x72: {  	[tilespmem:s12+$0x8600] =	vst v3  }
0x73: {  	[tilespmem:s12+$0x8610] =	vst v3  }
0x74: {  	[tilespmem:s12+$0x8620] =	vst v3  }
0x75: {  	[tilespmem:s12+$0x8630] =	vst v3  }
0x76: {  	[tilespmem:s12+$0x8640] =	vst v3  }
0x77: {  	[tilespmem:s12+$0x8650] =	vst v3  }
0x78: {  	[tilespmem:s12+$0x8660] =	vst v3  }
0x79: {  	[tilespmem:s12+$0x8670] =	vst v3  }
0x7a: {  	[tilespmem:s12+$0x8680] =	vst v3  }
0x7b: {  	[tilespmem:s12+$0x8690] =	vst v3  }
0x7c: {  	[tilespmem:s12+$0x86A0] =	vst v3  }
0x7d: {  	[tilespmem:s12+$0x86B0] =	vst v3  }
0x7e: {  	[tilespmem:s12+$0x86C0] =	vst v3  }
0x7f: {  	[tilespmem:s12+$0x86D0] =	vst v3  }
0x80: {  	[tilespmem:s12+$0x86E0] =	vst v3  }
0x81: {  	[tilespmem:s12+$0x86F0] =	vst v3  }
0x82: {  	[tilespmem:s12+$0x8700] =	vst v3  }
0x83: {  	[tilespmem:s12+$0x8710] =	vst v3  }
0x84: {  	[tilespmem:s12+$0x8720] =	vst v3  }
0x85: {  	[tilespmem:s12+$0x8730] =	vst v3  }
0x86: {  	[tilespmem:s12+$0x8740] =	vst v3  }
0x87: {  	[tilespmem:s12+$0x8750] =	vst v3  }
0x88: {  	[tilespmem:s12+$0x8760] =	vst v3  }
0x89: {  	[tilespmem:s12+$0x8770] =	vst v3  }
0x8a: {  	[tilespmem:s12+$0x8780] =	vst v3  }
0x8b: {  	[tilespmem:s12+$0x8790] =	vst v3  }
.Ltmp0:
0x8c: {  	[tilespmem:s12+$0x87A0] =	vst v3;
	(pc) =	sbr.rel @p0 .LBB2_2-.Ltmp0, $4  }
0x8d: {  	[tilespmem:s12+$0x87B0] =	vst v3  }
0x8e: {  	[tilespmem:s12+$0x87C0] =	vst v3  }
0x8f: {  	[tilespmem:s12+$0x87D0] =	vst v3  }
0x90: {  	[tilespmem:s12+$0x87E0] =	vst v3;
	s12 =	sshra.s32 s13, $0x2;
	s13 =	sadd.s32 $0x2000, s13  }
0x91: {  	[tilespmem:s12+$0x87F0] =	vst v3  }
0x92: {  	[tilespmem:s12+$0x8000] =	vst v3  }
0x93: {  	[tilespmem:s12+$0x8010] =	vst v3  }
0x94: {  	[tilespmem:s12+$0x8020] =	vst v3  }
0x95: {  	[tilespmem:s12+$0x8030] =	vst v3  }
0x96: {  	[tilespmem:s12+$0x8040] =	vst v3  }
0x97: {  	[tilespmem:s12+$0x8050] =	vst v3  }
0x98: {  	[tilespmem:s12+$0x8060] =	vst v3  }
0x99: {  	[tilespmem:s12+$0x8070] =	vst v3  }
0x9a: {  	[tilespmem:s12+$0x8080] =	vst v3  }
0x9b: {  	[tilespmem:s12+$0x8090] =	vst v3  }
0x9c: {  	[tilespmem:s12+$0x80A0] =	vst v3  }
0x9d: {  	[tilespmem:s12+$0x80B0] =	vst v3  }
0x9e: {  	[tilespmem:s12+$0x80C0] =	vst v3  }
0x9f: {  	[tilespmem:s12+$0x80D0] =	vst v3  }
0xa0: {  	[tilespmem:s12+$0x80E0] =	vst v3  }
0xa1: {  	[tilespmem:s12+$0x80F0] =	vst v3  }
0xa2: {  	[tilespmem:s12+$0x8100] =	vst v3  }
0xa3: {  	[tilespmem:s12+$0x8110] =	vst v3  }
0xa4: {  	[tilespmem:s12+$0x8120] =	vst v3  }
0xa5: {  	[tilespmem:s12+$0x8130] =	vst v3  }
0xa6: {  	[tilespmem:s12+$0x8140] =	vst v3  }
0xa7: {  	[tilespmem:s12+$0x8150] =	vst v3  }
0xa8: {  	[tilespmem:s12+$0x8160] =	vst v3  }
0xa9: {  	[tilespmem:s12+$0x8170] =	vst v3  }
0xaa: {  	[tilespmem:s12+$0x8180] =	vst v3  }
0xab: {  	[tilespmem:s12+$0x8190] =	vst v3  }
0xac: {  	[tilespmem:s12+$0x81A0] =	vst v3  }
0xad: {  	[tilespmem:s12+$0x81B0] =	vst v3  }
0xae: {  	[tilespmem:s12+$0x81C0] =	vst v3  }
0xaf: {  	[tilespmem:s12+$0x81D0] =	vst v3  }
0xb0: {  	[tilespmem:s12+$0x81E0] =	vst v3  }
0xb1: {  	[tilespmem:s12+$0x81F0] =	vst v3  }
0xb2: {  	[tilespmem:s12+$0x8200] =	vst v3  }
0xb3: {  	[tilespmem:s12+$0x8210] =	vst v3  }
0xb4: {  	[tilespmem:s12+$0x8220] =	vst v3  }
0xb5: {  	[tilespmem:s12+$0x8230] =	vst v3  }
0xb6: {  	[tilespmem:s12+$0x8240] =	vst v3  }
0xb7: {  	[tilespmem:s12+$0x8250] =	vst v3  }
0xb8: {  	[tilespmem:s12+$0x8260] =	vst v3  }
0xb9: {  	[tilespmem:s12+$0x8270] =	vst v3  }
0xba: {  	[tilespmem:s12+$0x8280] =	vst v3  }
0xbb: {  	[tilespmem:s12+$0x8290] =	vst v3  }
0xbc: {  	[tilespmem:s12+$0x82A0] =	vst v3  }
0xbd: {  	[tilespmem:s12+$0x82B0] =	vst v3  }
0xbe: {  	[tilespmem:s12+$0x82C0] =	vst v3  }
0xbf: {  	[tilespmem:s12+$0x82D0] =	vst v3  }
0xc0: {  	[tilespmem:s12+$0x82E0] =	vst v3  }
0xc1: {  	[tilespmem:s12+$0x82F0] =	vst v3  }
0xc2: {  	[tilespmem:s12+$0x8300] =	vst v3  }
0xc3: {  	[tilespmem:s12+$0x8310] =	vst v3  }
0xc4: {  	[tilespmem:s12+$0x8320] =	vst v3  }
0xc5: {  	[tilespmem:s12+$0x8330] =	vst v3  }
0xc6: {  	[tilespmem:s12+$0x8340] =	vst v3  }
0xc7: {  	[tilespmem:s12+$0x8350] =	vst v3  }
0xc8: {  	[tilespmem:s12+$0x8360] =	vst v3  }
0xc9: {  	[tilespmem:s12+$0x8370] =	vst v3  }
0xca: {  	[tilespmem:s12+$0x8380] =	vst v3  }
0xcb: {  	[tilespmem:s12+$0x8390] =	vst v3  }
0xcc: {  	[tilespmem:s12+$0x83A0] =	vst v3  }
0xcd: {  	[tilespmem:s12+$0x83B0] =	vst v3  }
0xce: {  	[tilespmem:s12+$0x83C0] =	vst v3  }
0xcf: {  	[tilespmem:s12+$0x83D0] =	vst v3  }
0xd0: {  	[tilespmem:s12+$0x83E0] =	vst v3  }
0xd1: {  	[tilespmem:s12+$0x83F0] =	vst v3  }
0xd2: {  	[tilespmem:s12+$0x8400] =	vst v3  }
0xd3: {  	[tilespmem:s12+$0x8410] =	vst v3  }
0xd4: {  	[tilespmem:s12+$0x8420] =	vst v3  }
0xd5: {  	[tilespmem:s12+$0x8430] =	vst v3  }
0xd6: {  	[tilespmem:s12+$0x8440] =	vst v3  }
0xd7: {  	[tilespmem:s12+$0x8450] =	vst v3  }
0xd8: {  	[tilespmem:s12+$0x8460] =	vst v3  }
0xd9: {  	[tilespmem:s12+$0x8470] =	vst v3  }
0xda: {  	[tilespmem:s12+$0x8480] =	vst v3  }
0xdb: {  	[tilespmem:s12+$0x8490] =	vst v3  }
0xdc: {  	[tilespmem:s12+$0x84A0] =	vst v3  }
0xdd: {  	[tilespmem:s12+$0x84B0] =	vst v3  }
0xde: {  	[tilespmem:s12+$0x84C0] =	vst v3  }
0xdf: {  	[tilespmem:s12+$0x84D0] =	vst v3  }
0xe0: {  	[tilespmem:s12+$0x84E0] =	vst v3  }
0xe1: {  	[tilespmem:s12+$0x84F0] =	vst v3  }
0xe2: {  	[tilespmem:s12+$0x8500] =	vst v3  }
0xe3: {  	[tilespmem:s12+$0x8510] =	vst v3  }
0xe4: {  	[tilespmem:s12+$0x8520] =	vst v3  }
0xe5: {  	[tilespmem:s12+$0x8530] =	vst v3  }
0xe6: {  	[tilespmem:s12+$0x8540] =	vst v3  }
0xe7: {  	[tilespmem:s12+$0x8550] =	vst v3  }
0xe8: {  	[tilespmem:s12+$0x8560] =	vst v3  }
0xe9: {  	[tilespmem:s12+$0x8570] =	vst v3  }
0xea: {  	[tilespmem:s12+$0x8580] =	vst v3  }
0xeb: {  	[tilespmem:s12+$0x8590] =	vst v3  }
0xec: {  	[tilespmem:s12+$0x85A0] =	vst v3  }
0xed: {  	[tilespmem:s12+$0x85B0] =	vst v3  }
0xee: {  	[tilespmem:s12+$0x85C0] =	vst v3  }
0xef: {  	[tilespmem:s12+$0x85D0] =	vst v3  }
0xf0: {  	[tilespmem:s12+$0x85E0] =	vst v3  }
0xf1: {  	[tilespmem:s12+$0x85F0] =	vst v3  }
0xf2: {  	[tilespmem:s12+$0x8600] =	vst v3  }
0xf3: {  	[tilespmem:s12+$0x8610] =	vst v3  }
0xf4: {  	[tilespmem:s12+$0x8620] =	vst v3  }
0xf5: {  	[tilespmem:s12+$0x8630] =	vst v3  }
0xf6: {  	[tilespmem:s12+$0x8640] =	vst v3  }
0xf7: {  	[tilespmem:s12+$0x8650] =	vst v3  }
0xf8: {  	[tilespmem:s12+$0x8660] =	vst v3  }
0xf9: {  	[tilespmem:s12+$0x8670] =	vst v3  }
0xfa: {  	[tilespmem:s12+$0x8680] =	vst v3  }
0xfb: {  	[tilespmem:s12+$0x8690] =	vst v3  }
0xfc: {  	[tilespmem:s12+$0x86A0] =	vst v3  }
0xfd: {  	[tilespmem:s12+$0x86B0] =	vst v3  }
0xfe: {  	[tilespmem:s12+$0x86C0] =	vst v3  }
0xff: {  	[tilespmem:s12+$0x86D0] =	vst v3  }
0x100: {  	[tilespmem:s12+$0x86E0] =	vst v3  }
0x101: {  	[tilespmem:s12+$0x86F0] =	vst v3  }
0x102: {  	[tilespmem:s12+$0x8700] =	vst v3  }
0x103: {  	[tilespmem:s12+$0x8710] =	vst v3  }
0x104: {  	[tilespmem:s12+$0x8720] =	vst v3  }
0x105: {  	[tilespmem:s12+$0x8730] =	vst v3  }
0x106: {  	[tilespmem:s12+$0x8740] =	vst v3  }
0x107: {  	[tilespmem:s12+$0x8750] =	vst v3  }
0x108: {  	[tilespmem:s12+$0x8760] =	vst v3  }
0x109: {  	[tilespmem:s12+$0x8770] =	vst v3  }
0x10a: {  	[tilespmem:s12+$0x8780] =	vst v3  }
0x10b: {  	[tilespmem:s12+$0x8790] =	vst v3  }
0x10c: {  	[tilespmem:s12+$0x87A0] =	vst v3  }
0x10d: {  	[tilespmem:s12+$0x87B0] =	vst v3  }
0x10e: {  	[tilespmem:s12+$0x87C0] =	vst v3  }
0x10f: {  	[tilespmem:s12+$0x87D0] =	vst v3  }
0x110: {  	[tilespmem:s12+$0x87E0] =	vst v3  }
0x111: {  	v7 =	vld [tilespmem:s7+$0x0];
	_ =	sdelay $0x4  }
0x112: {  	s15 =	sadd.s32 $0x10, s7;
	s14 =	simm.s32 $0x0;
	v8 =	vand.u32 $0xFFFFFFF8, v7  }
0x113: {  	v6 =	vld [tilespmem:s15+$0x0];
	v7 =	vand.u32 $0x7, v7;
	v8 =	vadd.s32 s14, v8  }
0x114: {  	v7 =	vor.u32 v7, v8;
	_ =	sdelay $0x2  }
0x115: {  	s13 =	simm.s32 $0x0;
	s12 =	simm.s32 $0x1  }
0x116: {  	s16 =	simm.s32 $0x800;
	s15 =	sadd.s32 $0x10, s15;
	s14 =	simm.s32 $0x2;
	v8 =	vand.u32 $0xFFFFFFF8, v6  }
.LBB2_4:
0x117: {  	p0 =	sne.s32 s14, $0x1F;
	v9 =	vand.u32 $0x7, v6;
	v6 =	vld [tilespmem:s15+$0x0];
	v8 =	vadd.s32 s16, v8;
	[tilespmem:v7+s10+$0x0] =	vst.idx.msk $0xffff, v4;
	s16 =	smov.u32 s14;
	s14 =	sadd.s32 $0x1, s14  }
.Ltmp1:
0x118: {  	v7 =	vor.u32 v9, v8;
	(pc) =	sbr.rel @p0 .LBB2_4-.Ltmp1, $2  }
0x119: {  	_ =	sdelay $0x2  }
0x11a: {  	s15 =	sadd.s32 $0x10, s15;
	s16 =	sshll.u32 s16, $0xB;
	v8 =	vand.u32 $0xFFFFFFF8, v6  }
0x11b: {  	_ =	sdelay $0x3  }
0x11c: {  	v6 =	vand.u32 $0x7, v6;
	v8 =	vadd.s32 s16, v8;
	[tilespmem:v7+s10+$0x0] =	vst.idx.msk $0xffff, v4;
	v7 =	vmov s13  }
0x11d: {  	s26 =	simm.s32 $0x2;
	s15 =	simm.s32 $0x3;
	s28 =	simm.s32 $0x4;
	v6 =	vor.u32 v6, v8;
	v7 =	vshrl.u32 v7, $0x3  }
0x11e: {  	s29 =	simm.s32 $0x5;
	s30 =	simm.s32 $0x6;
	v8 =	vmov s26;
	v10 =	vmov s15;
	v11 =	vmov s28  }
0x11f: {  	v12 =	vmov s29;
	v14 =	vmov s30;
	v8 =	vshrl.u32 v8, $0x3  }
0x120: {  	v12 =	vshrl.u32 v12, $0x3;
	v14 =	vshrl.u32 v14, $0x3;
	v10 =	vshrl.u32 v10, $0x3  }
0x121: {  	v7 =	vshll.u32 v7, v5;
	v8 =	vshll.u32 v8, v5;
	v12 =	vshll.u32 v12, v5  }
0x122: {  	s14 =	simm.s32 $0x40;
	v11 =	vshrl.u32 v11, $0x3;
	v14 =	vshll.u32 v14, v5;
	v10 =	vshll.u32 v10, v5;
	[tilespmem:v6+s10+$0x0] =	vst.idx.msk $0xffff, v4  }
0x123: {  	v11 =	vshll.u32 v11, v5;
	v62 =	vbroadcast v7, $0x0;
	v12 =	vor.u32 $0x5, v12;
	v9 =	vld [tilespmem:s14+$0xFFFFFFC0]  }
0x124: {  	v14 =	vor.u32 $0x6, v14;
	v8 =	vor.u32 $0x2, v8;
	v10 =	vor.u32 $0x3, v10;
	v13 =	vld [tilespmem:s14+$0x30]  }
0x125: {  	v11 =	vor.u32 $0x4, v11;
	v12 =	vbroadcast v12, $0x0;
	v6 =	vmov s12;
	v15 =	vld [tilespmem:s14+$0xFFFFFFD0]  }
0x126: {  	s31 =	simm.s32 $0x7;
	v14 =	vbroadcast v14, $0x0;
	v57 =	vbroadcast v8, $0x0;
	v6 =	vshrl.u32 v6, $0x3;
	v17 =	vld [tilespmem:s14+$0x10]  }
0x127: {  	v8 =	vbroadcast v10, $0x0;
	v18 =	vld [tilespmem:s14+$0x20];
	v16 =	vshll.u32 v6, v5;
	v6 =	vmov s31  }
0x128: {  	v60 =	vbroadcast v11, $0x0;
	v19 =	vld [tilespmem:s14+$0x0];
	v6 =	vor.u32 $0x7, v6;
	v16 =	vor.u32 $0x1, v16  }
0x129: {  	v22 =	vld [tilespmem:s14+$0xFFFFFFF0];
	v6 =	vbroadcast v6, $0x0;
	v16 =	vbroadcast v16, $0x0  }
0x12a: {  	vm0 =	vge.s32 v9, v0;
	vm2 =	vlt.s32 v9, v1;
	vm3 =	vlt.s32 v13, v1  }
0x12b: {  	v20 =	vsub.s32 v13, v0;
	vm5 =	vlt.s32 v15, v1;
	vm6 =	vge.s32 v15, v0  }
0x12c: {  	vm4 =	vge.s32 v17, v0;
	vm1 =	vge.s32 v18, v0;
	vm8 =	vge.s32 v13, v0  }
0x12d: {  	v21 =	vsub.s32 v17, v0;
	v15 =	vsub.s32 v15, v0;
	v23 =	vsub.s32 v19, v0  }
0x12e: {  	v9 =	vsub.s32 v9, v0;
	vm7 =	vlt.s32 v17, v1;
	vm10 =	vlt.s32 v22, v1  }
0x12f: {  	v10 =	vsub.s32 v18, v0;
	vm11 =	vlt.s32 v18, v1;
	v59 =	vsub.s32 v22, v0  }
0x130: {  	vm12 =	vge.s32 v22, v0;
	v20 =	vshll.u32 v20, $0xB;
	vm5 =	vmand vm6, vm5  }
0x131: {  	v13 =	vld [tilespmem:s14+$0xFFFFFFE0];
	vm6 =	vge.s32 v19, v0;
	vm0 =	vmand vm0, vm2;
	v15 =	vshll.u32 v15, $0xB  }
0x132: {  	v21 =	vshll.u32 v21, $0xB;
	v9 =	vshll.u32 v9, $0xB;
	vm2 =	vlt.s32 v19, v1  }
0x133: {  	v10 =	vshll.u32 v10, $0xB;
	v61 =	vshll.u32 v23, $0xB;
	vm7 =	vmand vm4, vm7  }
0x134: {  	vm4 =	vmand vm12, vm10;
	vm3 =	vmand vm8, vm3;
	v15 =	vnsel vm5, $0x0, v15  }
0x135: {  	vm2 =	vmand vm6, vm2;
	vm6 =	vmand vm1, vm11;
	v15 =	vor.u32 v15, v16  }
0x136: {  	vm9 =	vlt.s32 v13, v1;
	v58 =	vsub.s32 v13, v0;
	vm1 =	vge.s32 v13, v0  }
0x137: {  	v7 =	vnsel vm6, $0x0, v10;
	v11 =	vshll.u32 v58, $0xB;
	vm1 =	vmand vm1, vm9  }
0x138: {  	v63 =	vnsel vm7, $0x0, v21;
	v10 =	vnsel vm1, $0x0, v11;
	v11 =	vor.u32 v7, v14  }
0x139: {  	v12 =	vor.u32 v63, v12;
	v7 =	vor.u32 v10, v57;
	v10 =	vnsel vm2, $0x0, v61  }
0x13a: {  	v9 =	vnsel vm0, $0x0, v9;
	v13 =	vshll.u32 v59, $0xB;
	v10 =	vor.u32 v10, v60  }
0x13b: {  	s13 =	simm.s32 $0xC0;
	s12 =	simm.s32 $0x8;
	v9 =	vor.u32 v62, v9;
	v13 =	vnsel vm4, $0x0, v13;
	v14 =	vnsel vm3, $0x0, v20;
	[tilespmem:v15+s10+$0x0] =	vst.idx.msk vm5, v4  }
.LBB2_6:
0x13c: {  	v15 =	vld [tilespmem:s13+$0xFFFFFFC0];
	v16 =	vmov s12;
	s14 =	sadd.s32 $0x1, s12;
	s15 =	sadd.s32 $0x2, s12;
	s16 =	sadd.s32 $0x3, s12;
	v8 =	vor.u32 v13, v8;
	v6 =	vor.u32 v14, v6  }
0x13d: {  	s17 =	sadd.s32 $0x6, s12;
	v13 =	vshrl.u32 v16, $0x3;
	v14 =	vmov s14;
	v16 =	vmov s15;
	s14 =	sadd.s32 $0x4, s12;
	s15 =	sadd.s32 $0x5, s12;
	v17 =	vld [tilespmem:s13+$0x30];
	[tilespmem:v11+s10+$0x0] =	vst.idx.msk vm6, v4  }
0x13e: {  	p0 =	slt.u32 s12, $0x7F8;
	v11 =	vmov s16;
	v18 =	vmov s14;
	v19 =	vmov s15;
	[tilespmem:v12+s10+$0x0] =	vst.idx.msk vm7, v4;
	s14 =	smov.u32 s12;
	s12 =	sadd.s32 $0x8, s12  }
0x13f: {  	v20 =	vmov s17;
	v12 =	vshrl.u32 v14, $0x3;
	v14 =	vshrl.u32 v16, $0x3;
	v16 =	vld [tilespmem:s13+$0x0];
	[tilespmem:v10+s10+$0x0] =	vst.idx.msk vm2, v4  }
0x140: {  	v20 =	vshrl.u32 v20, $0x3;
	v10 =	vshrl.u32 v18, $0x3;
	v19 =	vshrl.u32 v19, $0x3;
	s14 =	sadd.s32 $0x7, s14;
	v18 =	vld [tilespmem:s13+$0x10];
	[tilespmem:v9+s10+$0x0] =	vst.idx.msk vm0, v4  }
0x141: {  	v12 =	vshll.u32 v12, v5;
	v14 =	vshll.u32 v14, v5;
	v21 =	vmov s14;
	v9 =	vld [tilespmem:s13+$0xFFFFFFD0];
	[tilespmem:v6+s10+$0x0] =	vst.idx.msk vm3, v4  }
0x142: {  	v11 =	vshrl.u32 v11, $0x3;
	v6 =	vshll.u32 v19, v5;
	v19 =	vor.u32 $0x7, v21;
	v22 =	vld [tilespmem:s13+$0xFFFFFFF0];
	[tilespmem:v8+s10+$0x0] =	vst.idx.msk vm4, v4  }
0x143: {  	vm0 =	vge.s32 v15, v0;
	v8 =	vor.u32 $0x5, v6;
	v6 =	vbroadcast v19, $0x0;
	v21 =	vld [tilespmem:s13+$0x20];
	[tilespmem:v7+s10+$0x0] =	vst.idx.msk vm1, v4  }
0x144: {  	vm7 =	vlt.s32 v15, v1;
	vm3 =	vlt.s32 v17, v1;
	v19 =	vbroadcast v8, $0x0  }
0x145: {  	v7 =	vor.u32 $0x1, v12;
	v8 =	vshll.u32 v20, v5;
	v12 =	vsub.s32 v17, v0  }
0x146: {  	v7 =	vbroadcast v7, $0x0;
	v20 =	vshll.u32 v12, $0xB;
	vm2 =	vlt.s32 v9, v1  }
0x147: {  	v11 =	vshll.u32 v11, v5;
	v10 =	vshll.u32 v10, v5;
	vm6 =	vge.s32 v9, v0  }
0x148: {  	vm5 =	vge.s32 v17, v0;
	vm4 =	vge.s32 v18, v0;
	vm1 =	vge.s32 v21, v0  }
0x149: {  	v8 =	vor.u32 $0x6, v8;
	v17 =	vsub.s32 v18, v0;
	vm6 =	vmand vm6, vm2;
	v12 =	vld [tilespmem:s13+$0xFFFFFFE0]  }
0x14a: {  	v23 =	vbroadcast v8, $0x0;
	v9 =	vsub.s32 v9, v0;
	vm2 =	vge.s32 v16, v0  }
0x14b: {  	vm0 =	vmand vm0, vm7;
	v8 =	vshll.u32 v9, $0xB;
	v9 =	vsub.s32 v16, v0  }
0x14c: {  	v15 =	vsub.s32 v15, v0;
	v17 =	vshll.u32 v17, $0xB;
	v8 =	vnsel vm6, $0x0, v8  }
0x14d: {  	v14 =	vor.u32 $0x2, v14;
	v11 =	vor.u32 $0x3, v11;
	vm7 =	vlt.s32 v18, v1  }
0x14e: {  	v14 =	vbroadcast v14, $0x0;
	v15 =	vshll.u32 v15, $0xB;
	vm9 =	vlt.s32 v12, v1  }
0x14f: {  	vm10 =	vlt.s32 v16, v1;
	vm8 =	vlt.s32 v22, v1;
	v7 =	vor.u32 v8, v7  }
0x150: {  	v8 =	vbroadcast v11, $0x0;
	v11 =	vsub.s32 v21, v0;
	v16 =	vsub.s32 v12, v0  }
0x151: {  	v10 =	vor.u32 $0x4, v10;
	v15 =	vnsel vm0, $0x0, v15;
	vm11 =	vlt.s32 v21, v1  }
0x152: {  	v10 =	vbroadcast v10, $0x0;
	v18 =	vsub.s32 v22, v0;
	v11 =	vshll.u32 v11, $0xB  }
0x153: {  	v13 =	vshll.u32 v13, v5;
	vm12 =	vge.s32 v22, v0;
	vm2 =	vmand vm2, vm10  }
0x154: {  	v9 =	vshll.u32 v9, $0xB;
	[tilespmem:v7+s10+$0x0] =	vst.idx.msk vm6, v4;
	v7 =	vshll.u32 v16, $0xB;
	vm6 =	vmand vm1, vm11  }
0x155: {  	v13 =	vbroadcast v13, $0x0;
	vm1 =	vge.s32 v12, v0;
	v16 =	vshll.u32 v18, $0xB  }
.Ltmp2:
0x156: {  	vm7 =	vmand vm4, vm7;
	vm1 =	vmand vm1, vm9;
	v11 =	vnsel vm6, $0x0, v11;
	(pc) =	sbr.rel @p0 .LBB2_6-.Ltmp2, $4  }
0x157: {  	v12 =	vnsel vm7, $0x0, v17;
	v7 =	vnsel vm1, $0x0, v7;
	v11 =	vor.u32 v11, v23  }
0x158: {  	v9 =	vnsel vm2, $0x0, v9;
	v12 =	vor.u32 v12, v19;
	v7 =	vor.u32 v7, v14  }
0x159: {  	vm3 =	vmand vm5, vm3;
	vm4 =	vmand vm12, vm8;
	v10 =	vor.u32 v9, v10  }
0x15a: {  	s13 =	sadd.s32 $0x80, s13;
	v9 =	vor.u32 v13, v15;
	v13 =	vnsel vm4, $0x0, v16;
	v14 =	vnsel vm3, $0x0, v20  }
0x15b: {  	_ =	sdelay $0x4  }
0x15c: {  	v6 =	vor.u32 v14, v6;
	[tilespmem:v11+s10+$0x0] =	vst.idx.msk vm6, v4  }
0x15d: {  	v8 =	vor.u32 v13, v8;
	[tilespmem:v12+s10+$0x0] =	vst.idx.msk vm7, v4  }
0x15e: {  	[tilespmem:v10+s10+$0x0] =	vst.idx.msk vm2, v4  }
0x15f: {  	[tilespmem:v9+s10+$0x0] =	vst.idx.msk vm0, v4  }
0x160: {  	[tilespmem:v7+s10+$0x0] =	vst.idx.msk vm1, v4  }
0x161: {  	[tilespmem:v6+s10+$0x0] =	vst.idx.msk vm3, v4  }
0x162: {  	s12 =	simm.s32 $0x0;
	[tilespmem:v8+s10+$0x0] =	vst.idx.msk vm4, v4  }
0x163: {  	[hbm4b:s4+s12] =	stream.linear.scatter [tilespmem:s10], [sflag:$0x1], $0x10000, $0x38;
	[tilespmem:$0x18000] =	vst v63  }
0x164: {  	_ =	swait.ge [sflag:s9], $0x10000  }
0x165: {  	[sflag:s9] =	ssyncset.done $0x0  }
0x166: {  	s13 =	simm.s32 $0x2000;
	s12 =	simm.s32 $0x0;
	[sflag:s9] =	ssyncadd.s32 $0xFFFF0000  }
.LBB2_8:
0x167: {  	p0 =	sne.s32 s13, $0x3E000;
	[tilespmem:s12+$0x87F0] =	vst v3  }
0x168: {  	[tilespmem:s12+$0x8000] =	vst v3  }
0x169: {  	[tilespmem:s12+$0x8010] =	vst v3  }
0x16a: {  	[tilespmem:s12+$0x8020] =	vst v3  }
0x16b: {  	[tilespmem:s12+$0x8030] =	vst v3  }
0x16c: {  	[tilespmem:s12+$0x8040] =	vst v3  }
0x16d: {  	[tilespmem:s12+$0x8050] =	vst v3  }
0x16e: {  	[tilespmem:s12+$0x8060] =	vst v3  }
0x16f: {  	[tilespmem:s12+$0x8070] =	vst v3  }
0x170: {  	[tilespmem:s12+$0x8080] =	vst v3  }
0x171: {  	[tilespmem:s12+$0x8090] =	vst v3  }
0x172: {  	[tilespmem:s12+$0x80A0] =	vst v3  }
0x173: {  	[tilespmem:s12+$0x80B0] =	vst v3  }
0x174: {  	[tilespmem:s12+$0x80C0] =	vst v3  }
0x175: {  	[tilespmem:s12+$0x80D0] =	vst v3  }
0x176: {  	[tilespmem:s12+$0x80E0] =	vst v3  }
0x177: {  	[tilespmem:s12+$0x80F0] =	vst v3  }
0x178: {  	[tilespmem:s12+$0x8100] =	vst v3  }
0x179: {  	[tilespmem:s12+$0x8110] =	vst v3  }
0x17a: {  	[tilespmem:s12+$0x8120] =	vst v3  }
0x17b: {  	[tilespmem:s12+$0x8130] =	vst v3  }
0x17c: {  	[tilespmem:s12+$0x8140] =	vst v3  }
0x17d: {  	[tilespmem:s12+$0x8150] =	vst v3  }
0x17e: {  	[tilespmem:s12+$0x8160] =	vst v3  }
0x17f: {  	[tilespmem:s12+$0x8170] =	vst v3  }
0x180: {  	[tilespmem:s12+$0x8180] =	vst v3  }
0x181: {  	[tilespmem:s12+$0x8190] =	vst v3  }
0x182: {  	[tilespmem:s12+$0x81A0] =	vst v3  }
0x183: {  	[tilespmem:s12+$0x81B0] =	vst v3  }
0x184: {  	[tilespmem:s12+$0x81C0] =	vst v3  }
0x185: {  	[tilespmem:s12+$0x81D0] =	vst v3  }
0x186: {  	[tilespmem:s12+$0x81E0] =	vst v3  }
0x187: {  	[tilespmem:s12+$0x81F0] =	vst v3  }
0x188: {  	[tilespmem:s12+$0x8200] =	vst v3  }
0x189: {  	[tilespmem:s12+$0x8210] =	vst v3  }
0x18a: {  	[tilespmem:s12+$0x8220] =	vst v3  }
0x18b: {  	[tilespmem:s12+$0x8230] =	vst v3  }
0x18c: {  	[tilespmem:s12+$0x8240] =	vst v3  }
0x18d: {  	[tilespmem:s12+$0x8250] =	vst v3  }
0x18e: {  	[tilespmem:s12+$0x8260] =	vst v3  }
0x18f: {  	[tilespmem:s12+$0x8270] =	vst v3  }
0x190: {  	[tilespmem:s12+$0x8280] =	vst v3  }
0x191: {  	[tilespmem:s12+$0x8290] =	vst v3  }
0x192: {  	[tilespmem:s12+$0x82A0] =	vst v3  }
0x193: {  	[tilespmem:s12+$0x82B0] =	vst v3  }
0x194: {  	[tilespmem:s12+$0x82C0] =	vst v3  }
0x195: {  	[tilespmem:s12+$0x82D0] =	vst v3  }
0x196: {  	[tilespmem:s12+$0x82E0] =	vst v3  }
0x197: {  	[tilespmem:s12+$0x82F0] =	vst v3  }
0x198: {  	[tilespmem:s12+$0x8300] =	vst v3  }
0x199: {  	[tilespmem:s12+$0x8310] =	vst v3  }
0x19a: {  	[tilespmem:s12+$0x8320] =	vst v3  }
0x19b: {  	[tilespmem:s12+$0x8330] =	vst v3  }
0x19c: {  	[tilespmem:s12+$0x8340] =	vst v3  }
0x19d: {  	[tilespmem:s12+$0x8350] =	vst v3  }
0x19e: {  	[tilespmem:s12+$0x8360] =	vst v3  }
0x19f: {  	[tilespmem:s12+$0x8370] =	vst v3  }
0x1a0: {  	[tilespmem:s12+$0x8380] =	vst v3  }
0x1a1: {  	[tilespmem:s12+$0x8390] =	vst v3  }
0x1a2: {  	[tilespmem:s12+$0x83A0] =	vst v3  }
0x1a3: {  	[tilespmem:s12+$0x83B0] =	vst v3  }
0x1a4: {  	[tilespmem:s12+$0x83C0] =	vst v3  }
0x1a5: {  	[tilespmem:s12+$0x83D0] =	vst v3  }
0x1a6: {  	[tilespmem:s12+$0x83E0] =	vst v3  }
0x1a7: {  	[tilespmem:s12+$0x83F0] =	vst v3  }
0x1a8: {  	[tilespmem:s12+$0x8400] =	vst v3  }
0x1a9: {  	[tilespmem:s12+$0x8410] =	vst v3  }
0x1aa: {  	[tilespmem:s12+$0x8420] =	vst v3  }
0x1ab: {  	[tilespmem:s12+$0x8430] =	vst v3  }
0x1ac: {  	[tilespmem:s12+$0x8440] =	vst v3  }
0x1ad: {  	[tilespmem:s12+$0x8450] =	vst v3  }
0x1ae: {  	[tilespmem:s12+$0x8460] =	vst v3  }
0x1af: {  	[tilespmem:s12+$0x8470] =	vst v3  }
0x1b0: {  	[tilespmem:s12+$0x8480] =	vst v3  }
0x1b1: {  	[tilespmem:s12+$0x8490] =	vst v3  }
0x1b2: {  	[tilespmem:s12+$0x84A0] =	vst v3  }
0x1b3: {  	[tilespmem:s12+$0x84B0] =	vst v3  }
0x1b4: {  	[tilespmem:s12+$0x84C0] =	vst v3  }
0x1b5: {  	[tilespmem:s12+$0x84D0] =	vst v3  }
0x1b6: {  	[tilespmem:s12+$0x84E0] =	vst v3  }
0x1b7: {  	[tilespmem:s12+$0x84F0] =	vst v3  }
0x1b8: {  	[tilespmem:s12+$0x8500] =	vst v3  }
0x1b9: {  	[tilespmem:s12+$0x8510] =	vst v3  }
0x1ba: {  	[tilespmem:s12+$0x8520] =	vst v3  }
0x1bb: {  	[tilespmem:s12+$0x8530] =	vst v3  }
0x1bc: {  	[tilespmem:s12+$0x8540] =	vst v3  }
0x1bd: {  	[tilespmem:s12+$0x8550] =	vst v3  }
0x1be: {  	[tilespmem:s12+$0x8560] =	vst v3  }
0x1bf: {  	[tilespmem:s12+$0x8570] =	vst v3  }
0x1c0: {  	[tilespmem:s12+$0x8580] =	vst v3  }
0x1c1: {  	[tilespmem:s12+$0x8590] =	vst v3  }
0x1c2: {  	[tilespmem:s12+$0x85A0] =	vst v3  }
0x1c3: {  	[tilespmem:s12+$0x85B0] =	vst v3  }
0x1c4: {  	[tilespmem:s12+$0x85C0] =	vst v3  }
0x1c5: {  	[tilespmem:s12+$0x85D0] =	vst v3  }
0x1c6: {  	[tilespmem:s12+$0x85E0] =	vst v3  }
0x1c7: {  	[tilespmem:s12+$0x85F0] =	vst v3  }
0x1c8: {  	[tilespmem:s12+$0x8600] =	vst v3  }
0x1c9: {  	[tilespmem:s12+$0x8610] =	vst v3  }
0x1ca: {  	[tilespmem:s12+$0x8620] =	vst v3  }
0x1cb: {  	[tilespmem:s12+$0x8630] =	vst v3  }
0x1cc: {  	[tilespmem:s12+$0x8640] =	vst v3  }
0x1cd: {  	[tilespmem:s12+$0x8650] =	vst v3  }
0x1ce: {  	[tilespmem:s12+$0x8660] =	vst v3  }
0x1cf: {  	[tilespmem:s12+$0x8670] =	vst v3  }
0x1d0: {  	[tilespmem:s12+$0x8680] =	vst v3  }
0x1d1: {  	[tilespmem:s12+$0x8690] =	vst v3  }
0x1d2: {  	[tilespmem:s12+$0x86A0] =	vst v3  }
0x1d3: {  	[tilespmem:s12+$0x86B0] =	vst v3  }
0x1d4: {  	[tilespmem:s12+$0x86C0] =	vst v3  }
0x1d5: {  	[tilespmem:s12+$0x86D0] =	vst v3  }
0x1d6: {  	[tilespmem:s12+$0x86E0] =	vst v3  }
0x1d7: {  	[tilespmem:s12+$0x86F0] =	vst v3  }
0x1d8: {  	[tilespmem:s12+$0x8700] =	vst v3  }
0x1d9: {  	[tilespmem:s12+$0x8710] =	vst v3  }
0x1da: {  	[tilespmem:s12+$0x8720] =	vst v3  }
0x1db: {  	[tilespmem:s12+$0x8730] =	vst v3  }
0x1dc: {  	[tilespmem:s12+$0x8740] =	vst v3  }
0x1dd: {  	[tilespmem:s12+$0x8750] =	vst v3  }
0x1de: {  	[tilespmem:s12+$0x8760] =	vst v3  }
0x1df: {  	[tilespmem:s12+$0x8770] =	vst v3  }
0x1e0: {  	[tilespmem:s12+$0x8780] =	vst v3  }
0x1e1: {  	[tilespmem:s12+$0x8790] =	vst v3  }
.Ltmp3:
0x1e2: {  	[tilespmem:s12+$0x87A0] =	vst v3;
	(pc) =	sbr.rel @p0 .LBB2_8-.Ltmp3, $4  }
0x1e3: {  	[tilespmem:s12+$0x87B0] =	vst v3  }
0x1e4: {  	[tilespmem:s12+$0x87C0] =	vst v3  }
0x1e5: {  	[tilespmem:s12+$0x87D0] =	vst v3  }
0x1e6: {  	[tilespmem:s12+$0x87E0] =	vst v3;
	s12 =	sshra.s32 s13, $0x2;
	s13 =	sadd.s32 $0x2000, s13  }
0x1e7: {  	[tilespmem:s12+$0x87F0] =	vst v3  }
0x1e8: {  	[tilespmem:s12+$0x8000] =	vst v3  }
0x1e9: {  	[tilespmem:s12+$0x8010] =	vst v3  }
0x1ea: {  	[tilespmem:s12+$0x8020] =	vst v3  }
0x1eb: {  	[tilespmem:s12+$0x8030] =	vst v3  }
0x1ec: {  	[tilespmem:s12+$0x8040] =	vst v3  }
0x1ed: {  	[tilespmem:s12+$0x8050] =	vst v3  }
0x1ee: {  	[tilespmem:s12+$0x8060] =	vst v3  }
0x1ef: {  	[tilespmem:s12+$0x8070] =	vst v3  }
0x1f0: {  	[tilespmem:s12+$0x8080] =	vst v3  }
0x1f1: {  	[tilespmem:s12+$0x8090] =	vst v3  }
0x1f2: {  	[tilespmem:s12+$0x80A0] =	vst v3  }
0x1f3: {  	[tilespmem:s12+$0x80B0] =	vst v3  }
0x1f4: {  	[tilespmem:s12+$0x80C0] =	vst v3  }
0x1f5: {  	[tilespmem:s12+$0x80D0] =	vst v3  }
0x1f6: {  	[tilespmem:s12+$0x80E0] =	vst v3  }
0x1f7: {  	[tilespmem:s12+$0x80F0] =	vst v3  }
0x1f8: {  	[tilespmem:s12+$0x8100] =	vst v3  }
0x1f9: {  	[tilespmem:s12+$0x8110] =	vst v3  }
0x1fa: {  	[tilespmem:s12+$0x8120] =	vst v3  }
0x1fb: {  	[tilespmem:s12+$0x8130] =	vst v3  }
0x1fc: {  	[tilespmem:s12+$0x8140] =	vst v3  }
0x1fd: {  	[tilespmem:s12+$0x8150] =	vst v3  }
0x1fe: {  	[tilespmem:s12+$0x8160] =	vst v3  }
0x1ff: {  	[tilespmem:s12+$0x8170] =	vst v3  }
0x200: {  	[tilespmem:s12+$0x8180] =	vst v3  }
0x201: {  	[tilespmem:s12+$0x8190] =	vst v3  }
0x202: {  	[tilespmem:s12+$0x81A0] =	vst v3  }
0x203: {  	[tilespmem:s12+$0x81B0] =	vst v3  }
0x204: {  	[tilespmem:s12+$0x81C0] =	vst v3  }
0x205: {  	[tilespmem:s12+$0x81D0] =	vst v3  }
0x206: {  	[tilespmem:s12+$0x81E0] =	vst v3  }
0x207: {  	[tilespmem:s12+$0x81F0] =	vst v3  }
0x208: {  	[tilespmem:s12+$0x8200] =	vst v3  }
0x209: {  	[tilespmem:s12+$0x8210] =	vst v3  }
0x20a: {  	[tilespmem:s12+$0x8220] =	vst v3  }
0x20b: {  	[tilespmem:s12+$0x8230] =	vst v3  }
0x20c: {  	[tilespmem:s12+$0x8240] =	vst v3  }
0x20d: {  	[tilespmem:s12+$0x8250] =	vst v3  }
0x20e: {  	[tilespmem:s12+$0x8260] =	vst v3  }
0x20f: {  	[tilespmem:s12+$0x8270] =	vst v3  }
0x210: {  	[tilespmem:s12+$0x8280] =	vst v3  }
0x211: {  	[tilespmem:s12+$0x8290] =	vst v3  }
0x212: {  	[tilespmem:s12+$0x82A0] =	vst v3  }
0x213: {  	[tilespmem:s12+$0x82B0] =	vst v3  }
0x214: {  	[tilespmem:s12+$0x82C0] =	vst v3  }
0x215: {  	[tilespmem:s12+$0x82D0] =	vst v3  }
0x216: {  	[tilespmem:s12+$0x82E0] =	vst v3  }
0x217: {  	[tilespmem:s12+$0x82F0] =	vst v3  }
0x218: {  	[tilespmem:s12+$0x8300] =	vst v3  }
0x219: {  	[tilespmem:s12+$0x8310] =	vst v3  }
0x21a: {  	[tilespmem:s12+$0x8320] =	vst v3  }
0x21b: {  	[tilespmem:s12+$0x8330] =	vst v3  }
0x21c: {  	[tilespmem:s12+$0x8340] =	vst v3  }
0x21d: {  	[tilespmem:s12+$0x8350] =	vst v3  }
0x21e: {  	[tilespmem:s12+$0x8360] =	vst v3  }
0x21f: {  	[tilespmem:s12+$0x8370] =	vst v3  }
0x220: {  	[tilespmem:s12+$0x8380] =	vst v3  }
0x221: {  	[tilespmem:s12+$0x8390] =	vst v3  }
0x222: {  	[tilespmem:s12+$0x83A0] =	vst v3  }
0x223: {  	[tilespmem:s12+$0x83B0] =	vst v3  }
0x224: {  	[tilespmem:s12+$0x83C0] =	vst v3  }
0x225: {  	[tilespmem:s12+$0x83D0] =	vst v3  }
0x226: {  	[tilespmem:s12+$0x83E0] =	vst v3  }
0x227: {  	[tilespmem:s12+$0x83F0] =	vst v3  }
0x228: {  	[tilespmem:s12+$0x8400] =	vst v3  }
0x229: {  	[tilespmem:s12+$0x8410] =	vst v3  }
0x22a: {  	[tilespmem:s12+$0x8420] =	vst v3  }
0x22b: {  	[tilespmem:s12+$0x8430] =	vst v3  }
0x22c: {  	[tilespmem:s12+$0x8440] =	vst v3  }
0x22d: {  	[tilespmem:s12+$0x8450] =	vst v3  }
0x22e: {  	[tilespmem:s12+$0x8460] =	vst v3  }
0x22f: {  	[tilespmem:s12+$0x8470] =	vst v3  }
0x230: {  	[tilespmem:s12+$0x8480] =	vst v3  }
0x231: {  	[tilespmem:s12+$0x8490] =	vst v3  }
0x232: {  	[tilespmem:s12+$0x84A0] =	vst v3  }
0x233: {  	[tilespmem:s12+$0x84B0] =	vst v3  }
0x234: {  	[tilespmem:s12+$0x84C0] =	vst v3  }
0x235: {  	[tilespmem:s12+$0x84D0] =	vst v3  }
0x236: {  	[tilespmem:s12+$0x84E0] =	vst v3  }
0x237: {  	[tilespmem:s12+$0x84F0] =	vst v3  }
0x238: {  	[tilespmem:s12+$0x8500] =	vst v3  }
0x239: {  	[tilespmem:s12+$0x8510] =	vst v3  }
0x23a: {  	[tilespmem:s12+$0x8520] =	vst v3  }
0x23b: {  	[tilespmem:s12+$0x8530] =	vst v3  }
0x23c: {  	[tilespmem:s12+$0x8540] =	vst v3  }
0x23d: {  	[tilespmem:s12+$0x8550] =	vst v3  }
0x23e: {  	[tilespmem:s12+$0x8560] =	vst v3  }
0x23f: {  	[tilespmem:s12+$0x8570] =	vst v3  }
0x240: {  	[tilespmem:s12+$0x8580] =	vst v3  }
0x241: {  	[tilespmem:s12+$0x8590] =	vst v3  }
0x242: {  	[tilespmem:s12+$0x85A0] =	vst v3  }
0x243: {  	[tilespmem:s12+$0x85B0] =	vst v3  }
0x244: {  	[tilespmem:s12+$0x85C0] =	vst v3  }
0x245: {  	[tilespmem:s12+$0x85D0] =	vst v3  }
0x246: {  	[tilespmem:s12+$0x85E0] =	vst v3  }
0x247: {  	[tilespmem:s12+$0x85F0] =	vst v3  }
0x248: {  	[tilespmem:s12+$0x8600] =	vst v3  }
0x249: {  	[tilespmem:s12+$0x8610] =	vst v3  }
0x24a: {  	[tilespmem:s12+$0x8620] =	vst v3  }
0x24b: {  	[tilespmem:s12+$0x8630] =	vst v3  }
0x24c: {  	[tilespmem:s12+$0x8640] =	vst v3  }
0x24d: {  	[tilespmem:s12+$0x8650] =	vst v3  }
0x24e: {  	[tilespmem:s12+$0x8660] =	vst v3  }
0x24f: {  	[tilespmem:s12+$0x8670] =	vst v3  }
0x250: {  	[tilespmem:s12+$0x8680] =	vst v3  }
0x251: {  	[tilespmem:s12+$0x8690] =	vst v3  }
0x252: {  	[tilespmem:s12+$0x86A0] =	vst v3  }
0x253: {  	[tilespmem:s12+$0x86B0] =	vst v3  }
0x254: {  	[tilespmem:s12+$0x86C0] =	vst v3  }
0x255: {  	[tilespmem:s12+$0x86D0] =	vst v3  }
0x256: {  	[tilespmem:s12+$0x86E0] =	vst v3  }
0x257: {  	[tilespmem:s12+$0x86F0] =	vst v3  }
0x258: {  	[tilespmem:s12+$0x8700] =	vst v3  }
0x259: {  	[tilespmem:s12+$0x8710] =	vst v3  }
0x25a: {  	[tilespmem:s12+$0x8720] =	vst v3  }
0x25b: {  	[tilespmem:s12+$0x8730] =	vst v3  }
0x25c: {  	[tilespmem:s12+$0x8740] =	vst v3  }
0x25d: {  	[tilespmem:s12+$0x8750] =	vst v3  }
0x25e: {  	[tilespmem:s12+$0x8760] =	vst v3  }
0x25f: {  	[tilespmem:s12+$0x8770] =	vst v3  }
0x260: {  	[tilespmem:s12+$0x8780] =	vst v3  }
0x261: {  	[tilespmem:s12+$0x8790] =	vst v3  }
0x262: {  	[tilespmem:s12+$0x87A0] =	vst v3  }
0x263: {  	[tilespmem:s12+$0x87B0] =	vst v3  }
0x264: {  	[tilespmem:s12+$0x87C0] =	vst v3  }
0x265: {  	[tilespmem:s12+$0x87D0] =	vst v3  }
0x266: {  	[tilespmem:s12+$0x87E0] =	vst v3  }
0x267: {  	v7 =	vld [tilespmem:s8+$0x0];
	_ =	sdelay $0x4  }
0x268: {  	s13 =	sadd.s32 $0x10, s8;
	s31 =	simm.s32 $0x0;
	v8 =	vand.u32 $0xFFFFFFF8, v7  }
0x269: {  	v6 =	vld [tilespmem:s13+$0x0];
	v7 =	vand.u32 $0x7, v7;
	v8 =	vadd.s32 s31, v8  }
0x26a: {  	v7 =	vor.u32 v7, v8;
	_ =	sdelay $0x3  }
0x26b: {  	s12 =	simm.s32 $0x2;
	s14 =	simm.s32 $0x800;
	s13 =	sadd.s32 $0x10, s13;
	v8 =	vand.u32 $0xFFFFFFF8, v6  }
.LBB2_10:
0x26c: {  	p0 =	sne.s32 s12, $0x1F;
	v9 =	vand.u32 $0x7, v6;
	v6 =	vld [tilespmem:s13+$0x0];
	v8 =	vadd.s32 s14, v8;
	[tilespmem:v7+s10+$0x0] =	vst.idx.msk $0xffff, v4;
	s14 =	smov.u32 s12;
	s12 =	sadd.s32 $0x1, s12  }
.Ltmp4:
0x26d: {  	v7 =	vor.u32 v9, v8;
	(pc) =	sbr.rel @p0 .LBB2_10-.Ltmp4, $2  }
0x26e: {  	_ =	sdelay $0x2  }
0x26f: {  	s13 =	sadd.s32 $0x10, s13;
	s14 =	sshll.u32 s14, $0xB;
	v8 =	vand.u32 $0xFFFFFFF8, v6  }
0x270: {  	_ =	sdelay $0x2  }
0x271: {  	v6 =	vand.u32 $0x7, v6;
	v8 =	vadd.s32 s14, v8;
	s12 =	simm.s32 $0x0;
	s28 =	simm.s32 $0x2  }
0x272: {  	[tilespmem:v7+s10+$0x0] =	vst.idx.msk $0xffff, v4;
	s15 =	simm.s32 $0x3;
	s29 =	simm.s32 $0x4;
	s30 =	simm.s32 $0x5;
	v6 =	vor.u32 v6, v8;
	v7 =	vmov s12;
	v8 =	vmov s28  }
0x273: {  	s16 =	simm.s32 $0x6;
	v10 =	vmov s15;
	v11 =	vmov s29;
	v12 =	vmov s30  }
0x274: {  	v14 =	vmov s16;
	v8 =	vshrl.u32 v8, $0x3;
	v11 =	vshrl.u32 v11, $0x3  }
0x275: {  	v12 =	vshrl.u32 v12, $0x3;
	v14 =	vshrl.u32 v14, $0x3;
	v10 =	vshrl.u32 v10, $0x3  }
0x276: {  	v8 =	vshll.u32 v8, v5;
	v12 =	vshll.u32 v12, v5;
	v14 =	vshll.u32 v14, v5  }
0x277: {  	s13 =	simm.s32 $0x40;
	v7 =	vshrl.u32 v7, $0x3;
	v10 =	vshll.u32 v10, v5;
	v11 =	vshll.u32 v11, v5;
	[tilespmem:v6+s10+$0x0] =	vst.idx.msk $0xffff, v4  }
0x278: {  	v7 =	vshll.u32 v7, v5;
	v12 =	vor.u32 $0x5, v12;
	v14 =	vor.u32 $0x6, v14;
	v9 =	vld [tilespmem:s13+$0xFFFFFFC0]  }
0x279: {  	s26 =	simm.s32 $0x1;
	v8 =	vor.u32 $0x2, v8;
	v10 =	vor.u32 $0x3, v10;
	v11 =	vor.u32 $0x4, v11;
	v13 =	vld [tilespmem:s13+$0x30]  }
0x27a: {  	v62 =	vbroadcast v7, $0x0;
	v12 =	vbroadcast v12, $0x0;
	v6 =	vmov s26;
	v15 =	vld [tilespmem:s13+$0xFFFFFFD0]  }
0x27b: {  	s31 =	simm.s32 $0x7;
	v14 =	vbroadcast v14, $0x0;
	v57 =	vbroadcast v8, $0x0;
	v6 =	vshrl.u32 v6, $0x3;
	v17 =	vld [tilespmem:s13+$0x10]  }
0x27c: {  	v8 =	vbroadcast v10, $0x0;
	v18 =	vld [tilespmem:s13+$0x20];
	v16 =	vshll.u32 v6, v5;
	v6 =	vmov s31  }
0x27d: {  	v60 =	vbroadcast v11, $0x0;
	v19 =	vld [tilespmem:s13+$0x0];
	v6 =	vor.u32 $0x7, v6;
	v16 =	vor.u32 $0x1, v16  }
0x27e: {  	v22 =	vld [tilespmem:s13+$0xFFFFFFF0];
	v6 =	vbroadcast v6, $0x0;
	v16 =	vbroadcast v16, $0x0  }
0x27f: {  	vm0 =	vge.s32 v9, v1;
	vm2 =	vlt.s32 v9, v2;
	vm3 =	vlt.s32 v13, v2  }
0x280: {  	v20 =	vsub.s32 v13, v1;
	vm5 =	vlt.s32 v15, v2;
	vm6 =	vge.s32 v15, v1  }
0x281: {  	vm4 =	vge.s32 v17, v1;
	vm1 =	vge.s32 v18, v1;
	vm8 =	vge.s32 v13, v1  }
0x282: {  	v21 =	vsub.s32 v17, v1;
	v15 =	vsub.s32 v15, v1;
	v23 =	vsub.s32 v19, v1  }
0x283: {  	v9 =	vsub.s32 v9, v1;
	vm7 =	vlt.s32 v17, v2;
	vm10 =	vlt.s32 v22, v2  }
0x284: {  	v10 =	vsub.s32 v18, v1;
	vm11 =	vlt.s32 v18, v2;
	v59 =	vsub.s32 v22, v1  }
0x285: {  	vm12 =	vge.s32 v22, v1;
	v20 =	vshll.u32 v20, $0xB;
	vm5 =	vmand vm6, vm5  }
0x286: {  	v13 =	vld [tilespmem:s13+$0xFFFFFFE0];
	vm6 =	vge.s32 v19, v1;
	vm0 =	vmand vm0, vm2;
	v15 =	vshll.u32 v15, $0xB  }
0x287: {  	v21 =	vshll.u32 v21, $0xB;
	v9 =	vshll.u32 v9, $0xB;
	vm2 =	vlt.s32 v19, v2  }
0x288: {  	v10 =	vshll.u32 v10, $0xB;
	v61 =	vshll.u32 v23, $0xB;
	vm7 =	vmand vm4, vm7  }
0x289: {  	vm4 =	vmand vm12, vm10;
	vm3 =	vmand vm8, vm3;
	v15 =	vnsel vm5, $0x0, v15  }
0x28a: {  	vm2 =	vmand vm6, vm2;
	vm6 =	vmand vm1, vm11;
	v15 =	vor.u32 v15, v16  }
0x28b: {  	vm9 =	vlt.s32 v13, v2;
	v58 =	vsub.s32 v13, v1;
	vm1 =	vge.s32 v13, v1  }
0x28c: {  	v7 =	vnsel vm6, $0x0, v10;
	v11 =	vshll.u32 v58, $0xB;
	vm1 =	vmand vm1, vm9  }
0x28d: {  	v63 =	vnsel vm7, $0x0, v21;
	v10 =	vnsel vm1, $0x0, v11;
	v11 =	vor.u32 v7, v14  }
0x28e: {  	v12 =	vor.u32 v63, v12;
	v7 =	vor.u32 v10, v57;
	v10 =	vnsel vm2, $0x0, v61  }
0x28f: {  	v9 =	vnsel vm0, $0x0, v9;
	v13 =	vshll.u32 v59, $0xB;
	v10 =	vor.u32 v10, v60  }
0x290: {  	s12 =	simm.s32 $0x8;
	s13 =	simm.s32 $0xC0;
	v9 =	vor.u32 v62, v9;
	v13 =	vnsel vm4, $0x0, v13;
	v14 =	vnsel vm3, $0x0, v20;
	[tilespmem:v15+s10+$0x0] =	vst.idx.msk vm5, v4  }
.LBB2_12:
0x291: {  	v15 =	vld [tilespmem:s13+$0xFFFFFFC0];
	v16 =	vmov s12;
	s14 =	sadd.s32 $0x1, s12;
	s15 =	sadd.s32 $0x2, s12;
	s16 =	sadd.s32 $0x3, s12;
	v8 =	vor.u32 v13, v8;
	v6 =	vor.u32 v14, v6  }
0x292: {  	s17 =	sadd.s32 $0x6, s12;
	v13 =	vshrl.u32 v16, $0x3;
	v14 =	vmov s14;
	v16 =	vmov s15;
	s14 =	sadd.s32 $0x4, s12;
	s15 =	sadd.s32 $0x5, s12;
	v17 =	vld [tilespmem:s13+$0x30];
	[tilespmem:v11+s10+$0x0] =	vst.idx.msk vm6, v4  }
0x293: {  	p0 =	slt.u32 s12, $0x7F8;
	v11 =	vmov s16;
	v18 =	vmov s14;
	v19 =	vmov s15;
	[tilespmem:v12+s10+$0x0] =	vst.idx.msk vm7, v4;
	s14 =	smov.u32 s12;
	s12 =	sadd.s32 $0x8, s12  }
0x294: {  	v20 =	vmov s17;
	v12 =	vshrl.u32 v14, $0x3;
	v14 =	vshrl.u32 v16, $0x3;
	v16 =	vld [tilespmem:s13+$0x0];
	[tilespmem:v10+s10+$0x0] =	vst.idx.msk vm2, v4  }
0x295: {  	v20 =	vshrl.u32 v20, $0x3;
	v10 =	vshrl.u32 v18, $0x3;
	v19 =	vshrl.u32 v19, $0x3;
	s14 =	sadd.s32 $0x7, s14;
	v18 =	vld [tilespmem:s13+$0x10];
	[tilespmem:v9+s10+$0x0] =	vst.idx.msk vm0, v4  }
0x296: {  	v12 =	vshll.u32 v12, v5;
	v14 =	vshll.u32 v14, v5;
	v21 =	vmov s14;
	v9 =	vld [tilespmem:s13+$0xFFFFFFD0];
	[tilespmem:v6+s10+$0x0] =	vst.idx.msk vm3, v4  }
0x297: {  	v11 =	vshrl.u32 v11, $0x3;
	v6 =	vshll.u32 v19, v5;
	v19 =	vor.u32 $0x7, v21;
	v22 =	vld [tilespmem:s13+$0xFFFFFFF0];
	[tilespmem:v8+s10+$0x0] =	vst.idx.msk vm4, v4  }
0x298: {  	vm0 =	vge.s32 v15, v1;
	v8 =	vor.u32 $0x5, v6;
	v6 =	vbroadcast v19, $0x0;
	v21 =	vld [tilespmem:s13+$0x20];
	[tilespmem:v7+s10+$0x0] =	vst.idx.msk vm1, v4  }
0x299: {  	vm7 =	vlt.s32 v15, v2;
	vm3 =	vlt.s32 v17, v2;
	v19 =	vbroadcast v8, $0x0  }
0x29a: {  	v7 =	vor.u32 $0x1, v12;
	v8 =	vshll.u32 v20, v5;
	v12 =	vsub.s32 v17, v1  }
0x29b: {  	v7 =	vbroadcast v7, $0x0;
	v20 =	vshll.u32 v12, $0xB;
	vm2 =	vlt.s32 v9, v2  }
0x29c: {  	v11 =	vshll.u32 v11, v5;
	v10 =	vshll.u32 v10, v5;
	vm6 =	vge.s32 v9, v1  }
0x29d: {  	vm5 =	vge.s32 v17, v1;
	vm4 =	vge.s32 v18, v1;
	vm1 =	vge.s32 v21, v1  }
0x29e: {  	v8 =	vor.u32 $0x6, v8;
	v17 =	vsub.s32 v18, v1;
	vm6 =	vmand vm6, vm2;
	v12 =	vld [tilespmem:s13+$0xFFFFFFE0]  }
0x29f: {  	v23 =	vbroadcast v8, $0x0;
	v9 =	vsub.s32 v9, v1;
	vm2 =	vge.s32 v16, v1  }
0x2a0: {  	vm0 =	vmand vm0, vm7;
	v8 =	vshll.u32 v9, $0xB;
	v9 =	vsub.s32 v16, v1  }
0x2a1: {  	v15 =	vsub.s32 v15, v1;
	v17 =	vshll.u32 v17, $0xB;
	v8 =	vnsel vm6, $0x0, v8  }
0x2a2: {  	v14 =	vor.u32 $0x2, v14;
	v11 =	vor.u32 $0x3, v11;
	vm7 =	vlt.s32 v18, v2  }
0x2a3: {  	v14 =	vbroadcast v14, $0x0;
	v15 =	vshll.u32 v15, $0xB;
	vm9 =	vlt.s32 v12, v2  }
0x2a4: {  	vm10 =	vlt.s32 v16, v2;
	vm8 =	vlt.s32 v22, v2;
	v7 =	vor.u32 v8, v7  }
0x2a5: {  	v8 =	vbroadcast v11, $0x0;
	v11 =	vsub.s32 v21, v1;
	v16 =	vsub.s32 v12, v1  }
0x2a6: {  	v10 =	vor.u32 $0x4, v10;
	v15 =	vnsel vm0, $0x0, v15;
	vm11 =	vlt.s32 v21, v2  }
0x2a7: {  	v10 =	vbroadcast v10, $0x0;
	v18 =	vsub.s32 v22, v1;
	v11 =	vshll.u32 v11, $0xB  }
0x2a8: {  	v13 =	vshll.u32 v13, v5;
	vm12 =	vge.s32 v22, v1;
	vm2 =	vmand vm2, vm10  }
0x2a9: {  	v9 =	vshll.u32 v9, $0xB;
	[tilespmem:v7+s10+$0x0] =	vst.idx.msk vm6, v4;
	v7 =	vshll.u32 v16, $0xB;
	vm6 =	vmand vm1, vm11  }
0x2aa: {  	v13 =	vbroadcast v13, $0x0;
	vm1 =	vge.s32 v12, v1;
	v16 =	vshll.u32 v18, $0xB  }
.Ltmp5:
0x2ab: {  	vm7 =	vmand vm4, vm7;
	vm1 =	vmand vm1, vm9;
	v11 =	vnsel vm6, $0x0, v11;
	(pc) =	sbr.rel @p0 .LBB2_12-.Ltmp5, $4  }
0x2ac: {  	v12 =	vnsel vm7, $0x0, v17;
	v7 =	vnsel vm1, $0x0, v7;
	v11 =	vor.u32 v11, v23  }
0x2ad: {  	v9 =	vnsel vm2, $0x0, v9;
	v12 =	vor.u32 v12, v19;
	v7 =	vor.u32 v7, v14  }
0x2ae: {  	vm3 =	vmand vm5, vm3;
	vm4 =	vmand vm12, vm8;
	v10 =	vor.u32 v9, v10  }
0x2af: {  	s13 =	sadd.s32 $0x80, s13;
	v9 =	vor.u32 v13, v15;
	v13 =	vnsel vm4, $0x0, v16;
	v14 =	vnsel vm3, $0x0, v20  }
0x2b0: {  	_ =	sdelay $0x4  }
0x2b1: {  	v6 =	vor.u32 v14, v6;
	[tilespmem:v11+s10+$0x0] =	vst.idx.msk vm6, v4  }
0x2b2: {  	v8 =	vor.u32 v13, v8;
	[tilespmem:v12+s10+$0x0] =	vst.idx.msk vm7, v4  }
0x2b3: {  	[tilespmem:v10+s10+$0x0] =	vst.idx.msk vm2, v4  }
0x2b4: {  	[tilespmem:v9+s10+$0x0] =	vst.idx.msk vm0, v4  }
0x2b5: {  	[tilespmem:v7+s10+$0x0] =	vst.idx.msk vm1, v4;
	s11 =	sadd.s32 $0x1, s11  }
0x2b6: {  	p0 =	sne.s32 s11, s6;
	[tilespmem:v6+s10+$0x0] =	vst.idx.msk vm3, v4  }
.Ltmp6:
0x2b7: {  	[tilespmem:v8+s10+$0x0] =	vst.idx.msk vm4, v4;
	(pc) =	sbr.rel @p0 .LBB2_1-.Ltmp6, $4  }
0x2b8: {  	[hbm4b:s5+s3] =	stream.linear.scatter [tilespmem:s10], [sflag:$0x1], $0x10000, $0x38;
	[tilespmem:$0x18000] =	vst v63  }
0x2b9: {  	_ =	swait.ge [sflag:s9], $0x10000  }
0x2ba: {  	[sflag:s9] =	ssyncset.done $0x0  }
0x2bb: {  	[sflag:s9] =	ssyncadd.s32 $0xFFFF0000  }
0x2bc: {  	_ =	sfence.sel $0x180000  }
0x2bd: {  	[bflag:$0x0] =	sbarrier.arrive $0xFFFF  }
0x2be: {  	p0 =	sne.s32 s2, $0x0;
	_ =	strace $0x90000047  }
0x2bf: {  	s0 =	sadd.s32 @!p0 $0x100000, s0;
	[bflag:$0x2] =	sbarrier.arrive $0xFFFF  }
0x2c0: {  	[sflag:s0] =	ssyncadd.tile.s32 @!p0 $0x1;
	_ =	shalt  }
.Lfunc_end2:
_tile_overlayer_lowered:
.L_overlay_start_2:
0x2c1: {  	(tag) =	ssettag $0x2  }
0x2c2: {  	s0 =	rddreg [dreg:$0x0];
	s2 =	stileid.u32  }
0x2c3: {  	s1 =	rddreg [dreg:$0x1];
	p0 =	sne.s32 s2, $0x0  }
0x2c4: {  	s3 =	rddreg [dreg:$0x2];
	[bflag:$0x3] =	sbarrier.arrive $0xFFFF;
	s2 =	simm.s32 @!p0 $0x1C01  }
0x2c5: {  	[timem:s3], [sflag:s2] =	dma.local @!p0 [hbm:s0], s1  }
0x2c6: {  	s0 =	simm.s32 @!p0 $0x1  }
0x2c7: {  	_ =	swait.ge @!p0 [sflag:s0], s1  }
0x2c8: {  	s1 =	ssub.s32 @!p0 $0x0, s1;
	[sflag:s0] =	ssyncset.done @!p0 $0x0  }
0x2c9: {  	[sflag:s0] =	ssyncadd.s32 @!p0 s1  }
0x2ca: {  	[bflag:$0x3] =	sbarrier.arrive $0xFFFF  }
0x2cb: {  	_ =	shalt  }

</sc_bundles>
